<compile_context>
chip_gen: v7x
topology: tpu7x:2x2x1
jax: 0.10.2.dev20260603
libtpu: 0.0.44.dev20260713+nightly
codegen_flags: <defaults>
</compile_context>

<pallas_src>
import jax
import jax.numpy as jnp
from jax import lax
from jax.experimental import pallas as pl
from jax.experimental.pallas import tpu as pltpu
from jax.experimental.pallas import tpu_sc as plsc

N = 50000
D = 128
S = 10
EMB = 128
B = 8192

_INFO = plsc.get_sparse_core_info()
_NC = _INFO.num_cores
_NS = _INFO.num_subcores
_NW = _NC * _NS
_B_PER_W = B // _NW
_CHUNK = 128
_NCHUNK = _B_PER_W // _CHUNK


def _sc_gather_kernel(feat_hbm, nodes_hbm, nb_hbm, self_out, nsum_out,
                      nodes_v, nb0_v, nb1_v, nbt0_v, nbt1_v,
                      self0_v, self1_v, nsum0_v, nsum1_v,
                      sem_self0, sem_self1, sem_nb0, sem_nb1,
                      sem_s00, sem_s01, sem_acc0, sem_acc1, sem_out):
  nb_v = (nb0_v, nb1_v)
  nbt_v = (nbt0_v, nbt1_v)
  self_v = (self0_v, self1_v)
  nsum_v = (nsum0_v, nsum1_v)
  sem_self = (sem_self0, sem_self1)
  sem_nb = (sem_nb0, sem_nb1)
  sem_s0 = (sem_s00, sem_s01)
  sem_acc = (sem_acc0, sem_acc1)
  wid = lax.axis_index("s") * _NC + lax.axis_index("c")
  pltpu.sync_copy(nodes_hbm.at[pl.ds(wid * _NCHUNK, _NCHUNK)], nodes_v)
  cp_nb = [pltpu.async_copy(
      nb_hbm.at[pl.ds(wid * _B_PER_W + c * _CHUNK, _CHUNK)], nb_v[c],
      sem_nb[c]) for c in range(_NCHUNK)]
  cp_self = [pltpu.async_copy(feat_hbm.at[nodes_v.at[c]], self_v[c],
                              sem_self[c]) for c in range(_NCHUNK)]
  cps_s0 = []
  for c in range(_NCHUNK):
    cp_nb[c].wait()
    for s in range(S):
      col = jnp.full((16,), s, jnp.int32)
      for g in range(_CHUNK // 16):
        rows = lax.iota(jnp.int32, 16) + jnp.int32(g * 16)
        nbt_v[c][s, pl.ds(g * 16, 16)] = plsc.load_gather(nb_v[c],
                                                          [rows, col])
    cps_s0.append(pltpu.async_copy(feat_hbm.at[nbt_v[c].at[0]], nsum_v[c],
                                   sem_s0[c]))
  cps_acc = []
  for c in range(_NCHUNK):
    cps_s0[c].wait()
    cps_acc.append([pltpu.async_copy(feat_hbm.at[nbt_v[c].at[s]], nsum_v[c],
                                     sem_acc[c], add=True)
                    for s in range(1, S)])
  cps_out = []
  for c in range(_NCHUNK):
    for cp in cps_acc[c]:
      cp.wait()
    cp_self[c].wait()
    base = (wid * _B_PER_W) + c * _CHUNK
    cps_out.append(pltpu.async_copy(
        self_v[c], self_out.at[pl.ds(base, _CHUNK)], sem_out))
    cps_out.append(pltpu.async_copy(
        nsum_v[c], nsum_out.at[pl.ds(base, _CHUNK)], sem_out))
  for cp in cps_out:
    cp.wait()


def _tc_matmul_kernel(x_ref, n_ref, ws_ref, wn_ref, o_ref):
  acc = jnp.dot(x_ref[...], ws_ref[...], preferred_element_type=jnp.float32)
  acc += jnp.dot(n_ref[...], wn_ref[...], preferred_element_type=jnp.float32)
  o_ref[...] = jnp.maximum(acc, 0.0)


_BM = 2048


@jax.jit
def kernel(nodes, feat_data, neigh_idx, W):
  nodes2 = nodes.reshape(B // 128, 128)

  nb = neigh_idx.at[nodes].get(mode="promise_in_bounds")

  mesh = plsc.VectorSubcoreMesh(core_axis_name="c", subcore_axis_name="s")
  sc_gather = pl.kernel(
      _sc_gather_kernel,
      out_type=(jax.ShapeDtypeStruct((B, D), jnp.float32),
                jax.ShapeDtypeStruct((B, D), jnp.float32)),
      mesh=mesh,
      scratch_types=[
          pltpu.VMEM((_NCHUNK, _CHUNK), jnp.int32),
          pltpu.VMEM((_CHUNK, S), jnp.int32),
          pltpu.VMEM((_CHUNK, S), jnp.int32),
          pltpu.VMEM((S, _CHUNK), jnp.int32),
          pltpu.VMEM((S, _CHUNK), jnp.int32),
          pltpu.VMEM((_CHUNK, D), jnp.float32),
          pltpu.VMEM((_CHUNK, D), jnp.float32),
          pltpu.VMEM((_CHUNK, D), jnp.float32),
          pltpu.VMEM((_CHUNK, D), jnp.float32),
      ] + [pltpu.SemaphoreType.DMA] * 9,
      compiler_params=pltpu.CompilerParams(needs_layout_passes=False),
  )
  self_feats, nsum = sc_gather(feat_data, nodes2, nb)

  ws = W[:, :D].T
  wn = W[:, D:].T * jnp.float32(1.0 / S)
  out = pl.pallas_call(
      _tc_matmul_kernel,
      grid=(B // _BM,),
      in_specs=[
          pl.BlockSpec((_BM, D), lambda i: (i, 0)),
          pl.BlockSpec((_BM, D), lambda i: (i, 0)),
          pl.BlockSpec((D, EMB), lambda i: (0, 0)),
          pl.BlockSpec((D, EMB), lambda i: (0, 0)),
      ],
      out_specs=pl.BlockSpec((_BM, EMB), lambda i: (i, 0)),
      out_shape=jax.ShapeDtypeStruct((B, EMB), jnp.float32),
  )(self_feats, nsum, ws, wn)
  return out

# --- scband reference (transcript-rebuilt; emitter-appended) ---
"""Pipeline reference for scband-unsupervised-graph-sage-58806692216987 (READ-ONLY COPY).

The authoritative reference and input builder live on the scoring server;
editing this copy changes nothing except your own understanding.
"""

import jax, jax.numpy as jnp
import numpy as np

N = 50000      # num_nodes
D = 128        # feat_dim
S = 10         # sampled neighbors per node (GraphSAGE encoder fanout)
EMB = 128      # encoder output embedding dim
B = 8192       # batch of seed nodes


def setup_inputs(seed: int = 0) -> dict:
    key = jax.random.key(seed)
    k1, k2, k3, k4 = jax.random.split(key, 4)
    nodes = jax.random.randint(k1, (B,), 0, N)
    # learned / fixed state materialized per init_kwargs
    feat_data = jax.random.normal(k2, (N, D), dtype=jnp.float32)
    # adjacency (pre-sampled neighbor lists, as the GraphSAGE encoder uses)
    neigh_idx = jax.random.randint(k3, (N, S), 0, N)
    # encoder weight: embeds = relu(W @ concat(self_feats, neigh_feats).T)
    W = jax.random.normal(k4, (EMB, 2 * D), dtype=jnp.float32) * 0.05
    return {"nodes": nodes, "feat_data": feat_data, "neigh_idx": neigh_idx, "W": W}


def reference(nodes, feat_data, neigh_idx, W):
    # enc(nodes): classic GraphSAGE mean-aggregator encoder
    self_feats = jnp.take(feat_data, nodes, axis=0)              # [B, D] gather
    nb = jnp.take(neigh_idx, nodes, axis=0)                      # [B, S] gather
    neigh_feats = jnp.mean(jnp.take(feat_data, nb.reshape(-1), axis=0).reshape(B, S, D), axis=1)  # [B, D]
    combined = jnp.concatenate([self_feats, neigh_feats], axis=1)  # [B, 2D]
    embeds = jax.nn.relu(W @ combined.T)                         # [EMB, B]
    # UnsupervisedGraphSage.forward returns embeds.t()
    return embeds.T                                              # [B, EMB]

if __name__ == "__main__":
    import jax
    _d = setup_inputs()
    print(jax.jit(kernel)(*tuple(_d.values())))

</pallas_src>

<mosaic_0001>
#map = affine_map<(d0, d1) -> (0, 0)>
module attributes {stable_mosaic.version = 14 : i64} {
  func.func @_sc_gather_kernel(%arg0: i32, %arg1: i32, %arg2: memref<50000x128xf32, #tpu.memory_space<hbm>>, %arg3: memref<64x128xi32, #tpu.memory_space<hbm>>, %arg4: memref<8192x10xi32, #tpu.memory_space<hbm>>, %arg5: memref<8192x128xf32, #tpu.memory_space<hbm>>, %arg6: memref<8192x128xf32, #tpu.memory_space<hbm>>, %arg7: memref<2x128xi32, #tpu.memory_space<vmem>>, %arg8: memref<128x10xi32, #tpu.memory_space<vmem>>, %arg9: memref<128x10xi32, #tpu.memory_space<vmem>>, %arg10: memref<10x128xi32, #tpu.memory_space<vmem>>, %arg11: memref<10x128xi32, #tpu.memory_space<vmem>>, %arg12: memref<128x128xf32, #tpu.memory_space<vmem>>, %arg13: memref<128x128xf32, #tpu.memory_space<vmem>>, %arg14: memref<128x128xf32, #tpu.memory_space<vmem>>, %arg15: memref<128x128xf32, #tpu.memory_space<vmem>>, %arg16: memref<!tpu.dma_semaphore, #tpu.memory_space<semaphore_mem>>, %arg17: memref<!tpu.dma_semaphore, #tpu.memory_space<semaphore_mem>>, %arg18: memref<!tpu.dma_semaphore, #tpu.memory_space<semaphore_mem>>, %arg19: memref<!tpu.dma_semaphore, #tpu.memory_space<semaphore_mem>>, %arg20: memref<!tpu.dma_semaphore, #tpu.memory_space<semaphore_mem>>, %arg21: memref<!tpu.dma_semaphore, #tpu.memory_space<semaphore_mem>>, %arg22: memref<!tpu.dma_semaphore, #tpu.memory_space<semaphore_mem>>, %arg23: memref<!tpu.dma_semaphore, #tpu.memory_space<semaphore_mem>>, %arg24: memref<!tpu.dma_semaphore, #tpu.memory_space<semaphore_mem>>) attributes {dimension_semantics = [#tpu.dimension_semantics<core_parallel>, #tpu.dimension_semantics<subcore_parallel>], iteration_bounds = array<i64: 2, 16>, scalar_prefetch = 0 : i64, scratch_operands = 18 : i64, tpu.core_type = #tpu.core_type<sc_vector_subcore>, window_params = [{transform_indices = #map}, {transform_indices = #map}, {transform_indices = #map}, {transform_indices = #map}, {transform_indices = #map}]} {
    %mul3A = arith.constant 2 : i32
    %mul3A_0 = arith.muli %arg1, %mul3A : i32
    %add3A = arith.addi %mul3A_0, %arg0 : i32
    %mul3A_1 = arith.constant 2 : i32
    %mul3A_2 = arith.muli %add3A, %mul3A_1 : i32
    "tpu.region"() ({
      %run_scoped3A = tpu.sem_alloc : memref<!tpu.dma_semaphore, #tpu.memory_space<semaphore_mem>>
      %dma_start3A_1849 = arith.constant 0 : i32
      %dma_start3A_1850 = tpu.memref_slice %arg3[%mul3A_2, %dma_start3A_1849] : memref<64x128xi32, #tpu.memory_space<hbm>> -> memref<2x128xi32, #tpu.memory_space<hbm>>
      %dma_start3A_1851 = arith.constant 0 : i32
      %dma_start3A_1852 = tpu.memref_slice %arg3[%mul3A_2, %dma_start3A_1851] : memref<64x128xi32, #tpu.memory_space<hbm>> -> memref<2x128xi32, #tpu.memory_space<hbm>>
      tpu.enqueue_dma source(%dma_start3A_1852 : memref<2x128xi32, #tpu.memory_space<hbm>>) target(%arg7 : memref<2x128xi32, #tpu.memory_space<vmem>>) target_semaphore(%run_scoped3A : memref<!tpu.dma_semaphore, #tpu.memory_space<semaphore_mem>>)
      %dma_wait3A_1853 = arith.constant 0 : i32
      %dma_wait3A_1854 = tpu.memref_slice %arg3[%mul3A_2, %dma_wait3A_1853] : memref<64x128xi32, #tpu.memory_space<hbm>> -> memref<2x128xi32, #tpu.memory_space<hbm>>
      %dma_wait3A_1855 = arith.constant 0 : i32
      %dma_wait3A_1856 = tpu.memref_slice %arg3[%mul3A_2, %dma_wait3A_1855] : memref<64x128xi32, #tpu.memory_space<hbm>> -> memref<2x128xi32, #tpu.memory_space<hbm>>
      tpu.wait_dma2 semaphore(%run_scoped3A : memref<!tpu.dma_semaphore, #tpu.memory_space<semaphore_mem>>) src(%dma_wait3A_1856 : memref<2x128xi32, #tpu.memory_space<hbm>>) dst(%arg7 : memref<2x128xi32, #tpu.memory_space<vmem>>)
      tpu.yield
    }) : () -> ()
    %mul3A_3 = arith.constant 256 : i32
    %mul3A_4 = arith.muli %add3A, %mul3A_3 : i32
    %add3A_5 = arith.constant 0 : i32
    %add3A_6 = arith.addi %mul3A_4, %add3A_5 : i32
    %dma_start3A = arith.constant 0 : i32
    %dma_start3A_7 = tpu.memref_slice %arg4[%add3A_6, %dma_start3A] : memref<8192x10xi32, #tpu.memory_space<hbm>> -> memref<128x10xi32, #tpu.memory_space<hbm>>
    %dma_start3A_8 = arith.constant 0 : i32
    %dma_start3A_9 = tpu.memref_slice %arg4[%add3A_6, %dma_start3A_8] : memref<8192x10xi32, #tpu.memory_space<hbm>> -> memref<128x10xi32, #tpu.memory_space<hbm>>
    tpu.enqueue_dma source(%dma_start3A_9 : memref<128x10xi32, #tpu.memory_space<hbm>>) target(%arg8 : memref<128x10xi32, #tpu.memory_space<vmem>>) target_semaphore(%arg18 : memref<!tpu.dma_semaphore, #tpu.memory_space<semaphore_mem>>)
    %mul3A_10 = arith.constant 256 : i32
    %mul3A_11 = arith.muli %add3A, %mul3A_10 : i32
    %add3A_12 = arith.constant 128 : i32
    %add3A_13 = arith.addi %mul3A_11, %add3A_12 : i32
    %dma_start3A_14 = arith.constant 0 : i32
    %dma_start3A_15 = tpu.memref_slice %arg4[%add3A_13, %dma_start3A_14] : memref<8192x10xi32, #tpu.memory_space<hbm>> -> memref<128x10xi32, #tpu.memory_space<hbm>>
    %dma_start3A_16 = arith.constant 0 : i32
    %dma_start3A_17 = tpu.memref_slice %arg4[%add3A_13, %dma_start3A_16] : memref<8192x10xi32, #tpu.memory_space<hbm>> -> memref<128x10xi32, #tpu.memory_space<hbm>>
    tpu.enqueue_dma source(%dma_start3A_17 : memref<128x10xi32, #tpu.memory_space<hbm>>) target(%arg9 : memref<128x10xi32, #tpu.memory_space<vmem>>) target_semaphore(%arg19 : memref<!tpu.dma_semaphore, #tpu.memory_space<semaphore_mem>>)
    %dma_start3A_18 = arith.constant 0 : i32
    %dma_start3A_19 = arith.constant 0 : i32
    %dma_start3A_20 = tpu.memref_slice %arg7[%dma_start3A_18, %dma_start3A_19] : memref<2x128xi32, #tpu.memory_space<vmem>> -> memref<1x128xi32, #tpu.memory_space<vmem>>
    %dma_start3A_21 = tpu.memref_squeeze %dma_start3A_20 : memref<1x128xi32, #tpu.memory_space<vmem>> -> memref<128xi32, #tpu.memory_space<vmem>>
    %dma_start3A_22 = arith.constant 0 : i32
    %dma_start3A_23 = arith.constant 0 : i32
    %dma_start3A_24 = tpu.memref_slice %arg2[%dma_start3A_22, %dma_start3A_23] : memref<50000x128xf32, #tpu.memory_space<hbm>> -> memref<50000x128xf32, #tpu.memory_space<hbm>>
    tpu.enqueue_indirect_dma source(%dma_start3A_24 : memref<50000x128xf32, #tpu.memory_space<hbm>>) target(%arg12 : memref<128x128xf32, #tpu.memory_space<vmem>>) offsets(%dma_start3A_21 : memref<128xi32, #tpu.memory_space<vmem>>) semaphore(%arg16 : memref<!tpu.dma_semaphore, #tpu.memory_space<semaphore_mem>>)
    %dma_start3A_25 = arith.constant 1 : i32
    %dma_start3A_26 = arith.constant 0 : i32
    %dma_start3A_27 = tpu.memref_slice %arg7[%dma_start3A_25, %dma_start3A_26] : memref<2x128xi32, #tpu.memory_space<vmem>> -> memref<1x128xi32, #tpu.memory_space<vmem>>
    %dma_start3A_28 = tpu.memref_squeeze %dma_start3A_27 : memref<1x128xi32, #tpu.memory_space<vmem>> -> memref<128xi32, #tpu.memory_space<vmem>>
    %dma_start3A_29 = arith.constant 0 : i32
    %dma_start3A_30 = arith.constant 0 : i32
    %dma_start3A_31 = tpu.memref_slice %arg2[%dma_start3A_29, %dma_start3A_30] : memref<50000x128xf32, #tpu.memory_space<hbm>> -> memref<50000x128xf32, #tpu.memory_space<hbm>>
    tpu.enqueue_indirect_dma source(%dma_start3A_31 : memref<50000x128xf32, #tpu.memory_space<hbm>>) target(%arg13 : memref<128x128xf32, #tpu.memory_space<vmem>>) offsets(%dma_start3A_28 : memref<128xi32, #tpu.memory_space<vmem>>) semaphore(%arg17 : memref<!tpu.dma_semaphore, #tpu.memory_space<semaphore_mem>>)
    %dma_wait3A = arith.constant 0 : i32
    %dma_wait3A_32 = tpu.memref_slice %arg4[%add3A_6, %dma_wait3A] : memref<8192x10xi32, #tpu.memory_space<hbm>> -> memref<128x10xi32, #tpu.memory_space<hbm>>
    %dma_wait3A_33 = arith.constant 0 : i32
    %dma_wait3A_34 = tpu.memref_slice %arg4[%add3A_6, %dma_wait3A_33] : memref<8192x10xi32, #tpu.memory_space<hbm>> -> memref<128x10xi32, #tpu.memory_space<hbm>>
    tpu.wait_dma2 semaphore(%arg18 : memref<!tpu.dma_semaphore, #tpu.memory_space<semaphore_mem>>) src(%dma_wait3A_34 : memref<128x10xi32, #tpu.memory_space<hbm>>) dst(%arg8 : memref<128x10xi32, #tpu.memory_space<vmem>>)
    %broadcast_in_dim3A = arith.constant 0 : i32
    %broadcast_in_dim3A_35 = vector.broadcast %broadcast_in_dim3A : i32 to vector<16xi32>
    %iota3A = tpu.iota {dimensions = array<i32: 0>} : vector<16xi32>
    %add3A_36 = arith.constant 0 : i32
    %add3A_37 = vector.broadcast %add3A_36 : i32 to vector<16xi32>
    %add3A_38 = arith.addi %iota3A, %add3A_37 : vector<16xi32>
    %gather3A = tpu.vector_load_idx %arg8[%add3A_38, %broadcast_in_dim3A_35] : memref<128x10xi32, #tpu.memory_space<vmem>>[vector<16xi32>, vector<16xi32>], vector<16xi32>,
    %swap3A = arith.constant 0 : i32
    %swap3A_39 = arith.index_cast %swap3A : i32 to index
    %swap3A_40 = arith.constant 0 : index
    %swap3A_41 = tpu.vector_load %arg10[%swap3A_39, %swap3A_40] {strides = array<i32>} : memref<10x128xi32, #tpu.memory_space<vmem>>, vector<16xi32>,
    tpu.vector_store %arg10[%swap3A_39, %swap3A_40], %gather3A {strides = array<i32>} : memref<10x128xi32, #tpu.memory_space<vmem>>, vector<16xi32>,
    %iota3A_42 = tpu.iota {dimensions = array<i32: 0>} : vector<16xi32>
    %add3A_43 = arith.constant 16 : i32
    %add3A_44 = vector.broadcast %add3A_43 : i32 to vector<16xi32>
    %add3A_45 = arith.addi %iota3A_42, %add3A_44 : vector<16xi32>
    %gather3A_46 = tpu.vector_load_idx %arg8[%add3A_45, %broadcast_in_dim3A_35] : memref<128x10xi32, #tpu.memory_space<vmem>>[vector<16xi32>, vector<16xi32>], vector<16xi32>,
    %swap3A_47 = arith.constant 0 : i32
    %swap3A_48 = arith.index_cast %swap3A_47 : i32 to index
    %swap3A_49 = arith.constant 16 : index
    %swap3A_50 = tpu.vector_load %arg10[%swap3A_48, %swap3A_49] {strides = array<i32>} : memref<10x128xi32, #tpu.memory_space<vmem>>, vector<16xi32>,
    tpu.vector_store %arg10[%swap3A_48, %swap3A_49], %gather3A_46 {strides = array<i32>} : memref<10x128xi32, #tpu.memory_space<vmem>>, vector<16xi32>,
    %iota3A_51 = tpu.iota {dimensions = array<i32: 0>} : vector<16xi32>
    %add3A_52 = arith.constant 32 : i32
    %add3A_53 = vector.broadcast %add3A_52 : i32 to vector<16xi32>
    %add3A_54 = arith.addi %iota3A_51, %add3A_53 : vector<16xi32>
    %gather3A_55 = tpu.vector_load_idx %arg8[%add3A_54, %broadcast_in_dim3A_35] : memref<128x10xi32, #tpu.memory_space<vmem>>[vector<16xi32>, vector<16xi32>], vector<16xi32>,
    %swap3A_56 = arith.constant 0 : i32
    %swap3A_57 = arith.index_cast %swap3A_56 : i32 to index
    %swap3A_58 = arith.constant 32 : index
    %swap3A_59 = tpu.vector_load %arg10[%swap3A_57, %swap3A_58] {strides = array<i32>} : memref<10x128xi32, #tpu.memory_space<vmem>>, vector<16xi32>,
    tpu.vector_store %arg10[%swap3A_57, %swap3A_58], %gather3A_55 {strides = array<i32>} : memref<10x128xi32, #tpu.memory_space<vmem>>, vector<16xi32>,
    %iota3A_60 = tpu.iota {dimensions = array<i32: 0>} : vector<16xi32>
    %add3A_61 = arith.constant 48 : i32
    %add3A_62 = vector.broadcast %add3A_61 : i32 to vector<16xi32>
    %add3A_63 = arith.addi %iota3A_60, %add3A_62 : vector<16xi32>
    %gather3A_64 = tpu.vector_load_idx %arg8[%add3A_63, %broadcast_in_dim3A_35] : memref<128x10xi32, #tpu.memory_space<vmem>>[vector<16xi32>, vector<16xi32>], vector<16xi32>,
    %swap3A_65 = arith.constant 0 : i32
    %swap3A_66 = arith.index_cast %swap3A_65 : i32 to index
    %swap3A_67 = arith.constant 48 : index
    %swap3A_68 = tpu.vector_load %arg10[%swap3A_66, %swap3A_67] {strides = array<i32>} : memref<10x128xi32, #tpu.memory_space<vmem>>, vector<16xi32>,
    tpu.vector_store %arg10[%swap3A_66, %swap3A_67], %gather3A_64 {strides = array<i32>} : memref<10x128xi32, #tpu.memory_space<vmem>>, vector<16xi32>,
    %iota3A_69 = tpu.iota {dimensions = array<i32: 0>} : vector<16xi32>
    %add3A_70 = arith.constant 64 : i32
    %add3A_71 = vector.broadcast %add3A_70 : i32 to vector<16xi32>
    %add3A_72 = arith.addi %iota3A_69, %add3A_71 : vector<16xi32>
    %gather3A_73 = tpu.vector_load_idx %arg8[%add3A_72, %broadcast_in_dim3A_35] : memref<128x10xi32, #tpu.memory_space<vmem>>[vector<16xi32>, vector<16xi32>], vector<16xi32>,
    %swap3A_74 = arith.constant 0 : i32
    %swap3A_75 = arith.index_cast %swap3A_74 : i32 to index
    %swap3A_76 = arith.constant 64 : index
    %swap3A_77 = tpu.vector_load %arg10[%swap3A_75, %swap3A_76] {strides = array<i32>} : memref<10x128xi32, #tpu.memory_space<vmem>>, vector<16xi32>,
    tpu.vector_store %arg10[%swap3A_75, %swap3A_76], %gather3A_73 {strides = array<i32>} : memref<10x128xi32, #tpu.memory_space<vmem>>, vector<16xi32>,
    %iota3A_78 = tpu.iota {dimensions = array<i32: 0>} : vector<16xi32>
    %add3A_79 = arith.constant 80 : i32
    %add3A_80 = vector.broadcast %add3A_79 : i32 to vector<16xi32>
    %add3A_81 = arith.addi %iota3A_78, %add3A_80 : vector<16xi32>
    %gather3A_82 = tpu.vector_load_idx %arg8[%add3A_81, %broadcast_in_dim3A_35] : memref<128x10xi32, #tpu.memory_space<vmem>>[vector<16xi32>, vector<16xi32>], vector<16xi32>,
    %swap3A_83 = arith.constant 0 : i32
    %swap3A_84 = arith.index_cast %swap3A_83 : i32 to index
    %swap3A_85 = arith.constant 80 : index
    %swap3A_86 = tpu.vector_load %arg10[%swap3A_84, %swap3A_85] {strides = array<i32>} : memref<10x128xi32, #tpu.memory_space<vmem>>, vector<16xi32>,
    tpu.vector_store %arg10[%swap3A_84, %swap3A_85], %gather3A_82 {strides = array<i32>} : memref<10x128xi32, #tpu.memory_space<vmem>>, vector<16xi32>,
    %iota3A_87 = tpu.iota {dimensions = array<i32: 0>} : vector<16xi32>
    %add3A_88 = arith.constant 96 : i32
    %add3A_89 = vector.broadcast %add3A_88 : i32 to vector<16xi32>
    %add3A_90 = arith.addi %iota3A_87, %add3A_89 : vector<16xi32>
    %gather3A_91 = tpu.vector_load_idx %arg8[%add3A_90, %broadcast_in_dim3A_35] : memref<128x10xi32, #tpu.memory_space<vmem>>[vector<16xi32>, vector<16xi32>], vector<16xi32>,
    %swap3A_92 = arith.constant 0 : i32
    %swap3A_93 = arith.index_cast %swap3A_92 : i32 to index
    %swap3A_94 = arith.constant 96 : index
    %swap3A_95 = tpu.vector_load %arg10[%swap3A_93, %swap3A_94] {strides = array<i32>} : memref<10x128xi32, #tpu.memory_space<vmem>>, vector<16xi32>,
    tpu.vector_store %arg10[%swap3A_93, %swap3A_94], %gather3A_91 {strides = array<i32>} : memref<10x128xi32, #tpu.memory_space<vmem>>, vector<16xi32>,
    %iota3A_96 = tpu.iota {dimensions = array<i32: 0>} : vector<16xi32>
    %add3A_97 = arith.constant 112 : i32
    %add3A_98 = vector.broadcast %add3A_97 : i32 to vector<16xi32>
    %add3A_99 = arith.addi %iota3A_96, %add3A_98 : vector<16xi32>
    %gather3A_100 = tpu.vector_load_idx %arg8[%add3A_99, %broadcast_in_dim3A_35] : memref<128x10xi32, #tpu.memory_space<vmem>>[vector<16xi32>, vector<16xi32>], vector<16xi32>,
    %swap3A_101 = arith.constant 0 : i32
    %swap3A_102 = arith.index_cast %swap3A_101 : i32 to index
    %swap3A_103 = arith.constant 112 : index
    %swap3A_104 = tpu.vector_load %arg10[%swap3A_102, %swap3A_103] {strides = array<i32>} : memref<10x128xi32, #tpu.memory_space<vmem>>, vector<16xi32>,
    tpu.vector_store %arg10[%swap3A_102, %swap3A_103], %gather3A_100 {strides = array<i32>} : memref<10x128xi32, #tpu.memory_space<vmem>>, vector<16xi32>,
    %broadcast_in_dim3A_105 = arith.constant 1 : i32
    %broadcast_in_dim3A_106 = vector.broadcast %broadcast_in_dim3A_105 : i32 to vector<16xi32>
    %iota3A_107 = tpu.iota {dimensions = array<i32: 0>} : vector<16xi32>
    %add3A_108 = arith.constant 0 : i32
    %add3A_109 = vector.broadcast %add3A_108 : i32 to vector<16xi32>
    %add3A_110 = arith.addi %iota3A_107, %add3A_109 : vector<16xi32>
    %gather3A_111 = tpu.vector_load_idx %arg8[%add3A_110, %broadcast_in_dim3A_106] : memref<128x10xi32, #tpu.memory_space<vmem>>[vector<16xi32>, vector<16xi32>], vector<16xi32>,
    %swap3A_112 = arith.constant 1 : i32
    %swap3A_113 = arith.index_cast %swap3A_112 : i32 to index
    %swap3A_114 = arith.constant 0 : index
    %swap3A_115 = tpu.vector_load %arg10[%swap3A_113, %swap3A_114] {strides = array<i32>} : memref<10x128xi32, #tpu.memory_space<vmem>>, vector<16xi32>,
    tpu.vector_store %arg10[%swap3A_113, %swap3A_114], %gather3A_111 {strides = array<i32>} : memref<10x128xi32, #tpu.memory_space<vmem>>, vector<16xi32>,
    %iota3A_116 = tpu.iota {dimensions = array<i32: 0>} : vector<16xi32>
    %add3A_117 = arith.constant 16 : i32
    %add3A_118 = vector.broadcast %add3A_117 : i32 to vector<16xi32>
    %add3A_119 = arith.addi %iota3A_116, %add3A_118 : vector<16xi32>
    %gather3A_120 = tpu.vector_load_idx %arg8[%add3A_119, %broadcast_in_dim3A_106] : memref<128x10xi32, #tpu.memory_space<vmem>>[vector<16xi32>, vector<16xi32>], vector<16xi32>,
    %swap3A_121 = arith.constant 1 : i32
    %swap3A_122 = arith.index_cast %swap3A_121 : i32 to index
    %swap3A_123 = arith.constant 16 : index
    %swap3A_124 = tpu.vector_load %arg10[%swap3A_122, %swap3A_123] {strides = array<i32>} : memref<10x128xi32, #tpu.memory_space<vmem>>, vector<16xi32>,
    tpu.vector_store %arg10[%swap3A_122, %swap3A_123], %gather3A_120 {strides = array<i32>} : memref<10x128xi32, #tpu.memory_space<vmem>>, vector<16xi32>,
    %iota3A_125 = tpu.iota {dimensions = array<i32: 0>} : vector<16xi32>
    %add3A_126 = arith.constant 32 : i32
    %add3A_127 = vector.broadcast %add3A_126 : i32 to vector<16xi32>
    %add3A_128 = arith.addi %iota3A_125, %add3A_127 : vector<16xi32>
    %gather3A_129 = tpu.vector_load_idx %arg8[%add3A_128, %broadcast_in_dim3A_106] : memref<128x10xi32, #tpu.memory_space<vmem>>[vector<16xi32>, vector<16xi32>], vector<16xi32>,
    %swap3A_130 = arith.constant 1 : i32
    %swap3A_131 = arith.index_cast %swap3A_130 : i32 to index
    %swap3A_132 = arith.constant 32 : index
    %swap3A_133 = tpu.vector_load %arg10[%swap3A_131, %swap3A_132] {strides = array<i32>} : memref<10x128xi32, #tpu.memory_space<vmem>>, vector<16xi32>,
    tpu.vector_store %arg10[%swap3A_131, %swap3A_132], %gather3A_129 {strides = array<i32>} : memref<10x128xi32, #tpu.memory_space<vmem>>, vector<16xi32>,
    %iota3A_134 = tpu.iota {dimensions = array<i32: 0>} : vector<16xi32>
    %add3A_135 = arith.constant 48 : i32
    %add3A_136 = vector.broadcast %add3A_135 : i32 to vector<16xi32>
    %add3A_137 = arith.addi %iota3A_134, %add3A_136 : vector<16xi32>
    %gather3A_138 = tpu.vector_load_idx %arg8[%add3A_137, %broadcast_in_dim3A_106] : memref<128x10xi32, #tpu.memory_space<vmem>>[vector<16xi32>, vector<16xi32>], vector<16xi32>,
    %swap3A_139 = arith.constant 1 : i32
    %swap3A_140 = arith.index_cast %swap3A_139 : i32 to index
    %swap3A_141 = arith.constant 48 : index
    %swap3A_142 = tpu.vector_load %arg10[%swap3A_140, %swap3A_141] {strides = array<i32>} : memref<10x128xi32, #tpu.memory_space<vmem>>, vector<16xi32>,
    tpu.vector_store %arg10[%swap3A_140, %swap3A_141], %gather3A_138 {strides = array<i32>} : memref<10x128xi32, #tpu.memory_space<vmem>>, vector<16xi32>,
    %iota3A_143 = tpu.iota {dimensions = array<i32: 0>} : vector<16xi32>
    %add3A_144 = arith.constant 64 : i32
    %add3A_145 = vector.broadcast %add3A_144 : i32 to vector<16xi32>
    %add3A_146 = arith.addi %iota3A_143, %add3A_145 : vector<16xi32>
    %gather3A_147 = tpu.vector_load_idx %arg8[%add3A_146, %broadcast_in_dim3A_106] : memref<128x10xi32, #tpu.memory_space<vmem>>[vector<16xi32>, vector<16xi32>], vector<16xi32>,
    %swap3A_148 = arith.constant 1 : i32
    %swap3A_149 = arith.index_cast %swap3A_148 : i32 to index
    %swap3A_150 = arith.constant 64 : index
    %swap3A_151 = tpu.vector_load %arg10[%swap3A_149, %swap3A_150] {strides = array<i32>} : memref<10x128xi32, #tpu.memory_space<vmem>>, vector<16xi32>,
    tpu.vector_store %arg10[%swap3A_149, %swap3A_150], %gather3A_147 {strides = array<i32>} : memref<10x128xi32, #tpu.memory_space<vmem>>, vector<16xi32>,
    %iota3A_152 = tpu.iota {dimensions = array<i32: 0>} : vector<16xi32>
    %add3A_153 = arith.constant 80 : i32
    %add3A_154 = vector.broadcast %add3A_153 : i32 to vector<16xi32>
    %add3A_155 = arith.addi %iota3A_152, %add3A_154 : vector<16xi32>
    %gather3A_156 = tpu.vector_load_idx %arg8[%add3A_155, %broadcast_in_dim3A_106] : memref<128x10xi32, #tpu.memory_space<vmem>>[vector<16xi32>, vector<16xi32>], vector<16xi32>,
    %swap3A_157 = arith.constant 1 : i32
    %swap3A_158 = arith.index_cast %swap3A_157 : i32 to index
    %swap3A_159 = arith.constant 80 : index
    %swap3A_160 = tpu.vector_load %arg10[%swap3A_158, %swap3A_159] {strides = array<i32>} : memref<10x128xi32, #tpu.memory_space<vmem>>, vector<16xi32>,
    tpu.vector_store %arg10[%swap3A_158, %swap3A_159], %gather3A_156 {strides = array<i32>} : memref<10x128xi32, #tpu.memory_space<vmem>>, vector<16xi32>,
    %iota3A_161 = tpu.iota {dimensions = array<i32: 0>} : vector<16xi32>
    %add3A_162 = arith.constant 96 : i32
    %add3A_163 = vector.broadcast %add3A_162 : i32 to vector<16xi32>
    %add3A_164 = arith.addi %iota3A_161, %add3A_163 : vector<16xi32>
    %gather3A_165 = tpu.vector_load_idx %arg8[%add3A_164, %broadcast_in_dim3A_106] : memref<128x10xi32, #tpu.memory_space<vmem>>[vector<16xi32>, vector<16xi32>], vector<16xi32>,
    %swap3A_166 = arith.constant 1 : i32
    %swap3A_167 = arith.index_cast %swap3A_166 : i32 to index
    %swap3A_168 = arith.constant 96 : index
    %swap3A_169 = tpu.vector_load %arg10[%swap3A_167, %swap3A_168] {strides = array<i32>} : memref<10x128xi32, #tpu.memory_space<vmem>>, vector<16xi32>,
    tpu.vector_store %arg10[%swap3A_167, %swap3A_168], %gather3A_165 {strides = array<i32>} : memref<10x128xi32, #tpu.memory_space<vmem>>, vector<16xi32>,
    %iota3A_170 = tpu.iota {dimensions = array<i32: 0>} : vector<16xi32>
    %add3A_171 = arith.constant 112 : i32
    %add3A_172 = vector.broadcast %add3A_171 : i32 to vector<16xi32>
    %add3A_173 = arith.addi %iota3A_170, %add3A_172 : vector<16xi32>
    %gather3A_174 = tpu.vector_load_idx %arg8[%add3A_173, %broadcast_in_dim3A_106] : memref<128x10xi32, #tpu.memory_space<vmem>>[vector<16xi32>, vector<16xi32>], vector<16xi32>,
    %swap3A_175 = arith.constant 1 : i32
    %swap3A_176 = arith.index_cast %swap3A_175 : i32 to index
    %swap3A_177 = arith.constant 112 : index
    %swap3A_178 = tpu.vector_load %arg10[%swap3A_176, %swap3A_177] {strides = array<i32>} : memref<10x128xi32, #tpu.memory_space<vmem>>, vector<16xi32>,
    tpu.vector_store %arg10[%swap3A_176, %swap3A_177], %gather3A_174 {strides = array<i32>} : memref<10x128xi32, #tpu.memory_space<vmem>>, vector<16xi32>,
    %broadcast_in_dim3A_179 = arith.constant 2 : i32
    %broadcast_in_dim3A_180 = vector.broadcast %broadcast_in_dim3A_179 : i32 to vector<16xi32>
    %iota3A_181 = tpu.iota {dimensions = array<i32: 0>} : vector<16xi32>
    %add3A_182 = arith.constant 0 : i32
    %add3A_183 = vector.broadcast %add3A_182 : i32 to vector<16xi32>
    %add3A_184 = arith.addi %iota3A_181, %add3A_183 : vector<16xi32>
    %gather3A_185 = tpu.vector_load_idx %arg8[%add3A_184, %broadcast_in_dim3A_180] : memref<128x10xi32, #tpu.memory_space<vmem>>[vector<16xi32>, vector<16xi32>], vector<16xi32>,
    %swap3A_186 = arith.constant 2 : i32
    %swap3A_187 = arith.index_cast %swap3A_186 : i32 to index
    %swap3A_188 = arith.constant 0 : index
    %swap3A_189 = tpu.vector_load %arg10[%swap3A_187, %swap3A_188] {strides = array<i32>} : memref<10x128xi32, #tpu.memory_space<vmem>>, vector<16xi32>,
    tpu.vector_store %arg10[%swap3A_187, %swap3A_188], %gather3A_185 {strides = array<i32>} : memref<10x128xi32, #tpu.memory_space<vmem>>, vector<16xi32>,
    %iota3A_190 = tpu.iota {dimensions = array<i32: 0>} : vector<16xi32>
    %add3A_191 = arith.constant 16 : i32
    %add3A_192 = vector.broadcast %add3A_191 : i32 to vector<16xi32>
    %add3A_193 = arith.addi %iota3A_190, %add3A_192 : vector<16xi32>
    %gather3A_194 = tpu.vector_load_idx %arg8[%add3A_193, %broadcast_in_dim3A_180] : memref<128x10xi32, #tpu.memory_space<vmem>>[vector<16xi32>, vector<16xi32>], vector<16xi32>,
    %swap3A_195 = arith.constant 2 : i32
    %swap3A_196 = arith.index_cast %swap3A_195 : i32 to index
    %swap3A_197 = arith.constant 16 : index
    %swap3A_198 = tpu.vector_load %arg10[%swap3A_196, %swap3A_197] {strides = array<i32>} : memref<10x128xi32, #tpu.memory_space<vmem>>, vector<16xi32>,
    tpu.vector_store %arg10[%swap3A_196, %swap3A_197], %gather3A_194 {strides = array<i32>} : memref<10x128xi32, #tpu.memory_space<vmem>>, vector<16xi32>,
    %iota3A_199 = tpu.iota {dimensions = array<i32: 0>} : vector<16xi32>
    %add3A_200 = arith.constant 32 : i32
    %add3A_201 = vector.broadcast %add3A_200 : i32 to vector<16xi32>
    %add3A_202 = arith.addi %iota3A_199, %add3A_201 : vector<16xi32>
    %gather3A_203 = tpu.vector_load_idx %arg8[%add3A_202, %broadcast_in_dim3A_180] : memref<128x10xi32, #tpu.memory_space<vmem>>[vector<16xi32>, vector<16xi32>], vector<16xi32>,
    %swap3A_204 = arith.constant 2 : i32
    %swap3A_205 = arith.index_cast %swap3A_204 : i32 to index
    %swap3A_206 = arith.constant 32 : index
    %swap3A_207 = tpu.vector_load %arg10[%swap3A_205, %swap3A_206] {strides = array<i32>} : memref<10x128xi32, #tpu.memory_space<vmem>>, vector<16xi32>,
    tpu.vector_store %arg10[%swap3A_205, %swap3A_206], %gather3A_203 {strides = array<i32>} : memref<10x128xi32, #tpu.memory_space<vmem>>, vector<16xi32>,
    %iota3A_208 = tpu.iota {dimensions = array<i32: 0>} : vector<16xi32>
    %add3A_209 = arith.constant 48 : i32
    %add3A_210 = vector.broadcast %add3A_209 : i32 to vector<16xi32>
    %add3A_211 = arith.addi %iota3A_208, %add3A_210 : vector<16xi32>
    %gather3A_212 = tpu.vector_load_idx %arg8[%add3A_211, %broadcast_in_dim3A_180] : memref<128x10xi32, #tpu.memory_space<vmem>>[vector<16xi32>, vector<16xi32>], vector<16xi32>,
    %swap3A_213 = arith.constant 2 : i32
    %swap3A_214 = arith.index_cast %swap3A_213 : i32 to index
    %swap3A_215 = arith.constant 48 : index
    %swap3A_216 = tpu.vector_load %arg10[%swap3A_214, %swap3A_215] {strides = array<i32>} : memref<10x128xi32, #tpu.memory_space<vmem>>, vector<16xi32>,
    tpu.vector_store %arg10[%swap3A_214, %swap3A_215], %gather3A_212 {strides = array<i32>} : memref<10x128xi32, #tpu.memory_space<vmem>>, vector<16xi32>,
    %iota3A_217 = tpu.iota {dimensions = array<i32: 0>} : vector<16xi32>
    %add3A_218 = arith.constant 64 : i32
    %add3A_219 = vector.broadcast %add3A_218 : i32 to vector<16xi32>
    %add3A_220 = arith.addi %iota3A_217, %add3A_219 : vector<16xi32>
    %gather3A_221 = tpu.vector_load_idx %arg8[%add3A_220, %broadcast_in_dim3A_180] : memref<128x10xi32, #tpu.memory_space<vmem>>[vector<16xi32>, vector<16xi32>], vector<16xi32>,
    %swap3A_222 = arith.constant 2 : i32
    %swap3A_223 = arith.index_cast %swap3A_222 : i32 to index
    %swap3A_224 = arith.constant 64 : index
    %swap3A_225 = tpu.vector_load %arg10[%swap3A_223, %swap3A_224] {strides = array<i32>} : memref<10x128xi32, #tpu.memory_space<vmem>>, vector<16xi32>,
    tpu.vector_store %arg10[%swap3A_223, %swap3A_224], %gather3A_221 {strides = array<i32>} : memref<10x128xi32, #tpu.memory_space<vmem>>, vector<16xi32>,
    %iota3A_226 = tpu.iota {dimensions = array<i32: 0>} : vector<16xi32>
    %add3A_227 = arith.constant 80 : i32
    %add3A_228 = vector.broadcast %add3A_227 : i32 to vector<16xi32>
    %add3A_229 = arith.addi %iota3A_226, %add3A_228 : vector<16xi32>
    %gather3A_230 = tpu.vector_load_idx %arg8[%add3A_229, %broadcast_in_dim3A_180] : memref<128x10xi32, #tpu.memory_space<vmem>>[vector<16xi32>, vector<16xi32>], vector<16xi32>,
    %swap3A_231 = arith.constant 2 : i32
    %swap3A_232 = arith.index_cast %swap3A_231 : i32 to index
    %swap3A_233 = arith.constant 80 : index
    %swap3A_234 = tpu.vector_load %arg10[%swap3A_232, %swap3A_233] {strides = array<i32>} : memref<10x128xi32, #tpu.memory_space<vmem>>, vector<16xi32>,
    tpu.vector_store %arg10[%swap3A_232, %swap3A_233], %gather3A_230 {strides = array<i32>} : memref<10x128xi32, #tpu.memory_space<vmem>>, vector<16xi32>,
    %iota3A_235 = tpu.iota {dimensions = array<i32: 0>} : vector<16xi32>
    %add3A_236 = arith.constant 96 : i32
    %add3A_237 = vector.broadcast %add3A_236 : i32 to vector<16xi32>
    %add3A_238 = arith.addi %iota3A_235, %add3A_237 : vector<16xi32>
    %gather3A_239 = tpu.vector_load_idx %arg8[%add3A_238, %broadcast_in_dim3A_180] : memref<128x10xi32, #tpu.memory_space<vmem>>[vector<16xi32>, vector<16xi32>], vector<16xi32>,
    %swap3A_240 = arith.constant 2 : i32
    %swap3A_241 = arith.index_cast %swap3A_240 : i32 to index
    %swap3A_242 = arith.constant 96 : index
    %swap3A_243 = tpu.vector_load %arg10[%swap3A_241, %swap3A_242] {strides = array<i32>} : memref<10x128xi32, #tpu.memory_space<vmem>>, vector<16xi32>,
    tpu.vector_store %arg10[%swap3A_241, %swap3A_242], %gather3A_239 {strides = array<i32>} : memref<10x128xi32, #tpu.memory_space<vmem>>, vector<16xi32>,
    %iota3A_244 = tpu.iota {dimensions = array<i32: 0>} : vector<16xi32>
    %add3A_245 = arith.constant 112 : i32
    %add3A_246 = vector.broadcast %add3A_245 : i32 to vector<16xi32>
    %add3A_247 = arith.addi %iota3A_244, %add3A_246 : vector<16xi32>
    %gather3A_248 = tpu.vector_load_idx %arg8[%add3A_247, %broadcast_in_dim3A_180] : memref<128x10xi32, #tpu.memory_space<vmem>>[vector<16xi32>, vector<16xi32>], vector<16xi32>,
    %swap3A_249 = arith.constant 2 : i32
    %swap3A_250 = arith.index_cast %swap3A_249 : i32 to index
    %swap3A_251 = arith.constant 112 : index
    %swap3A_252 = tpu.vector_load %arg10[%swap3A_250, %swap3A_251] {strides = array<i32>} : memref<10x128xi32, #tpu.memory_space<vmem>>, vector<16xi32>,
    tpu.vector_store %arg10[%swap3A_250, %swap3A_251], %gather3A_248 {strides = array<i32>} : memref<10x128xi32, #tpu.memory_space<vmem>>, vector<16xi32>,
    %broadcast_in_dim3A_253 = arith.constant 3 : i32
    %broadcast_in_dim3A_254 = vector.broadcast %broadcast_in_dim3A_253 : i32 to vector<16xi32>
    %iota3A_255 = tpu.iota {dimensions = array<i32: 0>} : vector<16xi32>
    %add3A_256 = arith.constant 0 : i32
    %add3A_257 = vector.broadcast %add3A_256 : i32 to vector<16xi32>
    %add3A_258 = arith.addi %iota3A_255, %add3A_257 : vector<16xi32>
    %gather3A_259 = tpu.vector_load_idx %arg8[%add3A_258, %broadcast_in_dim3A_254] : memref<128x10xi32, #tpu.memory_space<vmem>>[vector<16xi32>, vector<16xi32>], vector<16xi32>,
    %swap3A_260 = arith.constant 3 : i32
    %swap3A_261 = arith.index_cast %swap3A_260 : i32 to index
    %swap3A_262 = arith.constant 0 : index
    %swap3A_263 = tpu.vector_load %arg10[%swap3A_261, %swap3A_262] {strides = array<i32>} : memref<10x128xi32, #tpu.memory_space<vmem>>, vector<16xi32>,
    tpu.vector_store %arg10[%swap3A_261, %swap3A_262], %gather3A_259 {strides = array<i32>} : memref<10x128xi32, #tpu.memory_space<vmem>>, vector<16xi32>,
    %iota3A_264 = tpu.iota {dimensions = array<i32: 0>} : vector<16xi32>
    %add3A_265 = arith.constant 16 : i32
    %add3A_266 = vector.broadcast %add3A_265 : i32 to vector<16xi32>
    %add3A_267 = arith.addi %iota3A_264, %add3A_266 : vector<16xi32>
    %gather3A_268 = tpu.vector_load_idx %arg8[%add3A_267, %broadcast_in_dim3A_254] : memref<128x10xi32, #tpu.memory_space<vmem>>[vector<16xi32>, vector<16xi32>], vector<16xi32>,
    %swap3A_269 = arith.constant 3 : i32
    %swap3A_270 = arith.index_cast %swap3A_269 : i32 to index
    %swap3A_271 = arith.constant 16 : index
    %swap3A_272 = tpu.vector_load %arg10[%swap3A_270, %swap3A_271] {strides = array<i32>} : memref<10x128xi32, #tpu.memory_space<vmem>>, vector<16xi32>,
    tpu.vector_store %arg10[%swap3A_270, %swap3A_271], %gather3A_268 {strides = array<i32>} : memref<10x128xi32, #tpu.memory_space<vmem>>, vector<16xi32>,
    %iota3A_273 = tpu.iota {dimensions = array<i32: 0>} : vector<16xi32>
    %add3A_274 = arith.constant 32 : i32
    %add3A_275 = vector.broadcast %add3A_274 : i32 to vector<16xi32>
    %add3A_276 = arith.addi %iota3A_273, %add3A_275 : vector<16xi32>
    %gather3A_277 = tpu.vector_load_idx %arg8[%add3A_276, %broadcast_in_dim3A_254] : memref<128x10xi32, #tpu.memory_space<vmem>>[vector<16xi32>, vector<16xi32>], vector<16xi32>,
    %swap3A_278 = arith.constant 3 : i32
    %swap3A_279 = arith.index_cast %swap3A_278 : i32 to index
    %swap3A_280 = arith.constant 32 : index
    %swap3A_281 = tpu.vector_load %arg10[%swap3A_279, %swap3A_280] {strides = array<i32>} : memref<10x128xi32, #tpu.memory_space<vmem>>, vector<16xi32>,
    tpu.vector_store %arg10[%swap3A_279, %swap3A_280], %gather3A_277 {strides = array<i32>} : memref<10x128xi32, #tpu.memory_space<vmem>>, vector<16xi32>,
    %iota3A_282 = tpu.iota {dimensions = array<i32: 0>} : vector<16xi32>
    %add3A_283 = arith.constant 48 : i32
    %add3A_284 = vector.broadcast %add3A_283 : i32 to vector<16xi32>
    %add3A_285 = arith.addi %iota3A_282, %add3A_284 : vector<16xi32>
    %gather3A_286 = tpu.vector_load_idx %arg8[%add3A_285, %broadcast_in_dim3A_254] : memref<128x10xi32, #tpu.memory_space<vmem>>[vector<16xi32>, vector<16xi32>], vector<16xi32>,
    %swap3A_287 = arith.constant 3 : i32
    %swap3A_288 = arith.index_cast %swap3A_287 : i32 to index
    %swap3A_289 = arith.constant 48 : index
    %swap3A_290 = tpu.vector_load %arg10[%swap3A_288, %swap3A_289] {strides = array<i32>} : memref<10x128xi32, #tpu.memory_space<vmem>>, vector<16xi32>,
    tpu.vector_store %arg10[%swap3A_288, %swap3A_289], %gather3A_286 {strides = array<i32>} : memref<10x128xi32, #tpu.memory_space<vmem>>, vector<16xi32>,
    %iota3A_291 = tpu.iota {dimensions = array<i32: 0>} : vector<16xi32>
    %add3A_292 = arith.constant 64 : i32
    %add3A_293 = vector.broadcast %add3A_292 : i32 to vector<16xi32>
    %add3A_294 = arith.addi %iota3A_291, %add3A_293 : vector<16xi32>
    %gather3A_295 = tpu.vector_load_idx %arg8[%add3A_294, %broadcast_in_dim3A_254] : memref<128x10xi32, #tpu.memory_space<vmem>>[vector<16xi32>, vector<16xi32>], vector<16xi32>,
    %swap3A_296 = arith.constant 3 : i32
    %swap3A_297 = arith.index_cast %swap3A_296 : i32 to index
    %swap3A_298 = arith.constant 64 : index
    %swap3A_299 = tpu.vector_load %arg10[%swap3A_297, %swap3A_298] {strides = array<i32>} : memref<10x128xi32, #tpu.memory_space<vmem>>, vector<16xi32>,
    tpu.vector_store %arg10[%swap3A_297, %swap3A_298], %gather3A_295 {strides = array<i32>} : memref<10x128xi32, #tpu.memory_space<vmem>>, vector<16xi32>,
    %iota3A_300 = tpu.iota {dimensions = array<i32: 0>} : vector<16xi32>
    %add3A_301 = arith.constant 80 : i32
    %add3A_302 = vector.broadcast %add3A_301 : i32 to vector<16xi32>
    %add3A_303 = arith.addi %iota3A_300, %add3A_302 : vector<16xi32>
    %gather3A_304 = tpu.vector_load_idx %arg8[%add3A_303, %broadcast_in_dim3A_254] : memref<128x10xi32, #tpu.memory_space<vmem>>[vector<16xi32>, vector<16xi32>], vector<16xi32>,
    %swap3A_305 = arith.constant 3 : i32
    %swap3A_306 = arith.index_cast %swap3A_305 : i32 to index
    %swap3A_307 = arith.constant 80 : index
    %swap3A_308 = tpu.vector_load %arg10[%swap3A_306, %swap3A_307] {strides = array<i32>} : memref<10x128xi32, #tpu.memory_space<vmem>>, vector<16xi32>,
    tpu.vector_store %arg10[%swap3A_306, %swap3A_307], %gather3A_304 {strides = array<i32>} : memref<10x128xi32, #tpu.memory_space<vmem>>, vector<16xi32>,
    %iota3A_309 = tpu.iota {dimensions = array<i32: 0>} : vector<16xi32>
    %add3A_310 = arith.constant 96 : i32
    %add3A_311 = vector.broadcast %add3A_310 : i32 to vector<16xi32>
    %add3A_312 = arith.addi %iota3A_309, %add3A_311 : vector<16xi32>
    %gather3A_313 = tpu.vector_load_idx %arg8[%add3A_312, %broadcast_in_dim3A_254] : memref<128x10xi32, #tpu.memory_space<vmem>>[vector<16xi32>, vector<16xi32>], vector<16xi32>,
    %swap3A_314 = arith.constant 3 : i32
    %swap3A_315 = arith.index_cast %swap3A_314 : i32 to index
    %swap3A_316 = arith.constant 96 : index
    %swap3A_317 = tpu.vector_load %arg10[%swap3A_315, %swap3A_316] {strides = array<i32>} : memref<10x128xi32, #tpu.memory_space<vmem>>, vector<16xi32>,
    tpu.vector_store %arg10[%swap3A_315, %swap3A_316], %gather3A_313 {strides = array<i32>} : memref<10x128xi32, #tpu.memory_space<vmem>>, vector<16xi32>,
    %iota3A_318 = tpu.iota {dimensions = array<i32: 0>} : vector<16xi32>
    %add3A_319 = arith.constant 112 : i32
    %add3A_320 = vector.broadcast %add3A_319 : i32 to vector<16xi32>
    %add3A_321 = arith.addi %iota3A_318, %add3A_320 : vector<16xi32>
    %gather3A_322 = tpu.vector_load_idx %arg8[%add3A_321, %broadcast_in_dim3A_254] : memref<128x10xi32, #tpu.memory_space<vmem>>[vector<16xi32>, vector<16xi32>], vector<16xi32>,
    %swap3A_323 = arith.constant 3 : i32
    %swap3A_324 = arith.index_cast %swap3A_323 : i32 to index
    %swap3A_325 = arith.constant 112 : index
    %swap3A_326 = tpu.vector_load %arg10[%swap3A_324, %swap3A_325] {strides = array<i32>} : memref<10x128xi32, #tpu.memory_space<vmem>>, vector<16xi32>,
    tpu.vector_store %arg10[%swap3A_324, %swap3A_325], %gather3A_322 {strides = array<i32>} : memref<10x128xi32, #tpu.memory_space<vmem>>, vector<16xi32>,
    %broadcast_in_dim3A_327 = arith.constant 4 : i32
    %broadcast_in_dim3A_328 = vector.broadcast %broadcast_in_dim3A_327 : i32 to vector<16xi32>
    %iota3A_329 = tpu.iota {dimensions = array<i32: 0>} : vector<16xi32>
    %add3A_330 = arith.constant 0 : i32
    %add3A_331 = vector.broadcast %add3A_330 : i32 to vector<16xi32>
    %add3A_332 = arith.addi %iota3A_329, %add3A_331 : vector<16xi32>
    %gather3A_333 = tpu.vector_load_idx %arg8[%add3A_332, %broadcast_in_dim3A_328] : memref<128x10xi32, #tpu.memory_space<vmem>>[vector<16xi32>, vector<16xi32>], vector<16xi32>,
    %swap3A_334 = arith.constant 4 : i32
    %swap3A_335 = arith.index_cast %swap3A_334 : i32 to index
    %swap3A_336 = arith.constant 0 : index
    %swap3A_337 = tpu.vector_load %arg10[%swap3A_335, %swap3A_336] {strides = array<i32>} : memref<10x128xi32, #tpu.memory_space<vmem>>, vector<16xi32>,
    tpu.vector_store %arg10[%swap3A_335, %swap3A_336], %gather3A_333 {strides = array<i32>} : memref<10x128xi32, #tpu.memory_space<vmem>>, vector<16xi32>,
    %iota3A_338 = tpu.iota {dimensions = array<i32: 0>} : vector<16xi32>
    %add3A_339 = arith.constant 16 : i32
    %add3A_340 = vector.broadcast %add3A_339 : i32 to vector<16xi32>
    %add3A_341 = arith.addi %iota3A_338, %add3A_340 : vector<16xi32>
    %gather3A_342 = tpu.vector_load_idx %arg8[%add3A_341, %broadcast_in_dim3A_328] : memref<128x10xi32, #tpu.memory_space<vmem>>[vector<16xi32>, vector<16xi32>], vector<16xi32>,
    %swap3A_343 = arith.constant 4 : i32
    %swap3A_344 = arith.index_cast %swap3A_343 : i32 to index
    %swap3A_345 = arith.constant 16 : index
    %swap3A_346 = tpu.vector_load %arg10[%swap3A_344, %swap3A_345] {strides = array<i32>} : memref<10x128xi32, #tpu.memory_space<vmem>>, vector<16xi32>,
    tpu.vector_store %arg10[%swap3A_344, %swap3A_345], %gather3A_342 {strides = array<i32>} : memref<10x128xi32, #tpu.memory_space<vmem>>, vector<16xi32>,
    %iota3A_347 = tpu.iota {dimensions = array<i32: 0>} : vector<16xi32>
    %add3A_348 = arith.constant 32 : i32
    %add3A_349 = vector.broadcast %add3A_348 : i32 to vector<16xi32>
    %add3A_350 = arith.addi %iota3A_347, %add3A_349 : vector<16xi32>
    %gather3A_351 = tpu.vector_load_idx %arg8[%add3A_350, %broadcast_in_dim3A_328] : memref<128x10xi32, #tpu.memory_space<vmem>>[vector<16xi32>, vector<16xi32>], vector<16xi32>,
    %swap3A_352 = arith.constant 4 : i32
    %swap3A_353 = arith.index_cast %swap3A_352 : i32 to index
    %swap3A_354 = arith.constant 32 : index
    %swap3A_355 = tpu.vector_load %arg10[%swap3A_353, %swap3A_354] {strides = array<i32>} : memref<10x128xi32, #tpu.memory_space<vmem>>, vector<16xi32>,
    tpu.vector_store %arg10[%swap3A_353, %swap3A_354], %gather3A_351 {strides = array<i32>} : memref<10x128xi32, #tpu.memory_space<vmem>>, vector<16xi32>,
    %iota3A_356 = tpu.iota {dimensions = array<i32: 0>} : vector<16xi32>
    %add3A_357 = arith.constant 48 : i32
    %add3A_358 = vector.broadcast %add3A_357 : i32 to vector<16xi32>
    %add3A_359 = arith.addi %iota3A_356, %add3A_358 : vector<16xi32>
    %gather3A_360 = tpu.vector_load_idx %arg8[%add3A_359, %broadcast_in_dim3A_328] : memref<128x10xi32, #tpu.memory_space<vmem>>[vector<16xi32>, vector<16xi32>], vector<16xi32>,
    %swap3A_361 = arith.constant 4 : i32
    %swap3A_362 = arith.index_cast %swap3A_361 : i32 to index
    %swap3A_363 = arith.constant 48 : index
    %swap3A_364 = tpu.vector_load %arg10[%swap3A_362, %swap3A_363] {strides = array<i32>} : memref<10x128xi32, #tpu.memory_space<vmem>>, vector<16xi32>,
    tpu.vector_store %arg10[%swap3A_362, %swap3A_363], %gather3A_360 {strides = array<i32>} : memref<10x128xi32, #tpu.memory_space<vmem>>, vector<16xi32>,
    %iota3A_365 = tpu.iota {dimensions = array<i32: 0>} : vector<16xi32>
    %add3A_366 = arith.constant 64 : i32
    %add3A_367 = vector.broadcast %add3A_366 : i32 to vector<16xi32>
    %add3A_368 = arith.addi %iota3A_365, %add3A_367 : vector<16xi32>
    %gather3A_369 = tpu.vector_load_idx %arg8[%add3A_368, %broadcast_in_dim3A_328] : memref<128x10xi32, #tpu.memory_space<vmem>>[vector<16xi32>, vector<16xi32>], vector<16xi32>,
    %swap3A_370 = arith.constant 4 : i32
    %swap3A_371 = arith.index_cast %swap3A_370 : i32 to index
    %swap3A_372 = arith.constant 64 : index
    %swap3A_373 = tpu.vector_load %arg10[%swap3A_371, %swap3A_372] {strides = array<i32>} : memref<10x128xi32, #tpu.memory_space<vmem>>, vector<16xi32>,
    tpu.vector_store %arg10[%swap3A_371, %swap3A_372], %gather3A_369 {strides = array<i32>} : memref<10x128xi32, #tpu.memory_space<vmem>>, vector<16xi32>,
    %iota3A_374 = tpu.iota {dimensions = array<i32: 0>} : vector<16xi32>
    %add3A_375 = arith.constant 80 : i32
    %add3A_376 = vector.broadcast %add3A_375 : i32 to vector<16xi32>
    %add3A_377 = arith.addi %iota3A_374, %add3A_376 : vector<16xi32>
    %gather3A_378 = tpu.vector_load_idx %arg8[%add3A_377, %broadcast_in_dim3A_328] : memref<128x10xi32, #tpu.memory_space<vmem>>[vector<16xi32>, vector<16xi32>], vector<16xi32>,
    %swap3A_379 = arith.constant 4 : i32
    %swap3A_380 = arith.index_cast %swap3A_379 : i32 to index
    %swap3A_381 = arith.constant 80 : index
    %swap3A_382 = tpu.vector_load %arg10[%swap3A_380, %swap3A_381] {strides = array<i32>} : memref<10x128xi32, #tpu.memory_space<vmem>>, vector<16xi32>,
    tpu.vector_store %arg10[%swap3A_380, %swap3A_381], %gather3A_378 {strides = array<i32>} : memref<10x128xi32, #tpu.memory_space<vmem>>, vector<16xi32>,
    %iota3A_383 = tpu.iota {dimensions = array<i32: 0>} : vector<16xi32>
    %add3A_384 = arith.constant 96 : i32
    %add3A_385 = vector.broadcast %add3A_384 : i32 to vector<16xi32>
    %add3A_386 = arith.addi %iota3A_383, %add3A_385 : vector<16xi32>
    %gather3A_387 = tpu.vector_load_idx %arg8[%add3A_386, %broadcast_in_dim3A_328] : memref<128x10xi32, #tpu.memory_space<vmem>>[vector<16xi32>, vector<16xi32>], vector<16xi32>,
    %swap3A_388 = arith.constant 4 : i32
    %swap3A_389 = arith.index_cast %swap3A_388 : i32 to index
    %swap3A_390 = arith.constant 96 : index
    %swap3A_391 = tpu.vector_load %arg10[%swap3A_389, %swap3A_390] {strides = array<i32>} : memref<10x128xi32, #tpu.memory_space<vmem>>, vector<16xi32>,
    tpu.vector_store %arg10[%swap3A_389, %swap3A_390], %gather3A_387 {strides = array<i32>} : memref<10x128xi32, #tpu.memory_space<vmem>>, vector<16xi32>,
    %iota3A_392 = tpu.iota {dimensions = array<i32: 0>} : vector<16xi32>
    %add3A_393 = arith.constant 112 : i32
    %add3A_394 = vector.broadcast %add3A_393 : i32 to vector<16xi32>
    %add3A_395 = arith.addi %iota3A_392, %add3A_394 : vector<16xi32>
    %gather3A_396 = tpu.vector_load_idx %arg8[%add3A_395, %broadcast_in_dim3A_328] : memref<128x10xi32, #tpu.memory_space<vmem>>[vector<16xi32>, vector<16xi32>], vector<16xi32>,
    %swap3A_397 = arith.constant 4 : i32
    %swap3A_398 = arith.index_cast %swap3A_397 : i32 to index
    %swap3A_399 = arith.constant 112 : index
    %swap3A_400 = tpu.vector_load %arg10[%swap3A_398, %swap3A_399] {strides = array<i32>} : memref<10x128xi32, #tpu.memory_space<vmem>>, vector<16xi32>,
    tpu.vector_store %arg10[%swap3A_398, %swap3A_399], %gather3A_396 {strides = array<i32>} : memref<10x128xi32, #tpu.memory_space<vmem>>, vector<16xi32>,
    %broadcast_in_dim3A_401 = arith.constant 5 : i32
    %broadcast_in_dim3A_402 = vector.broadcast %broadcast_in_dim3A_401 : i32 to vector<16xi32>
    %iota3A_403 = tpu.iota {dimensions = array<i32: 0>} : vector<16xi32>
    %add3A_404 = arith.constant 0 : i32
    %add3A_405 = vector.broadcast %add3A_404 : i32 to vector<16xi32>
    %add3A_406 = arith.addi %iota3A_403, %add3A_405 : vector<16xi32>
    %gather3A_407 = tpu.vector_load_idx %arg8[%add3A_406, %broadcast_in_dim3A_402] : memref<128x10xi32, #tpu.memory_space<vmem>>[vector<16xi32>, vector<16xi32>], vector<16xi32>,
    %swap3A_408 = arith.constant 5 : i32
    %swap3A_409 = arith.index_cast %swap3A_408 : i32 to index
    %swap3A_410 = arith.constant 0 : index
    %swap3A_411 = tpu.vector_load %arg10[%swap3A_409, %swap3A_410] {strides = array<i32>} : memref<10x128xi32, #tpu.memory_space<vmem>>, vector<16xi32>,
    tpu.vector_store %arg10[%swap3A_409, %swap3A_410], %gather3A_407 {strides = array<i32>} : memref<10x128xi32, #tpu.memory_space<vmem>>, vector<16xi32>,
    %iota3A_412 = tpu.iota {dimensions = array<i32: 0>} : vector<16xi32>
    %add3A_413 = arith.constant 16 : i32
    %add3A_414 = vector.broadcast %add3A_413 : i32 to vector<16xi32>
    %add3A_415 = arith.addi %iota3A_412, %add3A_414 : vector<16xi32>
    %gather3A_416 = tpu.vector_load_idx %arg8[%add3A_415, %broadcast_in_dim3A_402] : memref<128x10xi32, #tpu.memory_space<vmem>>[vector<16xi32>, vector<16xi32>], vector<16xi32>,
    %swap3A_417 = arith.constant 5 : i32
    %swap3A_418 = arith.index_cast %swap3A_417 : i32 to index
    %swap3A_419 = arith.constant 16 : index
    %swap3A_420 = tpu.vector_load %arg10[%swap3A_418, %swap3A_419] {strides = array<i32>} : memref<10x128xi32, #tpu.memory_space<vmem>>, vector<16xi32>,
    tpu.vector_store %arg10[%swap3A_418, %swap3A_419], %gather3A_416 {strides = array<i32>} : memref<10x128xi32, #tpu.memory_space<vmem>>, vector<16xi32>,
    %iota3A_421 = tpu.iota {dimensions = array<i32: 0>} : vector<16xi32>
    %add3A_422 = arith.constant 32 : i32
    %add3A_423 = vector.broadcast %add3A_422 : i32 to vector<16xi32>
    %add3A_424 = arith.addi %iota3A_421, %add3A_423 : vector<16xi32>
    %gather3A_425 = tpu.vector_load_idx %arg8[%add3A_424, %broadcast_in_dim3A_402] : memref<128x10xi32, #tpu.memory_space<vmem>>[vector<16xi32>, vector<16xi32>], vector<16xi32>,
    %swap3A_426 = arith.constant 5 : i32
    %swap3A_427 = arith.index_cast %swap3A_426 : i32 to index
    %swap3A_428 = arith.constant 32 : index
    %swap3A_429 = tpu.vector_load %arg10[%swap3A_427, %swap3A_428] {strides = array<i32>} : memref<10x128xi32, #tpu.memory_space<vmem>>, vector<16xi32>,
    tpu.vector_store %arg10[%swap3A_427, %swap3A_428], %gather3A_425 {strides = array<i32>} : memref<10x128xi32, #tpu.memory_space<vmem>>, vector<16xi32>,
    %iota3A_430 = tpu.iota {dimensions = array<i32: 0>} : vector<16xi32>
    %add3A_431 = arith.constant 48 : i32
    %add3A_432 = vector.broadcast %add3A_431 : i32 to vector<16xi32>
    %add3A_433 = arith.addi %iota3A_430, %add3A_432 : vector<16xi32>
    %gather3A_434 = tpu.vector_load_idx %arg8[%add3A_433, %broadcast_in_dim3A_402] : memref<128x10xi32, #tpu.memory_space<vmem>>[vector<16xi32>, vector<16xi32>], vector<16xi32>,
    %swap3A_435 = arith.constant 5 : i32
    %swap3A_436 = arith.index_cast %swap3A_435 : i32 to index
    %swap3A_437 = arith.constant 48 : index
    %swap3A_438 = tpu.vector_load %arg10[%swap3A_436, %swap3A_437] {strides = array<i32>} : memref<10x128xi32, #tpu.memory_space<vmem>>, vector<16xi32>,
    tpu.vector_store %arg10[%swap3A_436, %swap3A_437], %gather3A_434 {strides = array<i32>} : memref<10x128xi32, #tpu.memory_space<vmem>>, vector<16xi32>,
    %iota3A_439 = tpu.iota {dimensions = array<i32: 0>} : vector<16xi32>
    %add3A_440 = arith.constant 64 : i32
    %add3A_441 = vector.broadcast %add3A_440 : i32 to vector<16xi32>
    %add3A_442 = arith.addi %iota3A_439, %add3A_441 : vector<16xi32>
    %gather3A_443 = tpu.vector_load_idx %arg8[%add3A_442, %broadcast_in_dim3A_402] : memref<128x10xi32, #tpu.memory_space<vmem>>[vector<16xi32>, vector<16xi32>], vector<16xi32>,
    %swap3A_444 = arith.constant 5 : i32
    %swap3A_445 = arith.index_cast %swap3A_444 : i32 to index
    %swap3A_446 = arith.constant 64 : index
    %swap3A_447 = tpu.vector_load %arg10[%swap3A_445, %swap3A_446] {strides = array<i32>} : memref<10x128xi32, #tpu.memory_space<vmem>>, vector<16xi32>,
    tpu.vector_store %arg10[%swap3A_445, %swap3A_446], %gather3A_443 {strides = array<i32>} : memref<10x128xi32, #tpu.memory_space<vmem>>, vector<16xi32>,
    %iota3A_448 = tpu.iota {dimensions = array<i32: 0>} : vector<16xi32>
    %add3A_449 = arith.constant 80 : i32
    %add3A_450 = vector.broadcast %add3A_449 : i32 to vector<16xi32>
    %add3A_451 = arith.addi %iota3A_448, %add3A_450 : vector<16xi32>
    %gather3A_452 = tpu.vector_load_idx %arg8[%add3A_451, %broadcast_in_dim3A_402] : memref<128x10xi32, #tpu.memory_space<vmem>>[vector<16xi32>, vector<16xi32>], vector<16xi32>,
    %swap3A_453 = arith.constant 5 : i32
    %swap3A_454 = arith.index_cast %swap3A_453 : i32 to index
    %swap3A_455 = arith.constant 80 : index
    %swap3A_456 = tpu.vector_load %arg10[%swap3A_454, %swap3A_455] {strides = array<i32>} : memref<10x128xi32, #tpu.memory_space<vmem>>, vector<16xi32>,
    tpu.vector_store %arg10[%swap3A_454, %swap3A_455], %gather3A_452 {strides = array<i32>} : memref<10x128xi32, #tpu.memory_space<vmem>>, vector<16xi32>,
    %iota3A_457 = tpu.iota {dimensions = array<i32: 0>} : vector<16xi32>
    %add3A_458 = arith.constant 96 : i32
    %add3A_459 = vector.broadcast %add3A_458 : i32 to vector<16xi32>
    %add3A_460 = arith.addi %iota3A_457, %add3A_459 : vector<16xi32>
    %gather3A_461 = tpu.vector_load_idx %arg8[%add3A_460, %broadcast_in_dim3A_402] : memref<128x10xi32, #tpu.memory_space<vmem>>[vector<16xi32>, vector<16xi32>], vector<16xi32>,
    %swap3A_462 = arith.constant 5 : i32
    %swap3A_463 = arith.index_cast %swap3A_462 : i32 to index
    %swap3A_464 = arith.constant 96 : index
    %swap3A_465 = tpu.vector_load %arg10[%swap3A_463, %swap3A_464] {strides = array<i32>} : memref<10x128xi32, #tpu.memory_space<vmem>>, vector<16xi32>,
    tpu.vector_store %arg10[%swap3A_463, %swap3A_464], %gather3A_461 {strides = array<i32>} : memref<10x128xi32, #tpu.memory_space<vmem>>, vector<16xi32>,
    %iota3A_466 = tpu.iota {dimensions = array<i32: 0>} : vector<16xi32>
    %add3A_467 = arith.constant 112 : i32
    %add3A_468 = vector.broadcast %add3A_467 : i32 to vector<16xi32>
    %add3A_469 = arith.addi %iota3A_466, %add3A_468 : vector<16xi32>
    %gather3A_470 = tpu.vector_load_idx %arg8[%add3A_469, %broadcast_in_dim3A_402] : memref<128x10xi32, #tpu.memory_space<vmem>>[vector<16xi32>, vector<16xi32>], vector<16xi32>,
    %swap3A_471 = arith.constant 5 : i32
    %swap3A_472 = arith.index_cast %swap3A_471 : i32 to index
    %swap3A_473 = arith.constant 112 : index
    %swap3A_474 = tpu.vector_load %arg10[%swap3A_472, %swap3A_473] {strides = array<i32>} : memref<10x128xi32, #tpu.memory_space<vmem>>, vector<16xi32>,
    tpu.vector_store %arg10[%swap3A_472, %swap3A_473], %gather3A_470 {strides = array<i32>} : memref<10x128xi32, #tpu.memory_space<vmem>>, vector<16xi32>,
    %broadcast_in_dim3A_475 = arith.constant 6 : i32
    %broadcast_in_dim3A_476 = vector.broadcast %broadcast_in_dim3A_475 : i32 to vector<16xi32>
    %iota3A_477 = tpu.iota {dimensions = array<i32: 0>} : vector<16xi32>
    %add3A_478 = arith.constant 0 : i32
    %add3A_479 = vector.broadcast %add3A_478 : i32 to vector<16xi32>
    %add3A_480 = arith.addi %iota3A_477, %add3A_479 : vector<16xi32>
    %gather3A_481 = tpu.vector_load_idx %arg8[%add3A_480, %broadcast_in_dim3A_476] : memref<128x10xi32, #tpu.memory_space<vmem>>[vector<16xi32>, vector<16xi32>], vector<16xi32>,
    %swap3A_482 = arith.constant 6 : i32
    %swap3A_483 = arith.index_cast %swap3A_482 : i32 to index
    %swap3A_484 = arith.constant 0 : index
    %swap3A_485 = tpu.vector_load %arg10[%swap3A_483, %swap3A_484] {strides = array<i32>} : memref<10x128xi32, #tpu.memory_space<vmem>>, vector<16xi32>,
    tpu.vector_store %arg10[%swap3A_483, %swap3A_484], %gather3A_481 {strides = array<i32>} : memref<10x128xi32, #tpu.memory_space<vmem>>, vector<16xi32>,
    %iota3A_486 = tpu.iota {dimensions = array<i32: 0>} : vector<16xi32>
    %add3A_487 = arith.constant 16 : i32
    %add3A_488 = vector.broadcast %add3A_487 : i32 to vector<16xi32>
    %add3A_489 = arith.addi %iota3A_486, %add3A_488 : vector<16xi32>
    %gather3A_490 = tpu.vector_load_idx %arg8[%add3A_489, %broadcast_in_dim3A_476] : memref<128x10xi32, #tpu.memory_space<vmem>>[vector<16xi32>, vector<16xi32>], vector<16xi32>,
    %swap3A_491 = arith.constant 6 : i32
    %swap3A_492 = arith.index_cast %swap3A_491 : i32 to index
    %swap3A_493 = arith.constant 16 : index
    %swap3A_494 = tpu.vector_load %arg10[%swap3A_492, %swap3A_493] {strides = array<i32>} : memref<10x128xi32, #tpu.memory_space<vmem>>, vector<16xi32>,
    tpu.vector_store %arg10[%swap3A_492, %swap3A_493], %gather3A_490 {strides = array<i32>} : memref<10x128xi32, #tpu.memory_space<vmem>>, vector<16xi32>,
    %iota3A_495 = tpu.iota {dimensions = array<i32: 0>} : vector<16xi32>
    %add3A_496 = arith.constant 32 : i32
    %add3A_497 = vector.broadcast %add3A_496 : i32 to vector<16xi32>
    %add3A_498 = arith.addi %iota3A_495, %add3A_497 : vector<16xi32>
    %gather3A_499 = tpu.vector_load_idx %arg8[%add3A_498, %broadcast_in_dim3A_476] : memref<128x10xi32, #tpu.memory_space<vmem>>[vector<16xi32>, vector<16xi32>], vector<16xi32>,
    %swap3A_500 = arith.constant 6 : i32
    %swap3A_501 = arith.index_cast %swap3A_500 : i32 to index
    %swap3A_502 = arith.constant 32 : index
    %swap3A_503 = tpu.vector_load %arg10[%swap3A_501, %swap3A_502] {strides = array<i32>} : memref<10x128xi32, #tpu.memory_space<vmem>>, vector<16xi32>,
    tpu.vector_store %arg10[%swap3A_501, %swap3A_502], %gather3A_499 {strides = array<i32>} : memref<10x128xi32, #tpu.memory_space<vmem>>, vector<16xi32>,
    %iota3A_504 = tpu.iota {dimensions = array<i32: 0>} : vector<16xi32>
    %add3A_505 = arith.constant 48 : i32
    %add3A_506 = vector.broadcast %add3A_505 : i32 to vector<16xi32>
    %add3A_507 = arith.addi %iota3A_504, %add3A_506 : vector<16xi32>
    %gather3A_508 = tpu.vector_load_idx %arg8[%add3A_507, %broadcast_in_dim3A_476] : memref<128x10xi32, #tpu.memory_space<vmem>>[vector<16xi32>, vector<16xi32>], vector<16xi32>,
    %swap3A_509 = arith.constant 6 : i32
    %swap3A_510 = arith.index_cast %swap3A_509 : i32 to index
    %swap3A_511 = arith.constant 48 : index
    %swap3A_512 = tpu.vector_load %arg10[%swap3A_510, %swap3A_511] {strides = array<i32>} : memref<10x128xi32, #tpu.memory_space<vmem>>, vector<16xi32>,
    tpu.vector_store %arg10[%swap3A_510, %swap3A_511], %gather3A_508 {strides = array<i32>} : memref<10x128xi32, #tpu.memory_space<vmem>>, vector<16xi32>,
    %iota3A_513 = tpu.iota {dimensions = array<i32: 0>} : vector<16xi32>
    %add3A_514 = arith.constant 64 : i32
    %add3A_515 = vector.broadcast %add3A_514 : i32 to vector<16xi32>
    %add3A_516 = arith.addi %iota3A_513, %add3A_515 : vector<16xi32>
    %gather3A_517 = tpu.vector_load_idx %arg8[%add3A_516, %broadcast_in_dim3A_476] : memref<128x10xi32, #tpu.memory_space<vmem>>[vector<16xi32>, vector<16xi32>], vector<16xi32>,
    %swap3A_518 = arith.constant 6 : i32
    %swap3A_519 = arith.index_cast %swap3A_518 : i32 to index
    %swap3A_520 = arith.constant 64 : index
    %swap3A_521 = tpu.vector_load %arg10[%swap3A_519, %swap3A_520] {strides = array<i32>} : memref<10x128xi32, #tpu.memory_space<vmem>>, vector<16xi32>,
    tpu.vector_store %arg10[%swap3A_519, %swap3A_520], %gather3A_517 {strides = array<i32>} : memref<10x128xi32, #tpu.memory_space<vmem>>, vector<16xi32>,
    %iota3A_522 = tpu.iota {dimensions = array<i32: 0>} : vector<16xi32>
    %add3A_523 = arith.constant 80 : i32
    %add3A_524 = vector.broadcast %add3A_523 : i32 to vector<16xi32>
    %add3A_525 = arith.addi %iota3A_522, %add3A_524 : vector<16xi32>
    %gather3A_526 = tpu.vector_load_idx %arg8[%add3A_525, %broadcast_in_dim3A_476] : memref<128x10xi32, #tpu.memory_space<vmem>>[vector<16xi32>, vector<16xi32>], vector<16xi32>,
    %swap3A_527 = arith.constant 6 : i32
    %swap3A_528 = arith.index_cast %swap3A_527 : i32 to index
    %swap3A_529 = arith.constant 80 : index
    %swap3A_530 = tpu.vector_load %arg10[%swap3A_528, %swap3A_529] {strides = array<i32>} : memref<10x128xi32, #tpu.memory_space<vmem>>, vector<16xi32>,
    tpu.vector_store %arg10[%swap3A_528, %swap3A_529], %gather3A_526 {strides = array<i32>} : memref<10x128xi32, #tpu.memory_space<vmem>>, vector<16xi32>,
    %iota3A_531 = tpu.iota {dimensions = array<i32: 0>} : vector<16xi32>
    %add3A_532 = arith.constant 96 : i32
    %add3A_533 = vector.broadcast %add3A_532 : i32 to vector<16xi32>
    %add3A_534 = arith.addi %iota3A_531, %add3A_533 : vector<16xi32>
    %gather3A_535 = tpu.vector_load_idx %arg8[%add3A_534, %broadcast_in_dim3A_476] : memref<128x10xi32, #tpu.memory_space<vmem>>[vector<16xi32>, vector<16xi32>], vector<16xi32>,
    %swap3A_536 = arith.constant 6 : i32
    %swap3A_537 = arith.index_cast %swap3A_536 : i32 to index
    %swap3A_538 = arith.constant 96 : index
    %swap3A_539 = tpu.vector_load %arg10[%swap3A_537, %swap3A_538] {strides = array<i32>} : memref<10x128xi32, #tpu.memory_space<vmem>>, vector<16xi32>,
    tpu.vector_store %arg10[%swap3A_537, %swap3A_538], %gather3A_535 {strides = array<i32>} : memref<10x128xi32, #tpu.memory_space<vmem>>, vector<16xi32>,
    %iota3A_540 = tpu.iota {dimensions = array<i32: 0>} : vector<16xi32>
    %add3A_541 = arith.constant 112 : i32
    %add3A_542 = vector.broadcast %add3A_541 : i32 to vector<16xi32>
    %add3A_543 = arith.addi %iota3A_540, %add3A_542 : vector<16xi32>
    %gather3A_544 = tpu.vector_load_idx %arg8[%add3A_543, %broadcast_in_dim3A_476] : memref<128x10xi32, #tpu.memory_space<vmem>>[vector<16xi32>, vector<16xi32>], vector<16xi32>,
    %swap3A_545 = arith.constant 6 : i32
    %swap3A_546 = arith.index_cast %swap3A_545 : i32 to index
    %swap3A_547 = arith.constant 112 : index
    %swap3A_548 = tpu.vector_load %arg10[%swap3A_546, %swap3A_547] {strides = array<i32>} : memref<10x128xi32, #tpu.memory_space<vmem>>, vector<16xi32>,
    tpu.vector_store %arg10[%swap3A_546, %swap3A_547], %gather3A_544 {strides = array<i32>} : memref<10x128xi32, #tpu.memory_space<vmem>>, vector<16xi32>,
    %broadcast_in_dim3A_549 = arith.constant 7 : i32
    %broadcast_in_dim3A_550 = vector.broadcast %broadcast_in_dim3A_549 : i32 to vector<16xi32>
    %iota3A_551 = tpu.iota {dimensions = array<i32: 0>} : vector<16xi32>
    %add3A_552 = arith.constant 0 : i32
    %add3A_553 = vector.broadcast %add3A_552 : i32 to vector<16xi32>
    %add3A_554 = arith.addi %iota3A_551, %add3A_553 : vector<16xi32>
    %gather3A_555 = tpu.vector_load_idx %arg8[%add3A_554, %broadcast_in_dim3A_550] : memref<128x10xi32, #tpu.memory_space<vmem>>[vector<16xi32>, vector<16xi32>], vector<16xi32>,
    %swap3A_556 = arith.constant 7 : i32
    %swap3A_557 = arith.index_cast %swap3A_556 : i32 to index
    %swap3A_558 = arith.constant 0 : index
    %swap3A_559 = tpu.vector_load %arg10[%swap3A_557, %swap3A_558] {strides = array<i32>} : memref<10x128xi32, #tpu.memory_space<vmem>>, vector<16xi32>,
    tpu.vector_store %arg10[%swap3A_557, %swap3A_558], %gather3A_555 {strides = array<i32>} : memref<10x128xi32, #tpu.memory_space<vmem>>, vector<16xi32>,
    %iota3A_560 = tpu.iota {dimensions = array<i32: 0>} : vector<16xi32>
    %add3A_561 = arith.constant 16 : i32
    %add3A_562 = vector.broadcast %add3A_561 : i32 to vector<16xi32>
    %add3A_563 = arith.addi %iota3A_560, %add3A_562 : vector<16xi32>
    %gather3A_564 = tpu.vector_load_idx %arg8[%add3A_563, %broadcast_in_dim3A_550] : memref<128x10xi32, #tpu.memory_space<vmem>>[vector<16xi32>, vector<16xi32>], vector<16xi32>,
    %swap3A_565 = arith.constant 7 : i32
    %swap3A_566 = arith.index_cast %swap3A_565 : i32 to index
    %swap3A_567 = arith.constant 16 : index
    %swap3A_568 = tpu.vector_load %arg10[%swap3A_566, %swap3A_567] {strides = array<i32>} : memref<10x128xi32, #tpu.memory_space<vmem>>, vector<16xi32>,
    tpu.vector_store %arg10[%swap3A_566, %swap3A_567], %gather3A_564 {strides = array<i32>} : memref<10x128xi32, #tpu.memory_space<vmem>>, vector<16xi32>,
    %iota3A_569 = tpu.iota {dimensions = array<i32: 0>} : vector<16xi32>
    %add3A_570 = arith.constant 32 : i32
    %add3A_571 = vector.broadcast %add3A_570 : i32 to vector<16xi32>
    %add3A_572 = arith.addi %iota3A_569, %add3A_571 : vector<16xi32>
    %gather3A_573 = tpu.vector_load_idx %arg8[%add3A_572, %broadcast_in_dim3A_550] : memref<128x10xi32, #tpu.memory_space<vmem>>[vector<16xi32>, vector<16xi32>], vector<16xi32>,
    %swap3A_574 = arith.constant 7 : i32
    %swap3A_575 = arith.index_cast %swap3A_574 : i32 to index
    %swap3A_576 = arith.constant 32 : index
    %swap3A_577 = tpu.vector_load %arg10[%swap3A_575, %swap3A_576] {strides = array<i32>} : memref<10x128xi32, #tpu.memory_space<vmem>>, vector<16xi32>,
    tpu.vector_store %arg10[%swap3A_575, %swap3A_576], %gather3A_573 {strides = array<i32>} : memref<10x128xi32, #tpu.memory_space<vmem>>, vector<16xi32>,
    %iota3A_578 = tpu.iota {dimensions = array<i32: 0>} : vector<16xi32>
    %add3A_579 = arith.constant 48 : i32
    %add3A_580 = vector.broadcast %add3A_579 : i32 to vector<16xi32>
    %add3A_581 = arith.addi %iota3A_578, %add3A_580 : vector<16xi32>
    %gather3A_582 = tpu.vector_load_idx %arg8[%add3A_581, %broadcast_in_dim3A_550] : memref<128x10xi32, #tpu.memory_space<vmem>>[vector<16xi32>, vector<16xi32>], vector<16xi32>,
    %swap3A_583 = arith.constant 7 : i32
    %swap3A_584 = arith.index_cast %swap3A_583 : i32 to index
    %swap3A_585 = arith.constant 48 : index
    %swap3A_586 = tpu.vector_load %arg10[%swap3A_584, %swap3A_585] {strides = array<i32>} : memref<10x128xi32, #tpu.memory_space<vmem>>, vector<16xi32>,
    tpu.vector_store %arg10[%swap3A_584, %swap3A_585], %gather3A_582 {strides = array<i32>} : memref<10x128xi32, #tpu.memory_space<vmem>>, vector<16xi32>,
    %iota3A_587 = tpu.iota {dimensions = array<i32: 0>} : vector<16xi32>
    %add3A_588 = arith.constant 64 : i32
    %add3A_589 = vector.broadcast %add3A_588 : i32 to vector<16xi32>
    %add3A_590 = arith.addi %iota3A_587, %add3A_589 : vector<16xi32>
    %gather3A_591 = tpu.vector_load_idx %arg8[%add3A_590, %broadcast_in_dim3A_550] : memref<128x10xi32, #tpu.memory_space<vmem>>[vector<16xi32>, vector<16xi32>], vector<16xi32>,
    %swap3A_592 = arith.constant 7 : i32
    %swap3A_593 = arith.index_cast %swap3A_592 : i32 to index
    %swap3A_594 = arith.constant 64 : index
    %swap3A_595 = tpu.vector_load %arg10[%swap3A_593, %swap3A_594] {strides = array<i32>} : memref<10x128xi32, #tpu.memory_space<vmem>>, vector<16xi32>,
    tpu.vector_store %arg10[%swap3A_593, %swap3A_594], %gather3A_591 {strides = array<i32>} : memref<10x128xi32, #tpu.memory_space<vmem>>, vector<16xi32>,
    %iota3A_596 = tpu.iota {dimensions = array<i32: 0>} : vector<16xi32>
    %add3A_597 = arith.constant 80 : i32
    %add3A_598 = vector.broadcast %add3A_597 : i32 to vector<16xi32>
    %add3A_599 = arith.addi %iota3A_596, %add3A_598 : vector<16xi32>
    %gather3A_600 = tpu.vector_load_idx %arg8[%add3A_599, %broadcast_in_dim3A_550] : memref<128x10xi32, #tpu.memory_space<vmem>>[vector<16xi32>, vector<16xi32>], vector<16xi32>,
    %swap3A_601 = arith.constant 7 : i32
    %swap3A_602 = arith.index_cast %swap3A_601 : i32 to index
    %swap3A_603 = arith.constant 80 : index
    %swap3A_604 = tpu.vector_load %arg10[%swap3A_602, %swap3A_603] {strides = array<i32>} : memref<10x128xi32, #tpu.memory_space<vmem>>, vector<16xi32>,
    tpu.vector_store %arg10[%swap3A_602, %swap3A_603], %gather3A_600 {strides = array<i32>} : memref<10x128xi32, #tpu.memory_space<vmem>>, vector<16xi32>,
    %iota3A_605 = tpu.iota {dimensions = array<i32: 0>} : vector<16xi32>
    %add3A_606 = arith.constant 96 : i32
    %add3A_607 = vector.broadcast %add3A_606 : i32 to vector<16xi32>
    %add3A_608 = arith.addi %iota3A_605, %add3A_607 : vector<16xi32>
    %gather3A_609 = tpu.vector_load_idx %arg8[%add3A_608, %broadcast_in_dim3A_550] : memref<128x10xi32, #tpu.memory_space<vmem>>[vector<16xi32>, vector<16xi32>], vector<16xi32>,
    %swap3A_610 = arith.constant 7 : i32
    %swap3A_611 = arith.index_cast %swap3A_610 : i32 to index
    %swap3A_612 = arith.constant 96 : index
    %swap3A_613 = tpu.vector_load %arg10[%swap3A_611, %swap3A_612] {strides = array<i32>} : memref<10x128xi32, #tpu.memory_space<vmem>>, vector<16xi32>,
    tpu.vector_store %arg10[%swap3A_611, %swap3A_612], %gather3A_609 {strides = array<i32>} : memref<10x128xi32, #tpu.memory_space<vmem>>, vector<16xi32>,
    %iota3A_614 = tpu.iota {dimensions = array<i32: 0>} : vector<16xi32>
    %add3A_615 = arith.constant 112 : i32
    %add3A_616 = vector.broadcast %add3A_615 : i32 to vector<16xi32>
    %add3A_617 = arith.addi %iota3A_614, %add3A_616 : vector<16xi32>
    %gather3A_618 = tpu.vector_load_idx %arg8[%add3A_617, %broadcast_in_dim3A_550] : memref<128x10xi32, #tpu.memory_space<vmem>>[vector<16xi32>, vector<16xi32>], vector<16xi32>,
    %swap3A_619 = arith.constant 7 : i32
    %swap3A_620 = arith.index_cast %swap3A_619 : i32 to index
    %swap3A_621 = arith.constant 112 : index
    %swap3A_622 = tpu.vector_load %arg10[%swap3A_620, %swap3A_621] {strides = array<i32>} : memref<10x128xi32, #tpu.memory_space<vmem>>, vector<16xi32>,
    tpu.vector_store %arg10[%swap3A_620, %swap3A_621], %gather3A_618 {strides = array<i32>} : memref<10x128xi32, #tpu.memory_space<vmem>>, vector<16xi32>,
    %broadcast_in_dim3A_623 = arith.constant 8 : i32
    %broadcast_in_dim3A_624 = vector.broadcast %broadcast_in_dim3A_623 : i32 to vector<16xi32>
    %iota3A_625 = tpu.iota {dimensions = array<i32: 0>} : vector<16xi32>
    %add3A_626 = arith.constant 0 : i32
    %add3A_627 = vector.broadcast %add3A_626 : i32 to vector<16xi32>
    %add3A_628 = arith.addi %iota3A_625, %add3A_627 : vector<16xi32>
    %gather3A_629 = tpu.vector_load_idx %arg8[%add3A_628, %broadcast_in_dim3A_624] : memref<128x10xi32, #tpu.memory_space<vmem>>[vector<16xi32>, vector<16xi32>], vector<16xi32>,
    %swap3A_630 = arith.constant 8 : i32
    %swap3A_631 = arith.index_cast %swap3A_630 : i32 to index
    %swap3A_632 = arith.constant 0 : index
    %swap3A_633 = tpu.vector_load %arg10[%swap3A_631, %swap3A_632] {strides = array<i32>} : memref<10x128xi32, #tpu.memory_space<vmem>>, vector<16xi32>,
    tpu.vector_store %arg10[%swap3A_631, %swap3A_632], %gather3A_629 {strides = array<i32>} : memref<10x128xi32, #tpu.memory_space<vmem>>, vector<16xi32>,
    %iota3A_634 = tpu.iota {dimensions = array<i32: 0>} : vector<16xi32>
    %add3A_635 = arith.constant 16 : i32
    %add3A_636 = vector.broadcast %add3A_635 : i32 to vector<16xi32>
    %add3A_637 = arith.addi %iota3A_634, %add3A_636 : vector<16xi32>
    %gather3A_638 = tpu.vector_load_idx %arg8[%add3A_637, %broadcast_in_dim3A_624] : memref<128x10xi32, #tpu.memory_space<vmem>>[vector<16xi32>, vector<16xi32>], vector<16xi32>,
    %swap3A_639 = arith.constant 8 : i32
    %swap3A_640 = arith.index_cast %swap3A_639 : i32 to index
    %swap3A_641 = arith.constant 16 : index
    %swap3A_642 = tpu.vector_load %arg10[%swap3A_640, %swap3A_641] {strides = array<i32>} : memref<10x128xi32, #tpu.memory_space<vmem>>, vector<16xi32>,
    tpu.vector_store %arg10[%swap3A_640, %swap3A_641], %gather3A_638 {strides = array<i32>} : memref<10x128xi32, #tpu.memory_space<vmem>>, vector<16xi32>,
    %iota3A_643 = tpu.iota {dimensions = array<i32: 0>} : vector<16xi32>
    %add3A_644 = arith.constant 32 : i32
    %add3A_645 = vector.broadcast %add3A_644 : i32 to vector<16xi32>
    %add3A_646 = arith.addi %iota3A_643, %add3A_645 : vector<16xi32>
    %gather3A_647 = tpu.vector_load_idx %arg8[%add3A_646, %broadcast_in_dim3A_624] : memref<128x10xi32, #tpu.memory_space<vmem>>[vector<16xi32>, vector<16xi32>], vector<16xi32>,
    %swap3A_648 = arith.constant 8 : i32
    %swap3A_649 = arith.index_cast %swap3A_648 : i32 to index
    %swap3A_650 = arith.constant 32 : index
    %swap3A_651 = tpu.vector_load %arg10[%swap3A_649, %swap3A_650] {strides = array<i32>} : memref<10x128xi32, #tpu.memory_space<vmem>>, vector<16xi32>,
    tpu.vector_store %arg10[%swap3A_649, %swap3A_650], %gather3A_647 {strides = array<i32>} : memref<10x128xi32, #tpu.memory_space<vmem>>, vector<16xi32>,
    %iota3A_652 = tpu.iota {dimensions = array<i32: 0>} : vector<16xi32>
    %add3A_653 = arith.constant 48 : i32
    %add3A_654 = vector.broadcast %add3A_653 : i32 to vector<16xi32>
    %add3A_655 = arith.addi %iota3A_652, %add3A_654 : vector<16xi32>
    %gather3A_656 = tpu.vector_load_idx %arg8[%add3A_655, %broadcast_in_dim3A_624] : memref<128x10xi32, #tpu.memory_space<vmem>>[vector<16xi32>, vector<16xi32>], vector<16xi32>,
    %swap3A_657 = arith.constant 8 : i32
    %swap3A_658 = arith.index_cast %swap3A_657 : i32 to index
    %swap3A_659 = arith.constant 48 : index
    %swap3A_660 = tpu.vector_load %arg10[%swap3A_658, %swap3A_659] {strides = array<i32>} : memref<10x128xi32, #tpu.memory_space<vmem>>, vector<16xi32>,
    tpu.vector_store %arg10[%swap3A_658, %swap3A_659], %gather3A_656 {strides = array<i32>} : memref<10x128xi32, #tpu.memory_space<vmem>>, vector<16xi32>,
    %iota3A_661 = tpu.iota {dimensions = array<i32: 0>} : vector<16xi32>
    %add3A_662 = arith.constant 64 : i32
    %add3A_663 = vector.broadcast %add3A_662 : i32 to vector<16xi32>
    %add3A_664 = arith.addi %iota3A_661, %add3A_663 : vector<16xi32>
    %gather3A_665 = tpu.vector_load_idx %arg8[%add3A_664, %broadcast_in_dim3A_624] : memref<128x10xi32, #tpu.memory_space<vmem>>[vector<16xi32>, vector<16xi32>], vector<16xi32>,
    %swap3A_666 = arith.constant 8 : i32
    %swap3A_667 = arith.index_cast %swap3A_666 : i32 to index
    %swap3A_668 = arith.constant 64 : index
    %swap3A_669 = tpu.vector_load %arg10[%swap3A_667, %swap3A_668] {strides = array<i32>} : memref<10x128xi32, #tpu.memory_space<vmem>>, vector<16xi32>,
    tpu.vector_store %arg10[%swap3A_667, %swap3A_668], %gather3A_665 {strides = array<i32>} : memref<10x128xi32, #tpu.memory_space<vmem>>, vector<16xi32>,
    %iota3A_670 = tpu.iota {dimensions = array<i32: 0>} : vector<16xi32>
    %add3A_671 = arith.constant 80 : i32
    %add3A_672 = vector.broadcast %add3A_671 : i32 to vector<16xi32>
    %add3A_673 = arith.addi %iota3A_670, %add3A_672 : vector<16xi32>
    %gather3A_674 = tpu.vector_load_idx %arg8[%add3A_673, %broadcast_in_dim3A_624] : memref<128x10xi32, #tpu.memory_space<vmem>>[vector<16xi32>, vector<16xi32>], vector<16xi32>,
    %swap3A_675 = arith.constant 8 : i32
    %swap3A_676 = arith.index_cast %swap3A_675 : i32 to index
    %swap3A_677 = arith.constant 80 : index
    %swap3A_678 = tpu.vector_load %arg10[%swap3A_676, %swap3A_677] {strides = array<i32>} : memref<10x128xi32, #tpu.memory_space<vmem>>, vector<16xi32>,
    tpu.vector_store %arg10[%swap3A_676, %swap3A_677], %gather3A_674 {strides = array<i32>} : memref<10x128xi32, #tpu.memory_space<vmem>>, vector<16xi32>,
    %iota3A_679 = tpu.iota {dimensions = array<i32: 0>} : vector<16xi32>
    %add3A_680 = arith.constant 96 : i32
    %add3A_681 = vector.broadcast %add3A_680 : i32 to vector<16xi32>
    %add3A_682 = arith.addi %iota3A_679, %add3A_681 : vector<16xi32>
    %gather3A_683 = tpu.vector_load_idx %arg8[%add3A_682, %broadcast_in_dim3A_624] : memref<128x10xi32, #tpu.memory_space<vmem>>[vector<16xi32>, vector<16xi32>], vector<16xi32>,
    %swap3A_684 = arith.constant 8 : i32
    %swap3A_685 = arith.index_cast %swap3A_684 : i32 to index
    %swap3A_686 = arith.constant 96 : index
    %swap3A_687 = tpu.vector_load %arg10[%swap3A_685, %swap3A_686] {strides = array<i32>} : memref<10x128xi32, #tpu.memory_space<vmem>>, vector<16xi32>,
    tpu.vector_store %arg10[%swap3A_685, %swap3A_686], %gather3A_683 {strides = array<i32>} : memref<10x128xi32, #tpu.memory_space<vmem>>, vector<16xi32>,
    %iota3A_688 = tpu.iota {dimensions = array<i32: 0>} : vector<16xi32>
    %add3A_689 = arith.constant 112 : i32
    %add3A_690 = vector.broadcast %add3A_689 : i32 to vector<16xi32>
    %add3A_691 = arith.addi %iota3A_688, %add3A_690 : vector<16xi32>
    %gather3A_692 = tpu.vector_load_idx %arg8[%add3A_691, %broadcast_in_dim3A_624] : memref<128x10xi32, #tpu.memory_space<vmem>>[vector<16xi32>, vector<16xi32>], vector<16xi32>,
    %swap3A_693 = arith.constant 8 : i32
    %swap3A_694 = arith.index_cast %swap3A_693 : i32 to index
    %swap3A_695 = arith.constant 112 : index
    %swap3A_696 = tpu.vector_load %arg10[%swap3A_694, %swap3A_695] {strides = array<i32>} : memref<10x128xi32, #tpu.memory_space<vmem>>, vector<16xi32>,
    tpu.vector_store %arg10[%swap3A_694, %swap3A_695], %gather3A_692 {strides = array<i32>} : memref<10x128xi32, #tpu.memory_space<vmem>>, vector<16xi32>,
    %broadcast_in_dim3A_697 = arith.constant 9 : i32
    %broadcast_in_dim3A_698 = vector.broadcast %broadcast_in_dim3A_697 : i32 to vector<16xi32>
    %iota3A_699 = tpu.iota {dimensions = array<i32: 0>} : vector<16xi32>
    %add3A_700 = arith.constant 0 : i32
    %add3A_701 = vector.broadcast %add3A_700 : i32 to vector<16xi32>
    %add3A_702 = arith.addi %iota3A_699, %add3A_701 : vector<16xi32>
    %gather3A_703 = tpu.vector_load_idx %arg8[%add3A_702, %broadcast_in_dim3A_698] : memref<128x10xi32, #tpu.memory_space<vmem>>[vector<16xi32>, vector<16xi32>], vector<16xi32>,
    %swap3A_704 = arith.constant 9 : i32
    %swap3A_705 = arith.index_cast %swap3A_704 : i32 to index
    %swap3A_706 = arith.constant 0 : index
    %swap3A_707 = tpu.vector_load %arg10[%swap3A_705, %swap3A_706] {strides = array<i32>} : memref<10x128xi32, #tpu.memory_space<vmem>>, vector<16xi32>,
    tpu.vector_store %arg10[%swap3A_705, %swap3A_706], %gather3A_703 {strides = array<i32>} : memref<10x128xi32, #tpu.memory_space<vmem>>, vector<16xi32>,
    %iota3A_708 = tpu.iota {dimensions = array<i32: 0>} : vector<16xi32>
    %add3A_709 = arith.constant 16 : i32
    %add3A_710 = vector.broadcast %add3A_709 : i32 to vector<16xi32>
    %add3A_711 = arith.addi %iota3A_708, %add3A_710 : vector<16xi32>
    %gather3A_712 = tpu.vector_load_idx %arg8[%add3A_711, %broadcast_in_dim3A_698] : memref<128x10xi32, #tpu.memory_space<vmem>>[vector<16xi32>, vector<16xi32>], vector<16xi32>,
    %swap3A_713 = arith.constant 9 : i32
    %swap3A_714 = arith.index_cast %swap3A_713 : i32 to index
    %swap3A_715 = arith.constant 16 : index
    %swap3A_716 = tpu.vector_load %arg10[%swap3A_714, %swap3A_715] {strides = array<i32>} : memref<10x128xi32, #tpu.memory_space<vmem>>, vector<16xi32>,
    tpu.vector_store %arg10[%swap3A_714, %swap3A_715], %gather3A_712 {strides = array<i32>} : memref<10x128xi32, #tpu.memory_space<vmem>>, vector<16xi32>,
    %iota3A_717 = tpu.iota {dimensions = array<i32: 0>} : vector<16xi32>
    %add3A_718 = arith.constant 32 : i32
    %add3A_719 = vector.broadcast %add3A_718 : i32 to vector<16xi32>
    %add3A_720 = arith.addi %iota3A_717, %add3A_719 : vector<16xi32>
    %gather3A_721 = tpu.vector_load_idx %arg8[%add3A_720, %broadcast_in_dim3A_698] : memref<128x10xi32, #tpu.memory_space<vmem>>[vector<16xi32>, vector<16xi32>], vector<16xi32>,
    %swap3A_722 = arith.constant 9 : i32
    %swap3A_723 = arith.index_cast %swap3A_722 : i32 to index
    %swap3A_724 = arith.constant 32 : index
    %swap3A_725 = tpu.vector_load %arg10[%swap3A_723, %swap3A_724] {strides = array<i32>} : memref<10x128xi32, #tpu.memory_space<vmem>>, vector<16xi32>,
    tpu.vector_store %arg10[%swap3A_723, %swap3A_724], %gather3A_721 {strides = array<i32>} : memref<10x128xi32, #tpu.memory_space<vmem>>, vector<16xi32>,
    %iota3A_726 = tpu.iota {dimensions = array<i32: 0>} : vector<16xi32>
    %add3A_727 = arith.constant 48 : i32
    %add3A_728 = vector.broadcast %add3A_727 : i32 to vector<16xi32>
    %add3A_729 = arith.addi %iota3A_726, %add3A_728 : vector<16xi32>
    %gather3A_730 = tpu.vector_load_idx %arg8[%add3A_729, %broadcast_in_dim3A_698] : memref<128x10xi32, #tpu.memory_space<vmem>>[vector<16xi32>, vector<16xi32>], vector<16xi32>,
    %swap3A_731 = arith.constant 9 : i32
    %swap3A_732 = arith.index_cast %swap3A_731 : i32 to index
    %swap3A_733 = arith.constant 48 : index
    %swap3A_734 = tpu.vector_load %arg10[%swap3A_732, %swap3A_733] {strides = array<i32>} : memref<10x128xi32, #tpu.memory_space<vmem>>, vector<16xi32>,
    tpu.vector_store %arg10[%swap3A_732, %swap3A_733], %gather3A_730 {strides = array<i32>} : memref<10x128xi32, #tpu.memory_space<vmem>>, vector<16xi32>,
    %iota3A_735 = tpu.iota {dimensions = array<i32: 0>} : vector<16xi32>
    %add3A_736 = arith.constant 64 : i32
    %add3A_737 = vector.broadcast %add3A_736 : i32 to vector<16xi32>
    %add3A_738 = arith.addi %iota3A_735, %add3A_737 : vector<16xi32>
    %gather3A_739 = tpu.vector_load_idx %arg8[%add3A_738, %broadcast_in_dim3A_698] : memref<128x10xi32, #tpu.memory_space<vmem>>[vector<16xi32>, vector<16xi32>], vector<16xi32>,
    %swap3A_740 = arith.constant 9 : i32
    %swap3A_741 = arith.index_cast %swap3A_740 : i32 to index
    %swap3A_742 = arith.constant 64 : index
    %swap3A_743 = tpu.vector_load %arg10[%swap3A_741, %swap3A_742] {strides = array<i32>} : memref<10x128xi32, #tpu.memory_space<vmem>>, vector<16xi32>,
    tpu.vector_store %arg10[%swap3A_741, %swap3A_742], %gather3A_739 {strides = array<i32>} : memref<10x128xi32, #tpu.memory_space<vmem>>, vector<16xi32>,
    %iota3A_744 = tpu.iota {dimensions = array<i32: 0>} : vector<16xi32>
    %add3A_745 = arith.constant 80 : i32
    %add3A_746 = vector.broadcast %add3A_745 : i32 to vector<16xi32>
    %add3A_747 = arith.addi %iota3A_744, %add3A_746 : vector<16xi32>
    %gather3A_748 = tpu.vector_load_idx %arg8[%add3A_747, %broadcast_in_dim3A_698] : memref<128x10xi32, #tpu.memory_space<vmem>>[vector<16xi32>, vector<16xi32>], vector<16xi32>,
    %swap3A_749 = arith.constant 9 : i32
    %swap3A_750 = arith.index_cast %swap3A_749 : i32 to index
    %swap3A_751 = arith.constant 80 : index
    %swap3A_752 = tpu.vector_load %arg10[%swap3A_750, %swap3A_751] {strides = array<i32>} : memref<10x128xi32, #tpu.memory_space<vmem>>, vector<16xi32>,
    tpu.vector_store %arg10[%swap3A_750, %swap3A_751], %gather3A_748 {strides = array<i32>} : memref<10x128xi32, #tpu.memory_space<vmem>>, vector<16xi32>,
    %iota3A_753 = tpu.iota {dimensions = array<i32: 0>} : vector<16xi32>
    %add3A_754 = arith.constant 96 : i32
    %add3A_755 = vector.broadcast %add3A_754 : i32 to vector<16xi32>
    %add3A_756 = arith.addi %iota3A_753, %add3A_755 : vector<16xi32>
    %gather3A_757 = tpu.vector_load_idx %arg8[%add3A_756, %broadcast_in_dim3A_698] : memref<128x10xi32, #tpu.memory_space<vmem>>[vector<16xi32>, vector<16xi32>], vector<16xi32>,
    %swap3A_758 = arith.constant 9 : i32
    %swap3A_759 = arith.index_cast %swap3A_758 : i32 to index
    %swap3A_760 = arith.constant 96 : index
    %swap3A_761 = tpu.vector_load %arg10[%swap3A_759, %swap3A_760] {strides = array<i32>} : memref<10x128xi32, #tpu.memory_space<vmem>>, vector<16xi32>,
    tpu.vector_store %arg10[%swap3A_759, %swap3A_760], %gather3A_757 {strides = array<i32>} : memref<10x128xi32, #tpu.memory_space<vmem>>, vector<16xi32>,
    %iota3A_762 = tpu.iota {dimensions = array<i32: 0>} : vector<16xi32>
    %add3A_763 = arith.constant 112 : i32
    %add3A_764 = vector.broadcast %add3A_763 : i32 to vector<16xi32>
    %add3A_765 = arith.addi %iota3A_762, %add3A_764 : vector<16xi32>
    %gather3A_766 = tpu.vector_load_idx %arg8[%add3A_765, %broadcast_in_dim3A_698] : memref<128x10xi32, #tpu.memory_space<vmem>>[vector<16xi32>, vector<16xi32>], vector<16xi32>,
    %swap3A_767 = arith.constant 9 : i32
    %swap3A_768 = arith.index_cast %swap3A_767 : i32 to index
    %swap3A_769 = arith.constant 112 : index
    %swap3A_770 = tpu.vector_load %arg10[%swap3A_768, %swap3A_769] {strides = array<i32>} : memref<10x128xi32, #tpu.memory_space<vmem>>, vector<16xi32>,
    tpu.vector_store %arg10[%swap3A_768, %swap3A_769], %gather3A_766 {strides = array<i32>} : memref<10x128xi32, #tpu.memory_space<vmem>>, vector<16xi32>,
    %dma_start3A_771 = arith.constant 0 : i32
    %dma_start3A_772 = arith.constant 0 : i32
    %dma_start3A_773 = tpu.memref_slice %arg10[%dma_start3A_771, %dma_start3A_772] : memref<10x128xi32, #tpu.memory_space<vmem>> -> memref<1x128xi32, #tpu.memory_space<vmem>>
    %dma_start3A_774 = tpu.memref_squeeze %dma_start3A_773 : memref<1x128xi32, #tpu.memory_space<vmem>> -> memref<128xi32, #tpu.memory_space<vmem>>
    %dma_start3A_775 = arith.constant 0 : i32
    %dma_start3A_776 = arith.constant 0 : i32
    %dma_start3A_777 = tpu.memref_slice %arg2[%dma_start3A_775, %dma_start3A_776] : memref<50000x128xf32, #tpu.memory_space<hbm>> -> memref<50000x128xf32, #tpu.memory_space<hbm>>
    tpu.enqueue_indirect_dma source(%dma_start3A_777 : memref<50000x128xf32, #tpu.memory_space<hbm>>) target(%arg14 : memref<128x128xf32, #tpu.memory_space<vmem>>) offsets(%dma_start3A_774 : memref<128xi32, #tpu.memory_space<vmem>>) semaphore(%arg20 : memref<!tpu.dma_semaphore, #tpu.memory_space<semaphore_mem>>)
    %dma_wait3A_778 = arith.constant 0 : i32
    %dma_wait3A_779 = tpu.memref_slice %arg4[%add3A_13, %dma_wait3A_778] : memref<8192x10xi32, #tpu.memory_space<hbm>> -> memref<128x10xi32, #tpu.memory_space<hbm>>
    %dma_wait3A_780 = arith.constant 0 : i32
    %dma_wait3A_781 = tpu.memref_slice %arg4[%add3A_13, %dma_wait3A_780] : memref<8192x10xi32, #tpu.memory_space<hbm>> -> memref<128x10xi32, #tpu.memory_space<hbm>>
    tpu.wait_dma2 semaphore(%arg19 : memref<!tpu.dma_semaphore, #tpu.memory_space<semaphore_mem>>) src(%dma_wait3A_781 : memref<128x10xi32, #tpu.memory_space<hbm>>) dst(%arg9 : memref<128x10xi32, #tpu.memory_space<vmem>>)
    %broadcast_in_dim3A_782 = arith.constant 0 : i32
    %broadcast_in_dim3A_783 = vector.broadcast %broadcast_in_dim3A_782 : i32 to vector<16xi32>
    %iota3A_784 = tpu.iota {dimensions = array<i32: 0>} : vector<16xi32>
    %add3A_785 = arith.constant 0 : i32
    %add3A_786 = vector.broadcast %add3A_785 : i32 to vector<16xi32>
    %add3A_787 = arith.addi %iota3A_784, %add3A_786 : vector<16xi32>
    %gather3A_788 = tpu.vector_load_idx %arg9[%add3A_787, %broadcast_in_dim3A_783] : memref<128x10xi32, #tpu.memory_space<vmem>>[vector<16xi32>, vector<16xi32>], vector<16xi32>,
    %swap3A_789 = arith.constant 0 : i32
    %swap3A_790 = arith.index_cast %swap3A_789 : i32 to index
    %swap3A_791 = arith.constant 0 : index
    %swap3A_792 = tpu.vector_load %arg11[%swap3A_790, %swap3A_791] {strides = array<i32>} : memref<10x128xi32, #tpu.memory_space<vmem>>, vector<16xi32>,
    tpu.vector_store %arg11[%swap3A_790, %swap3A_791], %gather3A_788 {strides = array<i32>} : memref<10x128xi32, #tpu.memory_space<vmem>>, vector<16xi32>,
    %iota3A_793 = tpu.iota {dimensions = array<i32: 0>} : vector<16xi32>
    %add3A_794 = arith.constant 16 : i32
    %add3A_795 = vector.broadcast %add3A_794 : i32 to vector<16xi32>
    %add3A_796 = arith.addi %iota3A_793, %add3A_795 : vector<16xi32>
    %gather3A_797 = tpu.vector_load_idx %arg9[%add3A_796, %broadcast_in_dim3A_783] : memref<128x10xi32, #tpu.memory_space<vmem>>[vector<16xi32>, vector<16xi32>], vector<16xi32>,
    %swap3A_798 = arith.constant 0 : i32
    %swap3A_799 = arith.index_cast %swap3A_798 : i32 to index
    %swap3A_800 = arith.constant 16 : index
    %swap3A_801 = tpu.vector_load %arg11[%swap3A_799, %swap3A_800] {strides = array<i32>} : memref<10x128xi32, #tpu.memory_space<vmem>>, vector<16xi32>,
    tpu.vector_store %arg11[%swap3A_799, %swap3A_800], %gather3A_797 {strides = array<i32>} : memref<10x128xi32, #tpu.memory_space<vmem>>, vector<16xi32>,
    %iota3A_802 = tpu.iota {dimensions = array<i32: 0>} : vector<16xi32>
    %add3A_803 = arith.constant 32 : i32
    %add3A_804 = vector.broadcast %add3A_803 : i32 to vector<16xi32>
    %add3A_805 = arith.addi %iota3A_802, %add3A_804 : vector<16xi32>
    %gather3A_806 = tpu.vector_load_idx %arg9[%add3A_805, %broadcast_in_dim3A_783] : memref<128x10xi32, #tpu.memory_space<vmem>>[vector<16xi32>, vector<16xi32>], vector<16xi32>,
    %swap3A_807 = arith.constant 0 : i32
    %swap3A_808 = arith.index_cast %swap3A_807 : i32 to index
    %swap3A_809 = arith.constant 32 : index
    %swap3A_810 = tpu.vector_load %arg11[%swap3A_808, %swap3A_809] {strides = array<i32>} : memref<10x128xi32, #tpu.memory_space<vmem>>, vector<16xi32>,
    tpu.vector_store %arg11[%swap3A_808, %swap3A_809], %gather3A_806 {strides = array<i32>} : memref<10x128xi32, #tpu.memory_space<vmem>>, vector<16xi32>,
    %iota3A_811 = tpu.iota {dimensions = array<i32: 0>} : vector<16xi32>
    %add3A_812 = arith.constant 48 : i32
    %add3A_813 = vector.broadcast %add3A_812 : i32 to vector<16xi32>
    %add3A_814 = arith.addi %iota3A_811, %add3A_813 : vector<16xi32>
    %gather3A_815 = tpu.vector_load_idx %arg9[%add3A_814, %broadcast_in_dim3A_783] : memref<128x10xi32, #tpu.memory_space<vmem>>[vector<16xi32>, vector<16xi32>], vector<16xi32>,
    %swap3A_816 = arith.constant 0 : i32
    %swap3A_817 = arith.index_cast %swap3A_816 : i32 to index
    %swap3A_818 = arith.constant 48 : index
    %swap3A_819 = tpu.vector_load %arg11[%swap3A_817, %swap3A_818] {strides = array<i32>} : memref<10x128xi32, #tpu.memory_space<vmem>>, vector<16xi32>,
    tpu.vector_store %arg11[%swap3A_817, %swap3A_818], %gather3A_815 {strides = array<i32>} : memref<10x128xi32, #tpu.memory_space<vmem>>, vector<16xi32>,
    %iota3A_820 = tpu.iota {dimensions = array<i32: 0>} : vector<16xi32>
    %add3A_821 = arith.constant 64 : i32
    %add3A_822 = vector.broadcast %add3A_821 : i32 to vector<16xi32>
    %add3A_823 = arith.addi %iota3A_820, %add3A_822 : vector<16xi32>
    %gather3A_824 = tpu.vector_load_idx %arg9[%add3A_823, %broadcast_in_dim3A_783] : memref<128x10xi32, #tpu.memory_space<vmem>>[vector<16xi32>, vector<16xi32>], vector<16xi32>,
    %swap3A_825 = arith.constant 0 : i32
    %swap3A_826 = arith.index_cast %swap3A_825 : i32 to index
    %swap3A_827 = arith.constant 64 : index
    %swap3A_828 = tpu.vector_load %arg11[%swap3A_826, %swap3A_827] {strides = array<i32>} : memref<10x128xi32, #tpu.memory_space<vmem>>, vector<16xi32>,
    tpu.vector_store %arg11[%swap3A_826, %swap3A_827], %gather3A_824 {strides = array<i32>} : memref<10x128xi32, #tpu.memory_space<vmem>>, vector<16xi32>,
    %iota3A_829 = tpu.iota {dimensions = array<i32: 0>} : vector<16xi32>
    %add3A_830 = arith.constant 80 : i32
    %add3A_831 = vector.broadcast %add3A_830 : i32 to vector<16xi32>
    %add3A_832 = arith.addi %iota3A_829, %add3A_831 : vector<16xi32>
    %gather3A_833 = tpu.vector_load_idx %arg9[%add3A_832, %broadcast_in_dim3A_783] : memref<128x10xi32, #tpu.memory_space<vmem>>[vector<16xi32>, vector<16xi32>], vector<16xi32>,
    %swap3A_834 = arith.constant 0 : i32
    %swap3A_835 = arith.index_cast %swap3A_834 : i32 to index
    %swap3A_836 = arith.constant 80 : index
    %swap3A_837 = tpu.vector_load %arg11[%swap3A_835, %swap3A_836] {strides = array<i32>} : memref<10x128xi32, #tpu.memory_space<vmem>>, vector<16xi32>,
    tpu.vector_store %arg11[%swap3A_835, %swap3A_836], %gather3A_833 {strides = array<i32>} : memref<10x128xi32, #tpu.memory_space<vmem>>, vector<16xi32>,
    %iota3A_838 = tpu.iota {dimensions = array<i32: 0>} : vector<16xi32>
    %add3A_839 = arith.constant 96 : i32
    %add3A_840 = vector.broadcast %add3A_839 : i32 to vector<16xi32>
    %add3A_841 = arith.addi %iota3A_838, %add3A_840 : vector<16xi32>
    %gather3A_842 = tpu.vector_load_idx %arg9[%add3A_841, %broadcast_in_dim3A_783] : memref<128x10xi32, #tpu.memory_space<vmem>>[vector<16xi32>, vector<16xi32>], vector<16xi32>,
    %swap3A_843 = arith.constant 0 : i32
    %swap3A_844 = arith.index_cast %swap3A_843 : i32 to index
    %swap3A_845 = arith.constant 96 : index
    %swap3A_846 = tpu.vector_load %arg11[%swap3A_844, %swap3A_845] {strides = array<i32>} : memref<10x128xi32, #tpu.memory_space<vmem>>, vector<16xi32>,
    tpu.vector_store %arg11[%swap3A_844, %swap3A_845], %gather3A_842 {strides = array<i32>} : memref<10x128xi32, #tpu.memory_space<vmem>>, vector<16xi32>,
    %iota3A_847 = tpu.iota {dimensions = array<i32: 0>} : vector<16xi32>
    %add3A_848 = arith.constant 112 : i32
    %add3A_849 = vector.broadcast %add3A_848 : i32 to vector<16xi32>
    %add3A_850 = arith.addi %iota3A_847, %add3A_849 : vector<16xi32>
    %gather3A_851 = tpu.vector_load_idx %arg9[%add3A_850, %broadcast_in_dim3A_783] : memref<128x10xi32, #tpu.memory_space<vmem>>[vector<16xi32>, vector<16xi32>], vector<16xi32>,
    %swap3A_852 = arith.constant 0 : i32
    %swap3A_853 = arith.index_cast %swap3A_852 : i32 to index
    %swap3A_854 = arith.constant 112 : index
    %swap3A_855 = tpu.vector_load %arg11[%swap3A_853, %swap3A_854] {strides = array<i32>} : memref<10x128xi32, #tpu.memory_space<vmem>>, vector<16xi32>,
    tpu.vector_store %arg11[%swap3A_853, %swap3A_854], %gather3A_851 {strides = array<i32>} : memref<10x128xi32, #tpu.memory_space<vmem>>, vector<16xi32>,
    %broadcast_in_dim3A_856 = arith.constant 1 : i32
    %broadcast_in_dim3A_857 = vector.broadcast %broadcast_in_dim3A_856 : i32 to vector<16xi32>
    %iota3A_858 = tpu.iota {dimensions = array<i32: 0>} : vector<16xi32>
    %add3A_859 = arith.constant 0 : i32
    %add3A_860 = vector.broadcast %add3A_859 : i32 to vector<16xi32>
    %add3A_861 = arith.addi %iota3A_858, %add3A_860 : vector<16xi32>
    %gather3A_862 = tpu.vector_load_idx %arg9[%add3A_861, %broadcast_in_dim3A_857] : memref<128x10xi32, #tpu.memory_space<vmem>>[vector<16xi32>, vector<16xi32>], vector<16xi32>,
    %swap3A_863 = arith.constant 1 : i32
    %swap3A_864 = arith.index_cast %swap3A_863 : i32 to index
    %swap3A_865 = arith.constant 0 : index
    %swap3A_866 = tpu.vector_load %arg11[%swap3A_864, %swap3A_865] {strides = array<i32>} : memref<10x128xi32, #tpu.memory_space<vmem>>, vector<16xi32>,
    tpu.vector_store %arg11[%swap3A_864, %swap3A_865], %gather3A_862 {strides = array<i32>} : memref<10x128xi32, #tpu.memory_space<vmem>>, vector<16xi32>,
    %iota3A_867 = tpu.iota {dimensions = array<i32: 0>} : vector<16xi32>
    %add3A_868 = arith.constant 16 : i32
    %add3A_869 = vector.broadcast %add3A_868 : i32 to vector<16xi32>
    %add3A_870 = arith.addi %iota3A_867, %add3A_869 : vector<16xi32>
    %gather3A_871 = tpu.vector_load_idx %arg9[%add3A_870, %broadcast_in_dim3A_857] : memref<128x10xi32, #tpu.memory_space<vmem>>[vector<16xi32>, vector<16xi32>], vector<16xi32>,
    %swap3A_872 = arith.constant 1 : i32
    %swap3A_873 = arith.index_cast %swap3A_872 : i32 to index
    %swap3A_874 = arith.constant 16 : index
    %swap3A_875 = tpu.vector_load %arg11[%swap3A_873, %swap3A_874] {strides = array<i32>} : memref<10x128xi32, #tpu.memory_space<vmem>>, vector<16xi32>,
    tpu.vector_store %arg11[%swap3A_873, %swap3A_874], %gather3A_871 {strides = array<i32>} : memref<10x128xi32, #tpu.memory_space<vmem>>, vector<16xi32>,
    %iota3A_876 = tpu.iota {dimensions = array<i32: 0>} : vector<16xi32>
    %add3A_877 = arith.constant 32 : i32
    %add3A_878 = vector.broadcast %add3A_877 : i32 to vector<16xi32>
    %add3A_879 = arith.addi %iota3A_876, %add3A_878 : vector<16xi32>
    %gather3A_880 = tpu.vector_load_idx %arg9[%add3A_879, %broadcast_in_dim3A_857] : memref<128x10xi32, #tpu.memory_space<vmem>>[vector<16xi32>, vector<16xi32>], vector<16xi32>,
    %swap3A_881 = arith.constant 1 : i32
    %swap3A_882 = arith.index_cast %swap3A_881 : i32 to index
    %swap3A_883 = arith.constant 32 : index
    %swap3A_884 = tpu.vector_load %arg11[%swap3A_882, %swap3A_883] {strides = array<i32>} : memref<10x128xi32, #tpu.memory_space<vmem>>, vector<16xi32>,
    tpu.vector_store %arg11[%swap3A_882, %swap3A_883], %gather3A_880 {strides = array<i32>} : memref<10x128xi32, #tpu.memory_space<vmem>>, vector<16xi32>,
    %iota3A_885 = tpu.iota {dimensions = array<i32: 0>} : vector<16xi32>
    %add3A_886 = arith.constant 48 : i32
    %add3A_887 = vector.broadcast %add3A_886 : i32 to vector<16xi32>
    %add3A_888 = arith.addi %iota3A_885, %add3A_887 : vector<16xi32>
    %gather3A_889 = tpu.vector_load_idx %arg9[%add3A_888, %broadcast_in_dim3A_857] : memref<128x10xi32, #tpu.memory_space<vmem>>[vector<16xi32>, vector<16xi32>], vector<16xi32>,
    %swap3A_890 = arith.constant 1 : i32
    %swap3A_891 = arith.index_cast %swap3A_890 : i32 to index
    %swap3A_892 = arith.constant 48 : index
    %swap3A_893 = tpu.vector_load %arg11[%swap3A_891, %swap3A_892] {strides = array<i32>} : memref<10x128xi32, #tpu.memory_space<vmem>>, vector<16xi32>,
    tpu.vector_store %arg11[%swap3A_891, %swap3A_892], %gather3A_889 {strides = array<i32>} : memref<10x128xi32, #tpu.memory_space<vmem>>, vector<16xi32>,
    %iota3A_894 = tpu.iota {dimensions = array<i32: 0>} : vector<16xi32>
    %add3A_895 = arith.constant 64 : i32
    %add3A_896 = vector.broadcast %add3A_895 : i32 to vector<16xi32>
    %add3A_897 = arith.addi %iota3A_894, %add3A_896 : vector<16xi32>
    %gather3A_898 = tpu.vector_load_idx %arg9[%add3A_897, %broadcast_in_dim3A_857] : memref<128x10xi32, #tpu.memory_space<vmem>>[vector<16xi32>, vector<16xi32>], vector<16xi32>,
    %swap3A_899 = arith.constant 1 : i32
    %swap3A_900 = arith.index_cast %swap3A_899 : i32 to index
    %swap3A_901 = arith.constant 64 : index
    %swap3A_902 = tpu.vector_load %arg11[%swap3A_900, %swap3A_901] {strides = array<i32>} : memref<10x128xi32, #tpu.memory_space<vmem>>, vector<16xi32>,
    tpu.vector_store %arg11[%swap3A_900, %swap3A_901], %gather3A_898 {strides = array<i32>} : memref<10x128xi32, #tpu.memory_space<vmem>>, vector<16xi32>,
    %iota3A_903 = tpu.iota {dimensions = array<i32: 0>} : vector<16xi32>
    %add3A_904 = arith.constant 80 : i32
    %add3A_905 = vector.broadcast %add3A_904 : i32 to vector<16xi32>
    %add3A_906 = arith.addi %iota3A_903, %add3A_905 : vector<16xi32>
    %gather3A_907 = tpu.vector_load_idx %arg9[%add3A_906, %broadcast_in_dim3A_857] : memref<128x10xi32, #tpu.memory_space<vmem>>[vector<16xi32>, vector<16xi32>], vector<16xi32>,
    %swap3A_908 = arith.constant 1 : i32
    %swap3A_909 = arith.index_cast %swap3A_908 : i32 to index
    %swap3A_910 = arith.constant 80 : index
    %swap3A_911 = tpu.vector_load %arg11[%swap3A_909, %swap3A_910] {strides = array<i32>} : memref<10x128xi32, #tpu.memory_space<vmem>>, vector<16xi32>,
    tpu.vector_store %arg11[%swap3A_909, %swap3A_910], %gather3A_907 {strides = array<i32>} : memref<10x128xi32, #tpu.memory_space<vmem>>, vector<16xi32>,
    %iota3A_912 = tpu.iota {dimensions = array<i32: 0>} : vector<16xi32>
    %add3A_913 = arith.constant 96 : i32
    %add3A_914 = vector.broadcast %add3A_913 : i32 to vector<16xi32>
    %add3A_915 = arith.addi %iota3A_912, %add3A_914 : vector<16xi32>
    %gather3A_916 = tpu.vector_load_idx %arg9[%add3A_915, %broadcast_in_dim3A_857] : memref<128x10xi32, #tpu.memory_space<vmem>>[vector<16xi32>, vector<16xi32>], vector<16xi32>,
    %swap3A_917 = arith.constant 1 : i32
    %swap3A_918 = arith.index_cast %swap3A_917 : i32 to index
    %swap3A_919 = arith.constant 96 : index
    %swap3A_920 = tpu.vector_load %arg11[%swap3A_918, %swap3A_919] {strides = array<i32>} : memref<10x128xi32, #tpu.memory_space<vmem>>, vector<16xi32>,
    tpu.vector_store %arg11[%swap3A_918, %swap3A_919], %gather3A_916 {strides = array<i32>} : memref<10x128xi32, #tpu.memory_space<vmem>>, vector<16xi32>,
    %iota3A_921 = tpu.iota {dimensions = array<i32: 0>} : vector<16xi32>
    %add3A_922 = arith.constant 112 : i32
    %add3A_923 = vector.broadcast %add3A_922 : i32 to vector<16xi32>
    %add3A_924 = arith.addi %iota3A_921, %add3A_923 : vector<16xi32>
    %gather3A_925 = tpu.vector_load_idx %arg9[%add3A_924, %broadcast_in_dim3A_857] : memref<128x10xi32, #tpu.memory_space<vmem>>[vector<16xi32>, vector<16xi32>], vector<16xi32>,
    %swap3A_926 = arith.constant 1 : i32
    %swap3A_927 = arith.index_cast %swap3A_926 : i32 to index
    %swap3A_928 = arith.constant 112 : index
    %swap3A_929 = tpu.vector_load %arg11[%swap3A_927, %swap3A_928] {strides = array<i32>} : memref<10x128xi32, #tpu.memory_space<vmem>>, vector<16xi32>,
    tpu.vector_store %arg11[%swap3A_927, %swap3A_928], %gather3A_925 {strides = array<i32>} : memref<10x128xi32, #tpu.memory_space<vmem>>, vector<16xi32>,
    %broadcast_in_dim3A_930 = arith.constant 2 : i32
    %broadcast_in_dim3A_931 = vector.broadcast %broadcast_in_dim3A_930 : i32 to vector<16xi32>
    %iota3A_932 = tpu.iota {dimensions = array<i32: 0>} : vector<16xi32>
    %add3A_933 = arith.constant 0 : i32
    %add3A_934 = vector.broadcast %add3A_933 : i32 to vector<16xi32>
    %add3A_935 = arith.addi %iota3A_932, %add3A_934 : vector<16xi32>
    %gather3A_936 = tpu.vector_load_idx %arg9[%add3A_935, %broadcast_in_dim3A_931] : memref<128x10xi32, #tpu.memory_space<vmem>>[vector<16xi32>, vector<16xi32>], vector<16xi32>,
    %swap3A_937 = arith.constant 2 : i32
    %swap3A_938 = arith.index_cast %swap3A_937 : i32 to index
    %swap3A_939 = arith.constant 0 : index
    %swap3A_940 = tpu.vector_load %arg11[%swap3A_938, %swap3A_939] {strides = array<i32>} : memref<10x128xi32, #tpu.memory_space<vmem>>, vector<16xi32>,
    tpu.vector_store %arg11[%swap3A_938, %swap3A_939], %gather3A_936 {strides = array<i32>} : memref<10x128xi32, #tpu.memory_space<vmem>>, vector<16xi32>,
    %iota3A_941 = tpu.iota {dimensions = array<i32: 0>} : vector<16xi32>
    %add3A_942 = arith.constant 16 : i32
    %add3A_943 = vector.broadcast %add3A_942 : i32 to vector<16xi32>
    %add3A_944 = arith.addi %iota3A_941, %add3A_943 : vector<16xi32>
    %gather3A_945 = tpu.vector_load_idx %arg9[%add3A_944, %broadcast_in_dim3A_931] : memref<128x10xi32, #tpu.memory_space<vmem>>[vector<16xi32>, vector<16xi32>], vector<16xi32>,
    %swap3A_946 = arith.constant 2 : i32
    %swap3A_947 = arith.index_cast %swap3A_946 : i32 to index
    %swap3A_948 = arith.constant 16 : index
    %swap3A_949 = tpu.vector_load %arg11[%swap3A_947, %swap3A_948] {strides = array<i32>} : memref<10x128xi32, #tpu.memory_space<vmem>>, vector<16xi32>,
    tpu.vector_store %arg11[%swap3A_947, %swap3A_948], %gather3A_945 {strides = array<i32>} : memref<10x128xi32, #tpu.memory_space<vmem>>, vector<16xi32>,
    %iota3A_950 = tpu.iota {dimensions = array<i32: 0>} : vector<16xi32>
    %add3A_951 = arith.constant 32 : i32
    %add3A_952 = vector.broadcast %add3A_951 : i32 to vector<16xi32>
    %add3A_953 = arith.addi %iota3A_950, %add3A_952 : vector<16xi32>
    %gather3A_954 = tpu.vector_load_idx %arg9[%add3A_953, %broadcast_in_dim3A_931] : memref<128x10xi32, #tpu.memory_space<vmem>>[vector<16xi32>, vector<16xi32>], vector<16xi32>,
    %swap3A_955 = arith.constant 2 : i32
    %swap3A_956 = arith.index_cast %swap3A_955 : i32 to index
    %swap3A_957 = arith.constant 32 : index
    %swap3A_958 = tpu.vector_load %arg11[%swap3A_956, %swap3A_957] {strides = array<i32>} : memref<10x128xi32, #tpu.memory_space<vmem>>, vector<16xi32>,
    tpu.vector_store %arg11[%swap3A_956, %swap3A_957], %gather3A_954 {strides = array<i32>} : memref<10x128xi32, #tpu.memory_space<vmem>>, vector<16xi32>,
    %iota3A_959 = tpu.iota {dimensions = array<i32: 0>} : vector<16xi32>
    %add3A_960 = arith.constant 48 : i32
    %add3A_961 = vector.broadcast %add3A_960 : i32 to vector<16xi32>
    %add3A_962 = arith.addi %iota3A_959, %add3A_961 : vector<16xi32>
    %gather3A_963 = tpu.vector_load_idx %arg9[%add3A_962, %broadcast_in_dim3A_931] : memref<128x10xi32, #tpu.memory_space<vmem>>[vector<16xi32>, vector<16xi32>], vector<16xi32>,
    %swap3A_964 = arith.constant 2 : i32
    %swap3A_965 = arith.index_cast %swap3A_964 : i32 to index
    %swap3A_966 = arith.constant 48 : index
    %swap3A_967 = tpu.vector_load %arg11[%swap3A_965, %swap3A_966] {strides = array<i32>} : memref<10x128xi32, #tpu.memory_space<vmem>>, vector<16xi32>,
    tpu.vector_store %arg11[%swap3A_965, %swap3A_966], %gather3A_963 {strides = array<i32>} : memref<10x128xi32, #tpu.memory_space<vmem>>, vector<16xi32>,
    %iota3A_968 = tpu.iota {dimensions = array<i32: 0>} : vector<16xi32>
    %add3A_969 = arith.constant 64 : i32
    %add3A_970 = vector.broadcast %add3A_969 : i32 to vector<16xi32>
    %add3A_971 = arith.addi %iota3A_968, %add3A_970 : vector<16xi32>
    %gather3A_972 = tpu.vector_load_idx %arg9[%add3A_971, %broadcast_in_dim3A_931] : memref<128x10xi32, #tpu.memory_space<vmem>>[vector<16xi32>, vector<16xi32>], vector<16xi32>,
    %swap3A_973 = arith.constant 2 : i32
    %swap3A_974 = arith.index_cast %swap3A_973 : i32 to index
    %swap3A_975 = arith.constant 64 : index
    %swap3A_976 = tpu.vector_load %arg11[%swap3A_974, %swap3A_975] {strides = array<i32>} : memref<10x128xi32, #tpu.memory_space<vmem>>, vector<16xi32>,
    tpu.vector_store %arg11[%swap3A_974, %swap3A_975], %gather3A_972 {strides = array<i32>} : memref<10x128xi32, #tpu.memory_space<vmem>>, vector<16xi32>,
    %iota3A_977 = tpu.iota {dimensions = array<i32: 0>} : vector<16xi32>
    %add3A_978 = arith.constant 80 : i32
    %add3A_979 = vector.broadcast %add3A_978 : i32 to vector<16xi32>
    %add3A_980 = arith.addi %iota3A_977, %add3A_979 : vector<16xi32>
    %gather3A_981 = tpu.vector_load_idx %arg9[%add3A_980, %broadcast_in_dim3A_931] : memref<128x10xi32, #tpu.memory_space<vmem>>[vector<16xi32>, vector<16xi32>], vector<16xi32>,
    %swap3A_982 = arith.constant 2 : i32
    %swap3A_983 = arith.index_cast %swap3A_982 : i32 to index
    %swap3A_984 = arith.constant 80 : index
    %swap3A_985 = tpu.vector_load %arg11[%swap3A_983, %swap3A_984] {strides = array<i32>} : memref<10x128xi32, #tpu.memory_space<vmem>>, vector<16xi32>,
    tpu.vector_store %arg11[%swap3A_983, %swap3A_984], %gather3A_981 {strides = array<i32>} : memref<10x128xi32, #tpu.memory_space<vmem>>, vector<16xi32>,
    %iota3A_986 = tpu.iota {dimensions = array<i32: 0>} : vector<16xi32>
    %add3A_987 = arith.constant 96 : i32
    %add3A_988 = vector.broadcast %add3A_987 : i32 to vector<16xi32>
    %add3A_989 = arith.addi %iota3A_986, %add3A_988 : vector<16xi32>
    %gather3A_990 = tpu.vector_load_idx %arg9[%add3A_989, %broadcast_in_dim3A_931] : memref<128x10xi32, #tpu.memory_space<vmem>>[vector<16xi32>, vector<16xi32>], vector<16xi32>,
    %swap3A_991 = arith.constant 2 : i32
    %swap3A_992 = arith.index_cast %swap3A_991 : i32 to index
    %swap3A_993 = arith.constant 96 : index
    %swap3A_994 = tpu.vector_load %arg11[%swap3A_992, %swap3A_993] {strides = array<i32>} : memref<10x128xi32, #tpu.memory_space<vmem>>, vector<16xi32>,
    tpu.vector_store %arg11[%swap3A_992, %swap3A_993], %gather3A_990 {strides = array<i32>} : memref<10x128xi32, #tpu.memory_space<vmem>>, vector<16xi32>,
    %iota3A_995 = tpu.iota {dimensions = array<i32: 0>} : vector<16xi32>
    %add3A_996 = arith.constant 112 : i32
    %add3A_997 = vector.broadcast %add3A_996 : i32 to vector<16xi32>
    %add3A_998 = arith.addi %iota3A_995, %add3A_997 : vector<16xi32>
    %gather3A_999 = tpu.vector_load_idx %arg9[%add3A_998, %broadcast_in_dim3A_931] : memref<128x10xi32, #tpu.memory_space<vmem>>[vector<16xi32>, vector<16xi32>], vector<16xi32>,
    %swap3A_1000 = arith.constant 2 : i32
    %swap3A_1001 = arith.index_cast %swap3A_1000 : i32 to index
    %swap3A_1002 = arith.constant 112 : index
    %swap3A_1003 = tpu.vector_load %arg11[%swap3A_1001, %swap3A_1002] {strides = array<i32>} : memref<10x128xi32, #tpu.memory_space<vmem>>, vector<16xi32>,
    tpu.vector_store %arg11[%swap3A_1001, %swap3A_1002], %gather3A_999 {strides = array<i32>} : memref<10x128xi32, #tpu.memory_space<vmem>>, vector<16xi32>,
    %broadcast_in_dim3A_1004 = arith.constant 3 : i32
    %broadcast_in_dim3A_1005 = vector.broadcast %broadcast_in_dim3A_1004 : i32 to vector<16xi32>
    %iota3A_1006 = tpu.iota {dimensions = array<i32: 0>} : vector<16xi32>
    %add3A_1007 = arith.constant 0 : i32
    %add3A_1008 = vector.broadcast %add3A_1007 : i32 to vector<16xi32>
    %add3A_1009 = arith.addi %iota3A_1006, %add3A_1008 : vector<16xi32>
    %gather3A_1010 = tpu.vector_load_idx %arg9[%add3A_1009, %broadcast_in_dim3A_1005] : memref<128x10xi32, #tpu.memory_space<vmem>>[vector<16xi32>, vector<16xi32>], vector<16xi32>,
    %swap3A_1011 = arith.constant 3 : i32
    %swap3A_1012 = arith.index_cast %swap3A_1011 : i32 to index
    %swap3A_1013 = arith.constant 0 : index
    %swap3A_1014 = tpu.vector_load %arg11[%swap3A_1012, %swap3A_1013] {strides = array<i32>} : memref<10x128xi32, #tpu.memory_space<vmem>>, vector<16xi32>,
    tpu.vector_store %arg11[%swap3A_1012, %swap3A_1013], %gather3A_1010 {strides = array<i32>} : memref<10x128xi32, #tpu.memory_space<vmem>>, vector<16xi32>,
    %iota3A_1015 = tpu.iota {dimensions = array<i32: 0>} : vector<16xi32>
    %add3A_1016 = arith.constant 16 : i32
    %add3A_1017 = vector.broadcast %add3A_1016 : i32 to vector<16xi32>
    %add3A_1018 = arith.addi %iota3A_1015, %add3A_1017 : vector<16xi32>
    %gather3A_1019 = tpu.vector_load_idx %arg9[%add3A_1018, %broadcast_in_dim3A_1005] : memref<128x10xi32, #tpu.memory_space<vmem>>[vector<16xi32>, vector<16xi32>], vector<16xi32>,
    %swap3A_1020 = arith.constant 3 : i32
    %swap3A_1021 = arith.index_cast %swap3A_1020 : i32 to index
    %swap3A_1022 = arith.constant 16 : index
    %swap3A_1023 = tpu.vector_load %arg11[%swap3A_1021, %swap3A_1022] {strides = array<i32>} : memref<10x128xi32, #tpu.memory_space<vmem>>, vector<16xi32>,
    tpu.vector_store %arg11[%swap3A_1021, %swap3A_1022], %gather3A_1019 {strides = array<i32>} : memref<10x128xi32, #tpu.memory_space<vmem>>, vector<16xi32>,
    %iota3A_1024 = tpu.iota {dimensions = array<i32: 0>} : vector<16xi32>
    %add3A_1025 = arith.constant 32 : i32
    %add3A_1026 = vector.broadcast %add3A_1025 : i32 to vector<16xi32>
    %add3A_1027 = arith.addi %iota3A_1024, %add3A_1026 : vector<16xi32>
    %gather3A_1028 = tpu.vector_load_idx %arg9[%add3A_1027, %broadcast_in_dim3A_1005] : memref<128x10xi32, #tpu.memory_space<vmem>>[vector<16xi32>, vector<16xi32>], vector<16xi32>,
    %swap3A_1029 = arith.constant 3 : i32
    %swap3A_1030 = arith.index_cast %swap3A_1029 : i32 to index
    %swap3A_1031 = arith.constant 32 : index
    %swap3A_1032 = tpu.vector_load %arg11[%swap3A_1030, %swap3A_1031] {strides = array<i32>} : memref<10x128xi32, #tpu.memory_space<vmem>>, vector<16xi32>,
    tpu.vector_store %arg11[%swap3A_1030, %swap3A_1031], %gather3A_1028 {strides = array<i32>} : memref<10x128xi32, #tpu.memory_space<vmem>>, vector<16xi32>,
    %iota3A_1033 = tpu.iota {dimensions = array<i32: 0>} : vector<16xi32>
    %add3A_1034 = arith.constant 48 : i32
    %add3A_1035 = vector.broadcast %add3A_1034 : i32 to vector<16xi32>
    %add3A_1036 = arith.addi %iota3A_1033, %add3A_1035 : vector<16xi32>
    %gather3A_1037 = tpu.vector_load_idx %arg9[%add3A_1036, %broadcast_in_dim3A_1005] : memref<128x10xi32, #tpu.memory_space<vmem>>[vector<16xi32>, vector<16xi32>], vector<16xi32>,
    %swap3A_1038 = arith.constant 3 : i32
    %swap3A_1039 = arith.index_cast %swap3A_1038 : i32 to index
    %swap3A_1040 = arith.constant 48 : index
    %swap3A_1041 = tpu.vector_load %arg11[%swap3A_1039, %swap3A_1040] {strides = array<i32>} : memref<10x128xi32, #tpu.memory_space<vmem>>, vector<16xi32>,
    tpu.vector_store %arg11[%swap3A_1039, %swap3A_1040], %gather3A_1037 {strides = array<i32>} : memref<10x128xi32, #tpu.memory_space<vmem>>, vector<16xi32>,
    %iota3A_1042 = tpu.iota {dimensions = array<i32: 0>} : vector<16xi32>
    %add3A_1043 = arith.constant 64 : i32
    %add3A_1044 = vector.broadcast %add3A_1043 : i32 to vector<16xi32>
    %add3A_1045 = arith.addi %iota3A_1042, %add3A_1044 : vector<16xi32>
    %gather3A_1046 = tpu.vector_load_idx %arg9[%add3A_1045, %broadcast_in_dim3A_1005] : memref<128x10xi32, #tpu.memory_space<vmem>>[vector<16xi32>, vector<16xi32>], vector<16xi32>,
    %swap3A_1047 = arith.constant 3 : i32
    %swap3A_1048 = arith.index_cast %swap3A_1047 : i32 to index
    %swap3A_1049 = arith.constant 64 : index
    %swap3A_1050 = tpu.vector_load %arg11[%swap3A_1048, %swap3A_1049] {strides = array<i32>} : memref<10x128xi32, #tpu.memory_space<vmem>>, vector<16xi32>,
    tpu.vector_store %arg11[%swap3A_1048, %swap3A_1049], %gather3A_1046 {strides = array<i32>} : memref<10x128xi32, #tpu.memory_space<vmem>>, vector<16xi32>,
    %iota3A_1051 = tpu.iota {dimensions = array<i32: 0>} : vector<16xi32>
    %add3A_1052 = arith.constant 80 : i32
    %add3A_1053 = vector.broadcast %add3A_1052 : i32 to vector<16xi32>
    %add3A_1054 = arith.addi %iota3A_1051, %add3A_1053 : vector<16xi32>
    %gather3A_1055 = tpu.vector_load_idx %arg9[%add3A_1054, %broadcast_in_dim3A_1005] : memref<128x10xi32, #tpu.memory_space<vmem>>[vector<16xi32>, vector<16xi32>], vector<16xi32>,
    %swap3A_1056 = arith.constant 3 : i32
    %swap3A_1057 = arith.index_cast %swap3A_1056 : i32 to index
    %swap3A_1058 = arith.constant 80 : index
    %swap3A_1059 = tpu.vector_load %arg11[%swap3A_1057, %swap3A_1058] {strides = array<i32>} : memref<10x128xi32, #tpu.memory_space<vmem>>, vector<16xi32>,
    tpu.vector_store %arg11[%swap3A_1057, %swap3A_1058], %gather3A_1055 {strides = array<i32>} : memref<10x128xi32, #tpu.memory_space<vmem>>, vector<16xi32>,
    %iota3A_1060 = tpu.iota {dimensions = array<i32: 0>} : vector<16xi32>
    %add3A_1061 = arith.constant 96 : i32
    %add3A_1062 = vector.broadcast %add3A_1061 : i32 to vector<16xi32>
    %add3A_1063 = arith.addi %iota3A_1060, %add3A_1062 : vector<16xi32>
    %gather3A_1064 = tpu.vector_load_idx %arg9[%add3A_1063, %broadcast_in_dim3A_1005] : memref<128x10xi32, #tpu.memory_space<vmem>>[vector<16xi32>, vector<16xi32>], vector<16xi32>,
    %swap3A_1065 = arith.constant 3 : i32
    %swap3A_1066 = arith.index_cast %swap3A_1065 : i32 to index
    %swap3A_1067 = arith.constant 96 : index
    %swap3A_1068 = tpu.vector_load %arg11[%swap3A_1066, %swap3A_1067] {strides = array<i32>} : memref<10x128xi32, #tpu.memory_space<vmem>>, vector<16xi32>,
    tpu.vector_store %arg11[%swap3A_1066, %swap3A_1067], %gather3A_1064 {strides = array<i32>} : memref<10x128xi32, #tpu.memory_space<vmem>>, vector<16xi32>,
    %iota3A_1069 = tpu.iota {dimensions = array<i32: 0>} : vector<16xi32>
    %add3A_1070 = arith.constant 112 : i32
    %add3A_1071 = vector.broadcast %add3A_1070 : i32 to vector<16xi32>
    %add3A_1072 = arith.addi %iota3A_1069, %add3A_1071 : vector<16xi32>
    %gather3A_1073 = tpu.vector_load_idx %arg9[%add3A_1072, %broadcast_in_dim3A_1005] : memref<128x10xi32, #tpu.memory_space<vmem>>[vector<16xi32>, vector<16xi32>], vector<16xi32>,
    %swap3A_1074 = arith.constant 3 : i32
    %swap3A_1075 = arith.index_cast %swap3A_1074 : i32 to index
    %swap3A_1076 = arith.constant 112 : index
    %swap3A_1077 = tpu.vector_load %arg11[%swap3A_1075, %swap3A_1076] {strides = array<i32>} : memref<10x128xi32, #tpu.memory_space<vmem>>, vector<16xi32>,
    tpu.vector_store %arg11[%swap3A_1075, %swap3A_1076], %gather3A_1073 {strides = array<i32>} : memref<10x128xi32, #tpu.memory_space<vmem>>, vector<16xi32>,
    %broadcast_in_dim3A_1078 = arith.constant 4 : i32
    %broadcast_in_dim3A_1079 = vector.broadcast %broadcast_in_dim3A_1078 : i32 to vector<16xi32>
    %iota3A_1080 = tpu.iota {dimensions = array<i32: 0>} : vector<16xi32>
    %add3A_1081 = arith.constant 0 : i32
    %add3A_1082 = vector.broadcast %add3A_1081 : i32 to vector<16xi32>
    %add3A_1083 = arith.addi %iota3A_1080, %add3A_1082 : vector<16xi32>
    %gather3A_1084 = tpu.vector_load_idx %arg9[%add3A_1083, %broadcast_in_dim3A_1079] : memref<128x10xi32, #tpu.memory_space<vmem>>[vector<16xi32>, vector<16xi32>], vector<16xi32>,
    %swap3A_1085 = arith.constant 4 : i32
    %swap3A_1086 = arith.index_cast %swap3A_1085 : i32 to index
    %swap3A_1087 = arith.constant 0 : index
    %swap3A_1088 = tpu.vector_load %arg11[%swap3A_1086, %swap3A_1087] {strides = array<i32>} : memref<10x128xi32, #tpu.memory_space<vmem>>, vector<16xi32>,
    tpu.vector_store %arg11[%swap3A_1086, %swap3A_1087], %gather3A_1084 {strides = array<i32>} : memref<10x128xi32, #tpu.memory_space<vmem>>, vector<16xi32>,
    %iota3A_1089 = tpu.iota {dimensions = array<i32: 0>} : vector<16xi32>
    %add3A_1090 = arith.constant 16 : i32
    %add3A_1091 = vector.broadcast %add3A_1090 : i32 to vector<16xi32>
    %add3A_1092 = arith.addi %iota3A_1089, %add3A_1091 : vector<16xi32>
    %gather3A_1093 = tpu.vector_load_idx %arg9[%add3A_1092, %broadcast_in_dim3A_1079] : memref<128x10xi32, #tpu.memory_space<vmem>>[vector<16xi32>, vector<16xi32>], vector<16xi32>,
    %swap3A_1094 = arith.constant 4 : i32
    %swap3A_1095 = arith.index_cast %swap3A_1094 : i32 to index
    %swap3A_1096 = arith.constant 16 : index
    %swap3A_1097 = tpu.vector_load %arg11[%swap3A_1095, %swap3A_1096] {strides = array<i32>} : memref<10x128xi32, #tpu.memory_space<vmem>>, vector<16xi32>,
    tpu.vector_store %arg11[%swap3A_1095, %swap3A_1096], %gather3A_1093 {strides = array<i32>} : memref<10x128xi32, #tpu.memory_space<vmem>>, vector<16xi32>,
    %iota3A_1098 = tpu.iota {dimensions = array<i32: 0>} : vector<16xi32>
    %add3A_1099 = arith.constant 32 : i32
    %add3A_1100 = vector.broadcast %add3A_1099 : i32 to vector<16xi32>
    %add3A_1101 = arith.addi %iota3A_1098, %add3A_1100 : vector<16xi32>
    %gather3A_1102 = tpu.vector_load_idx %arg9[%add3A_1101, %broadcast_in_dim3A_1079] : memref<128x10xi32, #tpu.memory_space<vmem>>[vector<16xi32>, vector<16xi32>], vector<16xi32>,
    %swap3A_1103 = arith.constant 4 : i32
    %swap3A_1104 = arith.index_cast %swap3A_1103 : i32 to index
    %swap3A_1105 = arith.constant 32 : index
    %swap3A_1106 = tpu.vector_load %arg11[%swap3A_1104, %swap3A_1105] {strides = array<i32>} : memref<10x128xi32, #tpu.memory_space<vmem>>, vector<16xi32>,
    tpu.vector_store %arg11[%swap3A_1104, %swap3A_1105], %gather3A_1102 {strides = array<i32>} : memref<10x128xi32, #tpu.memory_space<vmem>>, vector<16xi32>,
    %iota3A_1107 = tpu.iota {dimensions = array<i32: 0>} : vector<16xi32>
    %add3A_1108 = arith.constant 48 : i32
    %add3A_1109 = vector.broadcast %add3A_1108 : i32 to vector<16xi32>
    %add3A_1110 = arith.addi %iota3A_1107, %add3A_1109 : vector<16xi32>
    %gather3A_1111 = tpu.vector_load_idx %arg9[%add3A_1110, %broadcast_in_dim3A_1079] : memref<128x10xi32, #tpu.memory_space<vmem>>[vector<16xi32>, vector<16xi32>], vector<16xi32>,
    %swap3A_1112 = arith.constant 4 : i32
    %swap3A_1113 = arith.index_cast %swap3A_1112 : i32 to index
    %swap3A_1114 = arith.constant 48 : index
    %swap3A_1115 = tpu.vector_load %arg11[%swap3A_1113, %swap3A_1114] {strides = array<i32>} : memref<10x128xi32, #tpu.memory_space<vmem>>, vector<16xi32>,
    tpu.vector_store %arg11[%swap3A_1113, %swap3A_1114], %gather3A_1111 {strides = array<i32>} : memref<10x128xi32, #tpu.memory_space<vmem>>, vector<16xi32>,
    %iota3A_1116 = tpu.iota {dimensions = array<i32: 0>} : vector<16xi32>
    %add3A_1117 = arith.constant 64 : i32
    %add3A_1118 = vector.broadcast %add3A_1117 : i32 to vector<16xi32>
    %add3A_1119 = arith.addi %iota3A_1116, %add3A_1118 : vector<16xi32>
    %gather3A_1120 = tpu.vector_load_idx %arg9[%add3A_1119, %broadcast_in_dim3A_1079] : memref<128x10xi32, #tpu.memory_space<vmem>>[vector<16xi32>, vector<16xi32>], vector<16xi32>,
    %swap3A_1121 = arith.constant 4 : i32
    %swap3A_1122 = arith.index_cast %swap3A_1121 : i32 to index
    %swap3A_1123 = arith.constant 64 : index
    %swap3A_1124 = tpu.vector_load %arg11[%swap3A_1122, %swap3A_1123] {strides = array<i32>} : memref<10x128xi32, #tpu.memory_space<vmem>>, vector<16xi32>,
    tpu.vector_store %arg11[%swap3A_1122, %swap3A_1123], %gather3A_1120 {strides = array<i32>} : memref<10x128xi32, #tpu.memory_space<vmem>>, vector<16xi32>,
    %iota3A_1125 = tpu.iota {dimensions = array<i32: 0>} : vector<16xi32>
    %add3A_1126 = arith.constant 80 : i32
    %add3A_1127 = vector.broadcast %add3A_1126 : i32 to vector<16xi32>
    %add3A_1128 = arith.addi %iota3A_1125, %add3A_1127 : vector<16xi32>
    %gather3A_1129 = tpu.vector_load_idx %arg9[%add3A_1128, %broadcast_in_dim3A_1079] : memref<128x10xi32, #tpu.memory_space<vmem>>[vector<16xi32>, vector<16xi32>], vector<16xi32>,
    %swap3A_1130 = arith.constant 4 : i32
    %swap3A_1131 = arith.index_cast %swap3A_1130 : i32 to index
    %swap3A_1132 = arith.constant 80 : index
    %swap3A_1133 = tpu.vector_load %arg11[%swap3A_1131, %swap3A_1132] {strides = array<i32>} : memref<10x128xi32, #tpu.memory_space<vmem>>, vector<16xi32>,
    tpu.vector_store %arg11[%swap3A_1131, %swap3A_1132], %gather3A_1129 {strides = array<i32>} : memref<10x128xi32, #tpu.memory_space<vmem>>, vector<16xi32>,
    %iota3A_1134 = tpu.iota {dimensions = array<i32: 0>} : vector<16xi32>
    %add3A_1135 = arith.constant 96 : i32
    %add3A_1136 = vector.broadcast %add3A_1135 : i32 to vector<16xi32>
    %add3A_1137 = arith.addi %iota3A_1134, %add3A_1136 : vector<16xi32>
    %gather3A_1138 = tpu.vector_load_idx %arg9[%add3A_1137, %broadcast_in_dim3A_1079] : memref<128x10xi32, #tpu.memory_space<vmem>>[vector<16xi32>, vector<16xi32>], vector<16xi32>,
    %swap3A_1139 = arith.constant 4 : i32
    %swap3A_1140 = arith.index_cast %swap3A_1139 : i32 to index
    %swap3A_1141 = arith.constant 96 : index
    %swap3A_1142 = tpu.vector_load %arg11[%swap3A_1140, %swap3A_1141] {strides = array<i32>} : memref<10x128xi32, #tpu.memory_space<vmem>>, vector<16xi32>,
    tpu.vector_store %arg11[%swap3A_1140, %swap3A_1141], %gather3A_1138 {strides = array<i32>} : memref<10x128xi32, #tpu.memory_space<vmem>>, vector<16xi32>,
    %iota3A_1143 = tpu.iota {dimensions = array<i32: 0>} : vector<16xi32>
    %add3A_1144 = arith.constant 112 : i32
    %add3A_1145 = vector.broadcast %add3A_1144 : i32 to vector<16xi32>
    %add3A_1146 = arith.addi %iota3A_1143, %add3A_1145 : vector<16xi32>
    %gather3A_1147 = tpu.vector_load_idx %arg9[%add3A_1146, %broadcast_in_dim3A_1079] : memref<128x10xi32, #tpu.memory_space<vmem>>[vector<16xi32>, vector<16xi32>], vector<16xi32>,
    %swap3A_1148 = arith.constant 4 : i32
    %swap3A_1149 = arith.index_cast %swap3A_1148 : i32 to index
    %swap3A_1150 = arith.constant 112 : index
    %swap3A_1151 = tpu.vector_load %arg11[%swap3A_1149, %swap3A_1150] {strides = array<i32>} : memref<10x128xi32, #tpu.memory_space<vmem>>, vector<16xi32>,
    tpu.vector_store %arg11[%swap3A_1149, %swap3A_1150], %gather3A_1147 {strides = array<i32>} : memref<10x128xi32, #tpu.memory_space<vmem>>, vector<16xi32>,
    %broadcast_in_dim3A_1152 = arith.constant 5 : i32
    %broadcast_in_dim3A_1153 = vector.broadcast %broadcast_in_dim3A_1152 : i32 to vector<16xi32>
    %iota3A_1154 = tpu.iota {dimensions = array<i32: 0>} : vector<16xi32>
    %add3A_1155 = arith.constant 0 : i32
    %add3A_1156 = vector.broadcast %add3A_1155 : i32 to vector<16xi32>
    %add3A_1157 = arith.addi %iota3A_1154, %add3A_1156 : vector<16xi32>
    %gather3A_1158 = tpu.vector_load_idx %arg9[%add3A_1157, %broadcast_in_dim3A_1153] : memref<128x10xi32, #tpu.memory_space<vmem>>[vector<16xi32>, vector<16xi32>], vector<16xi32>,
    %swap3A_1159 = arith.constant 5 : i32
    %swap3A_1160 = arith.index_cast %swap3A_1159 : i32 to index
    %swap3A_1161 = arith.constant 0 : index
    %swap3A_1162 = tpu.vector_load %arg11[%swap3A_1160, %swap3A_1161] {strides = array<i32>} : memref<10x128xi32, #tpu.memory_space<vmem>>, vector<16xi32>,
    tpu.vector_store %arg11[%swap3A_1160, %swap3A_1161], %gather3A_1158 {strides = array<i32>} : memref<10x128xi32, #tpu.memory_space<vmem>>, vector<16xi32>,
    %iota3A_1163 = tpu.iota {dimensions = array<i32: 0>} : vector<16xi32>
    %add3A_1164 = arith.constant 16 : i32
    %add3A_1165 = vector.broadcast %add3A_1164 : i32 to vector<16xi32>
    %add3A_1166 = arith.addi %iota3A_1163, %add3A_1165 : vector<16xi32>
    %gather3A_1167 = tpu.vector_load_idx %arg9[%add3A_1166, %broadcast_in_dim3A_1153] : memref<128x10xi32, #tpu.memory_space<vmem>>[vector<16xi32>, vector<16xi32>], vector<16xi32>,
    %swap3A_1168 = arith.constant 5 : i32
    %swap3A_1169 = arith.index_cast %swap3A_1168 : i32 to index
    %swap3A_1170 = arith.constant 16 : index
    %swap3A_1171 = tpu.vector_load %arg11[%swap3A_1169, %swap3A_1170] {strides = array<i32>} : memref<10x128xi32, #tpu.memory_space<vmem>>, vector<16xi32>,
    tpu.vector_store %arg11[%swap3A_1169, %swap3A_1170], %gather3A_1167 {strides = array<i32>} : memref<10x128xi32, #tpu.memory_space<vmem>>, vector<16xi32>,
    %iota3A_1172 = tpu.iota {dimensions = array<i32: 0>} : vector<16xi32>
    %add3A_1173 = arith.constant 32 : i32
    %add3A_1174 = vector.broadcast %add3A_1173 : i32 to vector<16xi32>
    %add3A_1175 = arith.addi %iota3A_1172, %add3A_1174 : vector<16xi32>
    %gather3A_1176 = tpu.vector_load_idx %arg9[%add3A_1175, %broadcast_in_dim3A_1153] : memref<128x10xi32, #tpu.memory_space<vmem>>[vector<16xi32>, vector<16xi32>], vector<16xi32>,
    %swap3A_1177 = arith.constant 5 : i32
    %swap3A_1178 = arith.index_cast %swap3A_1177 : i32 to index
    %swap3A_1179 = arith.constant 32 : index
    %swap3A_1180 = tpu.vector_load %arg11[%swap3A_1178, %swap3A_1179] {strides = array<i32>} : memref<10x128xi32, #tpu.memory_space<vmem>>, vector<16xi32>,
    tpu.vector_store %arg11[%swap3A_1178, %swap3A_1179], %gather3A_1176 {strides = array<i32>} : memref<10x128xi32, #tpu.memory_space<vmem>>, vector<16xi32>,
    %iota3A_1181 = tpu.iota {dimensions = array<i32: 0>} : vector<16xi32>
    %add3A_1182 = arith.constant 48 : i32
    %add3A_1183 = vector.broadcast %add3A_1182 : i32 to vector<16xi32>
    %add3A_1184 = arith.addi %iota3A_1181, %add3A_1183 : vector<16xi32>
    %gather3A_1185 = tpu.vector_load_idx %arg9[%add3A_1184, %broadcast_in_dim3A_1153] : memref<128x10xi32, #tpu.memory_space<vmem>>[vector<16xi32>, vector<16xi32>], vector<16xi32>,
    %swap3A_1186 = arith.constant 5 : i32
    %swap3A_1187 = arith.index_cast %swap3A_1186 : i32 to index
    %swap3A_1188 = arith.constant 48 : index
    %swap3A_1189 = tpu.vector_load %arg11[%swap3A_1187, %swap3A_1188] {strides = array<i32>} : memref<10x128xi32, #tpu.memory_space<vmem>>, vector<16xi32>,
    tpu.vector_store %arg11[%swap3A_1187, %swap3A_1188], %gather3A_1185 {strides = array<i32>} : memref<10x128xi32, #tpu.memory_space<vmem>>, vector<16xi32>,
    %iota3A_1190 = tpu.iota {dimensions = array<i32: 0>} : vector<16xi32>
    %add3A_1191 = arith.constant 64 : i32
    %add3A_1192 = vector.broadcast %add3A_1191 : i32 to vector<16xi32>
    %add3A_1193 = arith.addi %iota3A_1190, %add3A_1192 : vector<16xi32>
    %gather3A_1194 = tpu.vector_load_idx %arg9[%add3A_1193, %broadcast_in_dim3A_1153] : memref<128x10xi32, #tpu.memory_space<vmem>>[vector<16xi32>, vector<16xi32>], vector<16xi32>,
    %swap3A_1195 = arith.constant 5 : i32
    %swap3A_1196 = arith.index_cast %swap3A_1195 : i32 to index
    %swap3A_1197 = arith.constant 64 : index
    %swap3A_1198 = tpu.vector_load %arg11[%swap3A_1196, %swap3A_1197] {strides = array<i32>} : memref<10x128xi32, #tpu.memory_space<vmem>>, vector<16xi32>,
    tpu.vector_store %arg11[%swap3A_1196, %swap3A_1197], %gather3A_1194 {strides = array<i32>} : memref<10x128xi32, #tpu.memory_space<vmem>>, vector<16xi32>,
    %iota3A_1199 = tpu.iota {dimensions = array<i32: 0>} : vector<16xi32>
    %add3A_1200 = arith.constant 80 : i32
    %add3A_1201 = vector.broadcast %add3A_1200 : i32 to vector<16xi32>
    %add3A_1202 = arith.addi %iota3A_1199, %add3A_1201 : vector<16xi32>
    %gather3A_1203 = tpu.vector_load_idx %arg9[%add3A_1202, %broadcast_in_dim3A_1153] : memref<128x10xi32, #tpu.memory_space<vmem>>[vector<16xi32>, vector<16xi32>], vector<16xi32>,
    %swap3A_1204 = arith.constant 5 : i32
    %swap3A_1205 = arith.index_cast %swap3A_1204 : i32 to index
    %swap3A_1206 = arith.constant 80 : index
    %swap3A_1207 = tpu.vector_load %arg11[%swap3A_1205, %swap3A_1206] {strides = array<i32>} : memref<10x128xi32, #tpu.memory_space<vmem>>, vector<16xi32>,
    tpu.vector_store %arg11[%swap3A_1205, %swap3A_1206], %gather3A_1203 {strides = array<i32>} : memref<10x128xi32, #tpu.memory_space<vmem>>, vector<16xi32>,
    %iota3A_1208 = tpu.iota {dimensions = array<i32: 0>} : vector<16xi32>
    %add3A_1209 = arith.constant 96 : i32
    %add3A_1210 = vector.broadcast %add3A_1209 : i32 to vector<16xi32>
    %add3A_1211 = arith.addi %iota3A_1208, %add3A_1210 : vector<16xi32>
    %gather3A_1212 = tpu.vector_load_idx %arg9[%add3A_1211, %broadcast_in_dim3A_1153] : memref<128x10xi32, #tpu.memory_space<vmem>>[vector<16xi32>, vector<16xi32>], vector<16xi32>,
    %swap3A_1213 = arith.constant 5 : i32
    %swap3A_1214 = arith.index_cast %swap3A_1213 : i32 to index
    %swap3A_1215 = arith.constant 96 : index
    %swap3A_1216 = tpu.vector_load %arg11[%swap3A_1214, %swap3A_1215] {strides = array<i32>} : memref<10x128xi32, #tpu.memory_space<vmem>>, vector<16xi32>,
    tpu.vector_store %arg11[%swap3A_1214, %swap3A_1215], %gather3A_1212 {strides = array<i32>} : memref<10x128xi32, #tpu.memory_space<vmem>>, vector<16xi32>,
    %iota3A_1217 = tpu.iota {dimensions = array<i32: 0>} : vector<16xi32>
    %add3A_1218 = arith.constant 112 : i32
    %add3A_1219 = vector.broadcast %add3A_1218 : i32 to vector<16xi32>
    %add3A_1220 = arith.addi %iota3A_1217, %add3A_1219 : vector<16xi32>
    %gather3A_1221 = tpu.vector_load_idx %arg9[%add3A_1220, %broadcast_in_dim3A_1153] : memref<128x10xi32, #tpu.memory_space<vmem>>[vector<16xi32>, vector<16xi32>], vector<16xi32>,
    %swap3A_1222 = arith.constant 5 : i32
    %swap3A_1223 = arith.index_cast %swap3A_1222 : i32 to index
    %swap3A_1224 = arith.constant 112 : index
    %swap3A_1225 = tpu.vector_load %arg11[%swap3A_1223, %swap3A_1224] {strides = array<i32>} : memref<10x128xi32, #tpu.memory_space<vmem>>, vector<16xi32>,
    tpu.vector_store %arg11[%swap3A_1223, %swap3A_1224], %gather3A_1221 {strides = array<i32>} : memref<10x128xi32, #tpu.memory_space<vmem>>, vector<16xi32>,
    %broadcast_in_dim3A_1226 = arith.constant 6 : i32
    %broadcast_in_dim3A_1227 = vector.broadcast %broadcast_in_dim3A_1226 : i32 to vector<16xi32>
    %iota3A_1228 = tpu.iota {dimensions = array<i32: 0>} : vector<16xi32>
    %add3A_1229 = arith.constant 0 : i32
    %add3A_1230 = vector.broadcast %add3A_1229 : i32 to vector<16xi32>
    %add3A_1231 = arith.addi %iota3A_1228, %add3A_1230 : vector<16xi32>
    %gather3A_1232 = tpu.vector_load_idx %arg9[%add3A_1231, %broadcast_in_dim3A_1227] : memref<128x10xi32, #tpu.memory_space<vmem>>[vector<16xi32>, vector<16xi32>], vector<16xi32>,
    %swap3A_1233 = arith.constant 6 : i32
    %swap3A_1234 = arith.index_cast %swap3A_1233 : i32 to index
    %swap3A_1235 = arith.constant 0 : index
    %swap3A_1236 = tpu.vector_load %arg11[%swap3A_1234, %swap3A_1235] {strides = array<i32>} : memref<10x128xi32, #tpu.memory_space<vmem>>, vector<16xi32>,
    tpu.vector_store %arg11[%swap3A_1234, %swap3A_1235], %gather3A_1232 {strides = array<i32>} : memref<10x128xi32, #tpu.memory_space<vmem>>, vector<16xi32>,
    %iota3A_1237 = tpu.iota {dimensions = array<i32: 0>} : vector<16xi32>
    %add3A_1238 = arith.constant 16 : i32
    %add3A_1239 = vector.broadcast %add3A_1238 : i32 to vector<16xi32>
    %add3A_1240 = arith.addi %iota3A_1237, %add3A_1239 : vector<16xi32>
    %gather3A_1241 = tpu.vector_load_idx %arg9[%add3A_1240, %broadcast_in_dim3A_1227] : memref<128x10xi32, #tpu.memory_space<vmem>>[vector<16xi32>, vector<16xi32>], vector<16xi32>,
    %swap3A_1242 = arith.constant 6 : i32
    %swap3A_1243 = arith.index_cast %swap3A_1242 : i32 to index
    %swap3A_1244 = arith.constant 16 : index
    %swap3A_1245 = tpu.vector_load %arg11[%swap3A_1243, %swap3A_1244] {strides = array<i32>} : memref<10x128xi32, #tpu.memory_space<vmem>>, vector<16xi32>,
    tpu.vector_store %arg11[%swap3A_1243, %swap3A_1244], %gather3A_1241 {strides = array<i32>} : memref<10x128xi32, #tpu.memory_space<vmem>>, vector<16xi32>,
    %iota3A_1246 = tpu.iota {dimensions = array<i32: 0>} : vector<16xi32>
    %add3A_1247 = arith.constant 32 : i32
    %add3A_1248 = vector.broadcast %add3A_1247 : i32 to vector<16xi32>
    %add3A_1249 = arith.addi %iota3A_1246, %add3A_1248 : vector<16xi32>
    %gather3A_1250 = tpu.vector_load_idx %arg9[%add3A_1249, %broadcast_in_dim3A_1227] : memref<128x10xi32, #tpu.memory_space<vmem>>[vector<16xi32>, vector<16xi32>], vector<16xi32>,
    %swap3A_1251 = arith.constant 6 : i32
    %swap3A_1252 = arith.index_cast %swap3A_1251 : i32 to index
    %swap3A_1253 = arith.constant 32 : index
    %swap3A_1254 = tpu.vector_load %arg11[%swap3A_1252, %swap3A_1253] {strides = array<i32>} : memref<10x128xi32, #tpu.memory_space<vmem>>, vector<16xi32>,
    tpu.vector_store %arg11[%swap3A_1252, %swap3A_1253], %gather3A_1250 {strides = array<i32>} : memref<10x128xi32, #tpu.memory_space<vmem>>, vector<16xi32>,
    %iota3A_1255 = tpu.iota {dimensions = array<i32: 0>} : vector<16xi32>
    %add3A_1256 = arith.constant 48 : i32
    %add3A_1257 = vector.broadcast %add3A_1256 : i32 to vector<16xi32>
    %add3A_1258 = arith.addi %iota3A_1255, %add3A_1257 : vector<16xi32>
    %gather3A_1259 = tpu.vector_load_idx %arg9[%add3A_1258, %broadcast_in_dim3A_1227] : memref<128x10xi32, #tpu.memory_space<vmem>>[vector<16xi32>, vector<16xi32>], vector<16xi32>,
    %swap3A_1260 = arith.constant 6 : i32
    %swap3A_1261 = arith.index_cast %swap3A_1260 : i32 to index
    %swap3A_1262 = arith.constant 48 : index
    %swap3A_1263 = tpu.vector_load %arg11[%swap3A_1261, %swap3A_1262] {strides = array<i32>} : memref<10x128xi32, #tpu.memory_space<vmem>>, vector<16xi32>,
    tpu.vector_store %arg11[%swap3A_1261, %swap3A_1262], %gather3A_1259 {strides = array<i32>} : memref<10x128xi32, #tpu.memory_space<vmem>>, vector<16xi32>,
    %iota3A_1264 = tpu.iota {dimensions = array<i32: 0>} : vector<16xi32>
    %add3A_1265 = arith.constant 64 : i32
    %add3A_1266 = vector.broadcast %add3A_1265 : i32 to vector<16xi32>
    %add3A_1267 = arith.addi %iota3A_1264, %add3A_1266 : vector<16xi32>
    %gather3A_1268 = tpu.vector_load_idx %arg9[%add3A_1267, %broadcast_in_dim3A_1227] : memref<128x10xi32, #tpu.memory_space<vmem>>[vector<16xi32>, vector<16xi32>], vector<16xi32>,
    %swap3A_1269 = arith.constant 6 : i32
    %swap3A_1270 = arith.index_cast %swap3A_1269 : i32 to index
    %swap3A_1271 = arith.constant 64 : index
    %swap3A_1272 = tpu.vector_load %arg11[%swap3A_1270, %swap3A_1271] {strides = array<i32>} : memref<10x128xi32, #tpu.memory_space<vmem>>, vector<16xi32>,
    tpu.vector_store %arg11[%swap3A_1270, %swap3A_1271], %gather3A_1268 {strides = array<i32>} : memref<10x128xi32, #tpu.memory_space<vmem>>, vector<16xi32>,
    %iota3A_1273 = tpu.iota {dimensions = array<i32: 0>} : vector<16xi32>
    %add3A_1274 = arith.constant 80 : i32
    %add3A_1275 = vector.broadcast %add3A_1274 : i32 to vector<16xi32>
    %add3A_1276 = arith.addi %iota3A_1273, %add3A_1275 : vector<16xi32>
    %gather3A_1277 = tpu.vector_load_idx %arg9[%add3A_1276, %broadcast_in_dim3A_1227] : memref<128x10xi32, #tpu.memory_space<vmem>>[vector<16xi32>, vector<16xi32>], vector<16xi32>,
    %swap3A_1278 = arith.constant 6 : i32
    %swap3A_1279 = arith.index_cast %swap3A_1278 : i32 to index
    %swap3A_1280 = arith.constant 80 : index
    %swap3A_1281 = tpu.vector_load %arg11[%swap3A_1279, %swap3A_1280] {strides = array<i32>} : memref<10x128xi32, #tpu.memory_space<vmem>>, vector<16xi32>,
    tpu.vector_store %arg11[%swap3A_1279, %swap3A_1280], %gather3A_1277 {strides = array<i32>} : memref<10x128xi32, #tpu.memory_space<vmem>>, vector<16xi32>,
    %iota3A_1282 = tpu.iota {dimensions = array<i32: 0>} : vector<16xi32>
    %add3A_1283 = arith.constant 96 : i32
    %add3A_1284 = vector.broadcast %add3A_1283 : i32 to vector<16xi32>
    %add3A_1285 = arith.addi %iota3A_1282, %add3A_1284 : vector<16xi32>
    %gather3A_1286 = tpu.vector_load_idx %arg9[%add3A_1285, %broadcast_in_dim3A_1227] : memref<128x10xi32, #tpu.memory_space<vmem>>[vector<16xi32>, vector<16xi32>], vector<16xi32>,
    %swap3A_1287 = arith.constant 6 : i32
    %swap3A_1288 = arith.index_cast %swap3A_1287 : i32 to index
    %swap3A_1289 = arith.constant 96 : index
    %swap3A_1290 = tpu.vector_load %arg11[%swap3A_1288, %swap3A_1289] {strides = array<i32>} : memref<10x128xi32, #tpu.memory_space<vmem>>, vector<16xi32>,
    tpu.vector_store %arg11[%swap3A_1288, %swap3A_1289], %gather3A_1286 {strides = array<i32>} : memref<10x128xi32, #tpu.memory_space<vmem>>, vector<16xi32>,
    %iota3A_1291 = tpu.iota {dimensions = array<i32: 0>} : vector<16xi32>
    %add3A_1292 = arith.constant 112 : i32
    %add3A_1293 = vector.broadcast %add3A_1292 : i32 to vector<16xi32>
    %add3A_1294 = arith.addi %iota3A_1291, %add3A_1293 : vector<16xi32>
    %gather3A_1295 = tpu.vector_load_idx %arg9[%add3A_1294, %broadcast_in_dim3A_1227] : memref<128x10xi32, #tpu.memory_space<vmem>>[vector<16xi32>, vector<16xi32>], vector<16xi32>,
    %swap3A_1296 = arith.constant 6 : i32
    %swap3A_1297 = arith.index_cast %swap3A_1296 : i32 to index
    %swap3A_1298 = arith.constant 112 : index
    %swap3A_1299 = tpu.vector_load %arg11[%swap3A_1297, %swap3A_1298] {strides = array<i32>} : memref<10x128xi32, #tpu.memory_space<vmem>>, vector<16xi32>,
    tpu.vector_store %arg11[%swap3A_1297, %swap3A_1298], %gather3A_1295 {strides = array<i32>} : memref<10x128xi32, #tpu.memory_space<vmem>>, vector<16xi32>,
    %broadcast_in_dim3A_1300 = arith.constant 7 : i32
    %broadcast_in_dim3A_1301 = vector.broadcast %broadcast_in_dim3A_1300 : i32 to vector<16xi32>
    %iota3A_1302 = tpu.iota {dimensions = array<i32: 0>} : vector<16xi32>
    %add3A_1303 = arith.constant 0 : i32
    %add3A_1304 = vector.broadcast %add3A_1303 : i32 to vector<16xi32>
    %add3A_1305 = arith.addi %iota3A_1302, %add3A_1304 : vector<16xi32>
    %gather3A_1306 = tpu.vector_load_idx %arg9[%add3A_1305, %broadcast_in_dim3A_1301] : memref<128x10xi32, #tpu.memory_space<vmem>>[vector<16xi32>, vector<16xi32>], vector<16xi32>,
    %swap3A_1307 = arith.constant 7 : i32
    %swap3A_1308 = arith.index_cast %swap3A_1307 : i32 to index
    %swap3A_1309 = arith.constant 0 : index
    %swap3A_1310 = tpu.vector_load %arg11[%swap3A_1308, %swap3A_1309] {strides = array<i32>} : memref<10x128xi32, #tpu.memory_space<vmem>>, vector<16xi32>,
    tpu.vector_store %arg11[%swap3A_1308, %swap3A_1309], %gather3A_1306 {strides = array<i32>} : memref<10x128xi32, #tpu.memory_space<vmem>>, vector<16xi32>,
    %iota3A_1311 = tpu.iota {dimensions = array<i32: 0>} : vector<16xi32>
    %add3A_1312 = arith.constant 16 : i32
    %add3A_1313 = vector.broadcast %add3A_1312 : i32 to vector<16xi32>
    %add3A_1314 = arith.addi %iota3A_1311, %add3A_1313 : vector<16xi32>
    %gather3A_1315 = tpu.vector_load_idx %arg9[%add3A_1314, %broadcast_in_dim3A_1301] : memref<128x10xi32, #tpu.memory_space<vmem>>[vector<16xi32>, vector<16xi32>], vector<16xi32>,
    %swap3A_1316 = arith.constant 7 : i32
    %swap3A_1317 = arith.index_cast %swap3A_1316 : i32 to index
    %swap3A_1318 = arith.constant 16 : index
    %swap3A_1319 = tpu.vector_load %arg11[%swap3A_1317, %swap3A_1318] {strides = array<i32>} : memref<10x128xi32, #tpu.memory_space<vmem>>, vector<16xi32>,
    tpu.vector_store %arg11[%swap3A_1317, %swap3A_1318], %gather3A_1315 {strides = array<i32>} : memref<10x128xi32, #tpu.memory_space<vmem>>, vector<16xi32>,
    %iota3A_1320 = tpu.iota {dimensions = array<i32: 0>} : vector<16xi32>
    %add3A_1321 = arith.constant 32 : i32
    %add3A_1322 = vector.broadcast %add3A_1321 : i32 to vector<16xi32>
    %add3A_1323 = arith.addi %iota3A_1320, %add3A_1322 : vector<16xi32>
    %gather3A_1324 = tpu.vector_load_idx %arg9[%add3A_1323, %broadcast_in_dim3A_1301] : memref<128x10xi32, #tpu.memory_space<vmem>>[vector<16xi32>, vector<16xi32>], vector<16xi32>,
    %swap3A_1325 = arith.constant 7 : i32
    %swap3A_1326 = arith.index_cast %swap3A_1325 : i32 to index
    %swap3A_1327 = arith.constant 32 : index
    %swap3A_1328 = tpu.vector_load %arg11[%swap3A_1326, %swap3A_1327] {strides = array<i32>} : memref<10x128xi32, #tpu.memory_space<vmem>>, vector<16xi32>,
    tpu.vector_store %arg11[%swap3A_1326, %swap3A_1327], %gather3A_1324 {strides = array<i32>} : memref<10x128xi32, #tpu.memory_space<vmem>>, vector<16xi32>,
    %iota3A_1329 = tpu.iota {dimensions = array<i32: 0>} : vector<16xi32>
    %add3A_1330 = arith.constant 48 : i32
    %add3A_1331 = vector.broadcast %add3A_1330 : i32 to vector<16xi32>
    %add3A_1332 = arith.addi %iota3A_1329, %add3A_1331 : vector<16xi32>
    %gather3A_1333 = tpu.vector_load_idx %arg9[%add3A_1332, %broadcast_in_dim3A_1301] : memref<128x10xi32, #tpu.memory_space<vmem>>[vector<16xi32>, vector<16xi32>], vector<16xi32>,
    %swap3A_1334 = arith.constant 7 : i32
    %swap3A_1335 = arith.index_cast %swap3A_1334 : i32 to index
    %swap3A_1336 = arith.constant 48 : index
    %swap3A_1337 = tpu.vector_load %arg11[%swap3A_1335, %swap3A_1336] {strides = array<i32>} : memref<10x128xi32, #tpu.memory_space<vmem>>, vector<16xi32>,
    tpu.vector_store %arg11[%swap3A_1335, %swap3A_1336], %gather3A_1333 {strides = array<i32>} : memref<10x128xi32, #tpu.memory_space<vmem>>, vector<16xi32>,
    %iota3A_1338 = tpu.iota {dimensions = array<i32: 0>} : vector<16xi32>
    %add3A_1339 = arith.constant 64 : i32
    %add3A_1340 = vector.broadcast %add3A_1339 : i32 to vector<16xi32>
    %add3A_1341 = arith.addi %iota3A_1338, %add3A_1340 : vector<16xi32>
    %gather3A_1342 = tpu.vector_load_idx %arg9[%add3A_1341, %broadcast_in_dim3A_1301] : memref<128x10xi32, #tpu.memory_space<vmem>>[vector<16xi32>, vector<16xi32>], vector<16xi32>,
    %swap3A_1343 = arith.constant 7 : i32
    %swap3A_1344 = arith.index_cast %swap3A_1343 : i32 to index
    %swap3A_1345 = arith.constant 64 : index
    %swap3A_1346 = tpu.vector_load %arg11[%swap3A_1344, %swap3A_1345] {strides = array<i32>} : memref<10x128xi32, #tpu.memory_space<vmem>>, vector<16xi32>,
    tpu.vector_store %arg11[%swap3A_1344, %swap3A_1345], %gather3A_1342 {strides = array<i32>} : memref<10x128xi32, #tpu.memory_space<vmem>>, vector<16xi32>,
    %iota3A_1347 = tpu.iota {dimensions = array<i32: 0>} : vector<16xi32>
    %add3A_1348 = arith.constant 80 : i32
    %add3A_1349 = vector.broadcast %add3A_1348 : i32 to vector<16xi32>
    %add3A_1350 = arith.addi %iota3A_1347, %add3A_1349 : vector<16xi32>
    %gather3A_1351 = tpu.vector_load_idx %arg9[%add3A_1350, %broadcast_in_dim3A_1301] : memref<128x10xi32, #tpu.memory_space<vmem>>[vector<16xi32>, vector<16xi32>], vector<16xi32>,
    %swap3A_1352 = arith.constant 7 : i32
    %swap3A_1353 = arith.index_cast %swap3A_1352 : i32 to index
    %swap3A_1354 = arith.constant 80 : index
    %swap3A_1355 = tpu.vector_load %arg11[%swap3A_1353, %swap3A_1354] {strides = array<i32>} : memref<10x128xi32, #tpu.memory_space<vmem>>, vector<16xi32>,
    tpu.vector_store %arg11[%swap3A_1353, %swap3A_1354], %gather3A_1351 {strides = array<i32>} : memref<10x128xi32, #tpu.memory_space<vmem>>, vector<16xi32>,
    %iota3A_1356 = tpu.iota {dimensions = array<i32: 0>} : vector<16xi32>
    %add3A_1357 = arith.constant 96 : i32
    %add3A_1358 = vector.broadcast %add3A_1357 : i32 to vector<16xi32>
    %add3A_1359 = arith.addi %iota3A_1356, %add3A_1358 : vector<16xi32>
    %gather3A_1360 = tpu.vector_load_idx %arg9[%add3A_1359, %broadcast_in_dim3A_1301] : memref<128x10xi32, #tpu.memory_space<vmem>>[vector<16xi32>, vector<16xi32>], vector<16xi32>,
    %swap3A_1361 = arith.constant 7 : i32
    %swap3A_1362 = arith.index_cast %swap3A_1361 : i32 to index
    %swap3A_1363 = arith.constant 96 : index
    %swap3A_1364 = tpu.vector_load %arg11[%swap3A_1362, %swap3A_1363] {strides = array<i32>} : memref<10x128xi32, #tpu.memory_space<vmem>>, vector<16xi32>,
    tpu.vector_store %arg11[%swap3A_1362, %swap3A_1363], %gather3A_1360 {strides = array<i32>} : memref<10x128xi32, #tpu.memory_space<vmem>>, vector<16xi32>,
    %iota3A_1365 = tpu.iota {dimensions = array<i32: 0>} : vector<16xi32>
    %add3A_1366 = arith.constant 112 : i32
    %add3A_1367 = vector.broadcast %add3A_1366 : i32 to vector<16xi32>
    %add3A_1368 = arith.addi %iota3A_1365, %add3A_1367 : vector<16xi32>
    %gather3A_1369 = tpu.vector_load_idx %arg9[%add3A_1368, %broadcast_in_dim3A_1301] : memref<128x10xi32, #tpu.memory_space<vmem>>[vector<16xi32>, vector<16xi32>], vector<16xi32>,
    %swap3A_1370 = arith.constant 7 : i32
    %swap3A_1371 = arith.index_cast %swap3A_1370 : i32 to index
    %swap3A_1372 = arith.constant 112 : index
    %swap3A_1373 = tpu.vector_load %arg11[%swap3A_1371, %swap3A_1372] {strides = array<i32>} : memref<10x128xi32, #tpu.memory_space<vmem>>, vector<16xi32>,
    tpu.vector_store %arg11[%swap3A_1371, %swap3A_1372], %gather3A_1369 {strides = array<i32>} : memref<10x128xi32, #tpu.memory_space<vmem>>, vector<16xi32>,
    %broadcast_in_dim3A_1374 = arith.constant 8 : i32
    %broadcast_in_dim3A_1375 = vector.broadcast %broadcast_in_dim3A_1374 : i32 to vector<16xi32>
    %iota3A_1376 = tpu.iota {dimensions = array<i32: 0>} : vector<16xi32>
    %add3A_1377 = arith.constant 0 : i32
    %add3A_1378 = vector.broadcast %add3A_1377 : i32 to vector<16xi32>
    %add3A_1379 = arith.addi %iota3A_1376, %add3A_1378 : vector<16xi32>
    %gather3A_1380 = tpu.vector_load_idx %arg9[%add3A_1379, %broadcast_in_dim3A_1375] : memref<128x10xi32, #tpu.memory_space<vmem>>[vector<16xi32>, vector<16xi32>], vector<16xi32>,
    %swap3A_1381 = arith.constant 8 : i32
    %swap3A_1382 = arith.index_cast %swap3A_1381 : i32 to index
    %swap3A_1383 = arith.constant 0 : index
    %swap3A_1384 = tpu.vector_load %arg11[%swap3A_1382, %swap3A_1383] {strides = array<i32>} : memref<10x128xi32, #tpu.memory_space<vmem>>, vector<16xi32>,
    tpu.vector_store %arg11[%swap3A_1382, %swap3A_1383], %gather3A_1380 {strides = array<i32>} : memref<10x128xi32, #tpu.memory_space<vmem>>, vector<16xi32>,
    %iota3A_1385 = tpu.iota {dimensions = array<i32: 0>} : vector<16xi32>
    %add3A_1386 = arith.constant 16 : i32
    %add3A_1387 = vector.broadcast %add3A_1386 : i32 to vector<16xi32>
    %add3A_1388 = arith.addi %iota3A_1385, %add3A_1387 : vector<16xi32>
    %gather3A_1389 = tpu.vector_load_idx %arg9[%add3A_1388, %broadcast_in_dim3A_1375] : memref<128x10xi32, #tpu.memory_space<vmem>>[vector<16xi32>, vector<16xi32>], vector<16xi32>,
    %swap3A_1390 = arith.constant 8 : i32
    %swap3A_1391 = arith.index_cast %swap3A_1390 : i32 to index
    %swap3A_1392 = arith.constant 16 : index
    %swap3A_1393 = tpu.vector_load %arg11[%swap3A_1391, %swap3A_1392] {strides = array<i32>} : memref<10x128xi32, #tpu.memory_space<vmem>>, vector<16xi32>,
    tpu.vector_store %arg11[%swap3A_1391, %swap3A_1392], %gather3A_1389 {strides = array<i32>} : memref<10x128xi32, #tpu.memory_space<vmem>>, vector<16xi32>,
    %iota3A_1394 = tpu.iota {dimensions = array<i32: 0>} : vector<16xi32>
    %add3A_1395 = arith.constant 32 : i32
    %add3A_1396 = vector.broadcast %add3A_1395 : i32 to vector<16xi32>
    %add3A_1397 = arith.addi %iota3A_1394, %add3A_1396 : vector<16xi32>
    %gather3A_1398 = tpu.vector_load_idx %arg9[%add3A_1397, %broadcast_in_dim3A_1375] : memref<128x10xi32, #tpu.memory_space<vmem>>[vector<16xi32>, vector<16xi32>], vector<16xi32>,
    %swap3A_1399 = arith.constant 8 : i32
    %swap3A_1400 = arith.index_cast %swap3A_1399 : i32 to index
    %swap3A_1401 = arith.constant 32 : index
    %swap3A_1402 = tpu.vector_load %arg11[%swap3A_1400, %swap3A_1401] {strides = array<i32>} : memref<10x128xi32, #tpu.memory_space<vmem>>, vector<16xi32>,
    tpu.vector_store %arg11[%swap3A_1400, %swap3A_1401], %gather3A_1398 {strides = array<i32>} : memref<10x128xi32, #tpu.memory_space<vmem>>, vector<16xi32>,
    %iota3A_1403 = tpu.iota {dimensions = array<i32: 0>} : vector<16xi32>
    %add3A_1404 = arith.constant 48 : i32
    %add3A_1405 = vector.broadcast %add3A_1404 : i32 to vector<16xi32>
    %add3A_1406 = arith.addi %iota3A_1403, %add3A_1405 : vector<16xi32>
    %gather3A_1407 = tpu.vector_load_idx %arg9[%add3A_1406, %broadcast_in_dim3A_1375] : memref<128x10xi32, #tpu.memory_space<vmem>>[vector<16xi32>, vector<16xi32>], vector<16xi32>,
    %swap3A_1408 = arith.constant 8 : i32
    %swap3A_1409 = arith.index_cast %swap3A_1408 : i32 to index
    %swap3A_1410 = arith.constant 48 : index
    %swap3A_1411 = tpu.vector_load %arg11[%swap3A_1409, %swap3A_1410] {strides = array<i32>} : memref<10x128xi32, #tpu.memory_space<vmem>>, vector<16xi32>,
    tpu.vector_store %arg11[%swap3A_1409, %swap3A_1410], %gather3A_1407 {strides = array<i32>} : memref<10x128xi32, #tpu.memory_space<vmem>>, vector<16xi32>,
    %iota3A_1412 = tpu.iota {dimensions = array<i32: 0>} : vector<16xi32>
    %add3A_1413 = arith.constant 64 : i32
    %add3A_1414 = vector.broadcast %add3A_1413 : i32 to vector<16xi32>
    %add3A_1415 = arith.addi %iota3A_1412, %add3A_1414 : vector<16xi32>
    %gather3A_1416 = tpu.vector_load_idx %arg9[%add3A_1415, %broadcast_in_dim3A_1375] : memref<128x10xi32, #tpu.memory_space<vmem>>[vector<16xi32>, vector<16xi32>], vector<16xi32>,
    %swap3A_1417 = arith.constant 8 : i32
    %swap3A_1418 = arith.index_cast %swap3A_1417 : i32 to index
    %swap3A_1419 = arith.constant 64 : index
    %swap3A_1420 = tpu.vector_load %arg11[%swap3A_1418, %swap3A_1419] {strides = array<i32>} : memref<10x128xi32, #tpu.memory_space<vmem>>, vector<16xi32>,
    tpu.vector_store %arg11[%swap3A_1418, %swap3A_1419], %gather3A_1416 {strides = array<i32>} : memref<10x128xi32, #tpu.memory_space<vmem>>, vector<16xi32>,
    %iota3A_1421 = tpu.iota {dimensions = array<i32: 0>} : vector<16xi32>
    %add3A_1422 = arith.constant 80 : i32
    %add3A_1423 = vector.broadcast %add3A_1422 : i32 to vector<16xi32>
    %add3A_1424 = arith.addi %iota3A_1421, %add3A_1423 : vector<16xi32>
    %gather3A_1425 = tpu.vector_load_idx %arg9[%add3A_1424, %broadcast_in_dim3A_1375] : memref<128x10xi32, #tpu.memory_space<vmem>>[vector<16xi32>, vector<16xi32>], vector<16xi32>,
    %swap3A_1426 = arith.constant 8 : i32
    %swap3A_1427 = arith.index_cast %swap3A_1426 : i32 to index
    %swap3A_1428 = arith.constant 80 : index
    %swap3A_1429 = tpu.vector_load %arg11[%swap3A_1427, %swap3A_1428] {strides = array<i32>} : memref<10x128xi32, #tpu.memory_space<vmem>>, vector<16xi32>,
    tpu.vector_store %arg11[%swap3A_1427, %swap3A_1428], %gather3A_1425 {strides = array<i32>} : memref<10x128xi32, #tpu.memory_space<vmem>>, vector<16xi32>,
    %iota3A_1430 = tpu.iota {dimensions = array<i32: 0>} : vector<16xi32>
    %add3A_1431 = arith.constant 96 : i32
    %add3A_1432 = vector.broadcast %add3A_1431 : i32 to vector<16xi32>
    %add3A_1433 = arith.addi %iota3A_1430, %add3A_1432 : vector<16xi32>
    %gather3A_1434 = tpu.vector_load_idx %arg9[%add3A_1433, %broadcast_in_dim3A_1375] : memref<128x10xi32, #tpu.memory_space<vmem>>[vector<16xi32>, vector<16xi32>], vector<16xi32>,
    %swap3A_1435 = arith.constant 8 : i32
    %swap3A_1436 = arith.index_cast %swap3A_1435 : i32 to index
    %swap3A_1437 = arith.constant 96 : index
    %swap3A_1438 = tpu.vector_load %arg11[%swap3A_1436, %swap3A_1437] {strides = array<i32>} : memref<10x128xi32, #tpu.memory_space<vmem>>, vector<16xi32>,
    tpu.vector_store %arg11[%swap3A_1436, %swap3A_1437], %gather3A_1434 {strides = array<i32>} : memref<10x128xi32, #tpu.memory_space<vmem>>, vector<16xi32>,
    %iota3A_1439 = tpu.iota {dimensions = array<i32: 0>} : vector<16xi32>
    %add3A_1440 = arith.constant 112 : i32
    %add3A_1441 = vector.broadcast %add3A_1440 : i32 to vector<16xi32>
    %add3A_1442 = arith.addi %iota3A_1439, %add3A_1441 : vector<16xi32>
    %gather3A_1443 = tpu.vector_load_idx %arg9[%add3A_1442, %broadcast_in_dim3A_1375] : memref<128x10xi32, #tpu.memory_space<vmem>>[vector<16xi32>, vector<16xi32>], vector<16xi32>,
    %swap3A_1444 = arith.constant 8 : i32
    %swap3A_1445 = arith.index_cast %swap3A_1444 : i32 to index
    %swap3A_1446 = arith.constant 112 : index
    %swap3A_1447 = tpu.vector_load %arg11[%swap3A_1445, %swap3A_1446] {strides = array<i32>} : memref<10x128xi32, #tpu.memory_space<vmem>>, vector<16xi32>,
    tpu.vector_store %arg11[%swap3A_1445, %swap3A_1446], %gather3A_1443 {strides = array<i32>} : memref<10x128xi32, #tpu.memory_space<vmem>>, vector<16xi32>,
    %broadcast_in_dim3A_1448 = arith.constant 9 : i32
    %broadcast_in_dim3A_1449 = vector.broadcast %broadcast_in_dim3A_1448 : i32 to vector<16xi32>
    %iota3A_1450 = tpu.iota {dimensions = array<i32: 0>} : vector<16xi32>
    %add3A_1451 = arith.constant 0 : i32
    %add3A_1452 = vector.broadcast %add3A_1451 : i32 to vector<16xi32>
    %add3A_1453 = arith.addi %iota3A_1450, %add3A_1452 : vector<16xi32>
    %gather3A_1454 = tpu.vector_load_idx %arg9[%add3A_1453, %broadcast_in_dim3A_1449] : memref<128x10xi32, #tpu.memory_space<vmem>>[vector<16xi32>, vector<16xi32>], vector<16xi32>,
    %swap3A_1455 = arith.constant 9 : i32
    %swap3A_1456 = arith.index_cast %swap3A_1455 : i32 to index
    %swap3A_1457 = arith.constant 0 : index
    %swap3A_1458 = tpu.vector_load %arg11[%swap3A_1456, %swap3A_1457] {strides = array<i32>} : memref<10x128xi32, #tpu.memory_space<vmem>>, vector<16xi32>,
    tpu.vector_store %arg11[%swap3A_1456, %swap3A_1457], %gather3A_1454 {strides = array<i32>} : memref<10x128xi32, #tpu.memory_space<vmem>>, vector<16xi32>,
    %iota3A_1459 = tpu.iota {dimensions = array<i32: 0>} : vector<16xi32>
    %add3A_1460 = arith.constant 16 : i32
    %add3A_1461 = vector.broadcast %add3A_1460 : i32 to vector<16xi32>
    %add3A_1462 = arith.addi %iota3A_1459, %add3A_1461 : vector<16xi32>
    %gather3A_1463 = tpu.vector_load_idx %arg9[%add3A_1462, %broadcast_in_dim3A_1449] : memref<128x10xi32, #tpu.memory_space<vmem>>[vector<16xi32>, vector<16xi32>], vector<16xi32>,
    %swap3A_1464 = arith.constant 9 : i32
    %swap3A_1465 = arith.index_cast %swap3A_1464 : i32 to index
    %swap3A_1466 = arith.constant 16 : index
    %swap3A_1467 = tpu.vector_load %arg11[%swap3A_1465, %swap3A_1466] {strides = array<i32>} : memref<10x128xi32, #tpu.memory_space<vmem>>, vector<16xi32>,
    tpu.vector_store %arg11[%swap3A_1465, %swap3A_1466], %gather3A_1463 {strides = array<i32>} : memref<10x128xi32, #tpu.memory_space<vmem>>, vector<16xi32>,
    %iota3A_1468 = tpu.iota {dimensions = array<i32: 0>} : vector<16xi32>
    %add3A_1469 = arith.constant 32 : i32
    %add3A_1470 = vector.broadcast %add3A_1469 : i32 to vector<16xi32>
    %add3A_1471 = arith.addi %iota3A_1468, %add3A_1470 : vector<16xi32>
    %gather3A_1472 = tpu.vector_load_idx %arg9[%add3A_1471, %broadcast_in_dim3A_1449] : memref<128x10xi32, #tpu.memory_space<vmem>>[vector<16xi32>, vector<16xi32>], vector<16xi32>,
    %swap3A_1473 = arith.constant 9 : i32
    %swap3A_1474 = arith.index_cast %swap3A_1473 : i32 to index
    %swap3A_1475 = arith.constant 32 : index
    %swap3A_1476 = tpu.vector_load %arg11[%swap3A_1474, %swap3A_1475] {strides = array<i32>} : memref<10x128xi32, #tpu.memory_space<vmem>>, vector<16xi32>,
    tpu.vector_store %arg11[%swap3A_1474, %swap3A_1475], %gather3A_1472 {strides = array<i32>} : memref<10x128xi32, #tpu.memory_space<vmem>>, vector<16xi32>,
    %iota3A_1477 = tpu.iota {dimensions = array<i32: 0>} : vector<16xi32>
    %add3A_1478 = arith.constant 48 : i32
    %add3A_1479 = vector.broadcast %add3A_1478 : i32 to vector<16xi32>
    %add3A_1480 = arith.addi %iota3A_1477, %add3A_1479 : vector<16xi32>
    %gather3A_1481 = tpu.vector_load_idx %arg9[%add3A_1480, %broadcast_in_dim3A_1449] : memref<128x10xi32, #tpu.memory_space<vmem>>[vector<16xi32>, vector<16xi32>], vector<16xi32>,
    %swap3A_1482 = arith.constant 9 : i32
    %swap3A_1483 = arith.index_cast %swap3A_1482 : i32 to index
    %swap3A_1484 = arith.constant 48 : index
    %swap3A_1485 = tpu.vector_load %arg11[%swap3A_1483, %swap3A_1484] {strides = array<i32>} : memref<10x128xi32, #tpu.memory_space<vmem>>, vector<16xi32>,
    tpu.vector_store %arg11[%swap3A_1483, %swap3A_1484], %gather3A_1481 {strides = array<i32>} : memref<10x128xi32, #tpu.memory_space<vmem>>, vector<16xi32>,
    %iota3A_1486 = tpu.iota {dimensions = array<i32: 0>} : vector<16xi32>
    %add3A_1487 = arith.constant 64 : i32
    %add3A_1488 = vector.broadcast %add3A_1487 : i32 to vector<16xi32>
    %add3A_1489 = arith.addi %iota3A_1486, %add3A_1488 : vector<16xi32>
    %gather3A_1490 = tpu.vector_load_idx %arg9[%add3A_1489, %broadcast_in_dim3A_1449] : memref<128x10xi32, #tpu.memory_space<vmem>>[vector<16xi32>, vector<16xi32>], vector<16xi32>,
    %swap3A_1491 = arith.constant 9 : i32
    %swap3A_1492 = arith.index_cast %swap3A_1491 : i32 to index
    %swap3A_1493 = arith.constant 64 : index
    %swap3A_1494 = tpu.vector_load %arg11[%swap3A_1492, %swap3A_1493] {strides = array<i32>} : memref<10x128xi32, #tpu.memory_space<vmem>>, vector<16xi32>,
    tpu.vector_store %arg11[%swap3A_1492, %swap3A_1493], %gather3A_1490 {strides = array<i32>} : memref<10x128xi32, #tpu.memory_space<vmem>>, vector<16xi32>,
    %iota3A_1495 = tpu.iota {dimensions = array<i32: 0>} : vector<16xi32>
    %add3A_1496 = arith.constant 80 : i32
    %add3A_1497 = vector.broadcast %add3A_1496 : i32 to vector<16xi32>
    %add3A_1498 = arith.addi %iota3A_1495, %add3A_1497 : vector<16xi32>
    %gather3A_1499 = tpu.vector_load_idx %arg9[%add3A_1498, %broadcast_in_dim3A_1449] : memref<128x10xi32, #tpu.memory_space<vmem>>[vector<16xi32>, vector<16xi32>], vector<16xi32>,
    %swap3A_1500 = arith.constant 9 : i32
    %swap3A_1501 = arith.index_cast %swap3A_1500 : i32 to index
    %swap3A_1502 = arith.constant 80 : index
    %swap3A_1503 = tpu.vector_load %arg11[%swap3A_1501, %swap3A_1502] {strides = array<i32>} : memref<10x128xi32, #tpu.memory_space<vmem>>, vector<16xi32>,
    tpu.vector_store %arg11[%swap3A_1501, %swap3A_1502], %gather3A_1499 {strides = array<i32>} : memref<10x128xi32, #tpu.memory_space<vmem>>, vector<16xi32>,
    %iota3A_1504 = tpu.iota {dimensions = array<i32: 0>} : vector<16xi32>
    %add3A_1505 = arith.constant 96 : i32
    %add3A_1506 = vector.broadcast %add3A_1505 : i32 to vector<16xi32>
    %add3A_1507 = arith.addi %iota3A_1504, %add3A_1506 : vector<16xi32>
    %gather3A_1508 = tpu.vector_load_idx %arg9[%add3A_1507, %broadcast_in_dim3A_1449] : memref<128x10xi32, #tpu.memory_space<vmem>>[vector<16xi32>, vector<16xi32>], vector<16xi32>,
    %swap3A_1509 = arith.constant 9 : i32
    %swap3A_1510 = arith.index_cast %swap3A_1509 : i32 to index
    %swap3A_1511 = arith.constant 96 : index
    %swap3A_1512 = tpu.vector_load %arg11[%swap3A_1510, %swap3A_1511] {strides = array<i32>} : memref<10x128xi32, #tpu.memory_space<vmem>>, vector<16xi32>,
    tpu.vector_store %arg11[%swap3A_1510, %swap3A_1511], %gather3A_1508 {strides = array<i32>} : memref<10x128xi32, #tpu.memory_space<vmem>>, vector<16xi32>,
    %iota3A_1513 = tpu.iota {dimensions = array<i32: 0>} : vector<16xi32>
    %add3A_1514 = arith.constant 112 : i32
    %add3A_1515 = vector.broadcast %add3A_1514 : i32 to vector<16xi32>
    %add3A_1516 = arith.addi %iota3A_1513, %add3A_1515 : vector<16xi32>
    %gather3A_1517 = tpu.vector_load_idx %arg9[%add3A_1516, %broadcast_in_dim3A_1449] : memref<128x10xi32, #tpu.memory_space<vmem>>[vector<16xi32>, vector<16xi32>], vector<16xi32>,
    %swap3A_1518 = arith.constant 9 : i32
    %swap3A_1519 = arith.index_cast %swap3A_1518 : i32 to index
    %swap3A_1520 = arith.constant 112 : index
    %swap3A_1521 = tpu.vector_load %arg11[%swap3A_1519, %swap3A_1520] {strides = array<i32>} : memref<10x128xi32, #tpu.memory_space<vmem>>, vector<16xi32>,
    tpu.vector_store %arg11[%swap3A_1519, %swap3A_1520], %gather3A_1517 {strides = array<i32>} : memref<10x128xi32, #tpu.memory_space<vmem>>, vector<16xi32>,
    %dma_start3A_1522 = arith.constant 0 : i32
    %dma_start3A_1523 = arith.constant 0 : i32
    %dma_start3A_1524 = tpu.memref_slice %arg11[%dma_start3A_1522, %dma_start3A_1523] : memref<10x128xi32, #tpu.memory_space<vmem>> -> memref<1x128xi32, #tpu.memory_space<vmem>>
    %dma_start3A_1525 = tpu.memref_squeeze %dma_start3A_1524 : memref<1x128xi32, #tpu.memory_space<vmem>> -> memref<128xi32, #tpu.memory_space<vmem>>
    %dma_start3A_1526 = arith.constant 0 : i32
    %dma_start3A_1527 = arith.constant 0 : i32
    %dma_start3A_1528 = tpu.memref_slice %arg2[%dma_start3A_1526, %dma_start3A_1527] : memref<50000x128xf32, #tpu.memory_space<hbm>> -> memref<50000x128xf32, #tpu.memory_space<hbm>>
    tpu.enqueue_indirect_dma source(%dma_start3A_1528 : memref<50000x128xf32, #tpu.memory_space<hbm>>) target(%arg15 : memref<128x128xf32, #tpu.memory_space<vmem>>) offsets(%dma_start3A_1525 : memref<128xi32, #tpu.memory_space<vmem>>) semaphore(%arg21 : memref<!tpu.dma_semaphore, #tpu.memory_space<semaphore_mem>>)
    %dma_wait3A_1529 = arith.constant 0 : i32
    %dma_wait3A_1530 = arith.constant 0 : i32
    %dma_wait3A_1531 = tpu.memref_slice %arg10[%dma_wait3A_1529, %dma_wait3A_1530] : memref<10x128xi32, #tpu.memory_space<vmem>> -> memref<1x128xi32, #tpu.memory_space<vmem>>
    %dma_wait3A_1532 = tpu.memref_squeeze %dma_wait3A_1531 : memref<1x128xi32, #tpu.memory_space<vmem>> -> memref<128xi32, #tpu.memory_space<vmem>>
    %dma_wait3A_1533 = arith.constant 0 : i32
    %dma_wait3A_1534 = arith.constant 0 : i32
    %dma_wait3A_1535 = tpu.memref_slice %arg2[%dma_wait3A_1533, %dma_wait3A_1534] : memref<50000x128xf32, #tpu.memory_space<hbm>> -> memref<50000x128xf32, #tpu.memory_space<hbm>>
    tpu.wait_indirect_dma semaphore(%arg20 : memref<!tpu.dma_semaphore, #tpu.memory_space<semaphore_mem>>) src(%dma_wait3A_1535 : memref<50000x128xf32, #tpu.memory_space<hbm>>) dst(%arg14 : memref<128x128xf32, #tpu.memory_space<vmem>>)
    %dma_start3A_1536 = arith.constant 1 : i32
    %dma_start3A_1537 = arith.constant 0 : i32
    %dma_start3A_1538 = tpu.memref_slice %arg10[%dma_start3A_1536, %dma_start3A_1537] : memref<10x128xi32, #tpu.memory_space<vmem>> -> memref<1x128xi32, #tpu.memory_space<vmem>>
    %dma_start3A_1539 = tpu.memref_squeeze %dma_start3A_1538 : memref<1x128xi32, #tpu.memory_space<vmem>> -> memref<128xi32, #tpu.memory_space<vmem>>
    %dma_start3A_1540 = arith.constant 0 : i32
    %dma_start3A_1541 = arith.constant 0 : i32
    %dma_start3A_1542 = tpu.memref_slice %arg2[%dma_start3A_1540, %dma_start3A_1541] : memref<50000x128xf32, #tpu.memory_space<hbm>> -> memref<50000x128xf32, #tpu.memory_space<hbm>>
    tpu.enqueue_indirect_dma source(%dma_start3A_1542 : memref<50000x128xf32, #tpu.memory_space<hbm>>) target(%arg14 : memref<128x128xf32, #tpu.memory_space<vmem>>) offsets(%dma_start3A_1539 : memref<128xi32, #tpu.memory_space<vmem>>) semaphore(%arg22 : memref<!tpu.dma_semaphore, #tpu.memory_space<semaphore_mem>>) {add = true}
    %dma_start3A_1543 = arith.constant 2 : i32
    %dma_start3A_1544 = arith.constant 0 : i32
    %dma_start3A_1545 = tpu.memref_slice %arg10[%dma_start3A_1543, %dma_start3A_1544] : memref<10x128xi32, #tpu.memory_space<vmem>> -> memref<1x128xi32, #tpu.memory_space<vmem>>
    %dma_start3A_1546 = tpu.memref_squeeze %dma_start3A_1545 : memref<1x128xi32, #tpu.memory_space<vmem>> -> memref<128xi32, #tpu.memory_space<vmem>>
    %dma_start3A_1547 = arith.constant 0 : i32
    %dma_start3A_1548 = arith.constant 0 : i32
    %dma_start3A_1549 = tpu.memref_slice %arg2[%dma_start3A_1547, %dma_start3A_1548] : memref<50000x128xf32, #tpu.memory_space<hbm>> -> memref<50000x128xf32, #tpu.memory_space<hbm>>
    tpu.enqueue_indirect_dma source(%dma_start3A_1549 : memref<50000x128xf32, #tpu.memory_space<hbm>>) target(%arg14 : memref<128x128xf32, #tpu.memory_space<vmem>>) offsets(%dma_start3A_1546 : memref<128xi32, #tpu.memory_space<vmem>>) semaphore(%arg22 : memref<!tpu.dma_semaphore, #tpu.memory_space<semaphore_mem>>) {add = true}
    %dma_start3A_1550 = arith.constant 3 : i32
    %dma_start3A_1551 = arith.constant 0 : i32
    %dma_start3A_1552 = tpu.memref_slice %arg10[%dma_start3A_1550, %dma_start3A_1551] : memref<10x128xi32, #tpu.memory_space<vmem>> -> memref<1x128xi32, #tpu.memory_space<vmem>>
    %dma_start3A_1553 = tpu.memref_squeeze %dma_start3A_1552 : memref<1x128xi32, #tpu.memory_space<vmem>> -> memref<128xi32, #tpu.memory_space<vmem>>
    %dma_start3A_1554 = arith.constant 0 : i32
    %dma_start3A_1555 = arith.constant 0 : i32
    %dma_start3A_1556 = tpu.memref_slice %arg2[%dma_start3A_1554, %dma_start3A_1555] : memref<50000x128xf32, #tpu.memory_space<hbm>> -> memref<50000x128xf32, #tpu.memory_space<hbm>>
    tpu.enqueue_indirect_dma source(%dma_start3A_1556 : memref<50000x128xf32, #tpu.memory_space<hbm>>) target(%arg14 : memref<128x128xf32, #tpu.memory_space<vmem>>) offsets(%dma_start3A_1553 : memref<128xi32, #tpu.memory_space<vmem>>) semaphore(%arg22 : memref<!tpu.dma_semaphore, #tpu.memory_space<semaphore_mem>>) {add = true}
    %dma_start3A_1557 = arith.constant 4 : i32
    %dma_start3A_1558 = arith.constant 0 : i32
    %dma_start3A_1559 = tpu.memref_slice %arg10[%dma_start3A_1557, %dma_start3A_1558] : memref<10x128xi32, #tpu.memory_space<vmem>> -> memref<1x128xi32, #tpu.memory_space<vmem>>
    %dma_start3A_1560 = tpu.memref_squeeze %dma_start3A_1559 : memref<1x128xi32, #tpu.memory_space<vmem>> -> memref<128xi32, #tpu.memory_space<vmem>>
    %dma_start3A_1561 = arith.constant 0 : i32
    %dma_start3A_1562 = arith.constant 0 : i32
    %dma_start3A_1563 = tpu.memref_slice %arg2[%dma_start3A_1561, %dma_start3A_1562] : memref<50000x128xf32, #tpu.memory_space<hbm>> -> memref<50000x128xf32, #tpu.memory_space<hbm>>
    tpu.enqueue_indirect_dma source(%dma_start3A_1563 : memref<50000x128xf32, #tpu.memory_space<hbm>>) target(%arg14 : memref<128x128xf32, #tpu.memory_space<vmem>>) offsets(%dma_start3A_1560 : memref<128xi32, #tpu.memory_space<vmem>>) semaphore(%arg22 : memref<!tpu.dma_semaphore, #tpu.memory_space<semaphore_mem>>) {add = true}
    %dma_start3A_1564 = arith.constant 5 : i32
    %dma_start3A_1565 = arith.constant 0 : i32
    %dma_start3A_1566 = tpu.memref_slice %arg10[%dma_start3A_1564, %dma_start3A_1565] : memref<10x128xi32, #tpu.memory_space<vmem>> -> memref<1x128xi32, #tpu.memory_space<vmem>>
    %dma_start3A_1567 = tpu.memref_squeeze %dma_start3A_1566 : memref<1x128xi32, #tpu.memory_space<vmem>> -> memref<128xi32, #tpu.memory_space<vmem>>
    %dma_start3A_1568 = arith.constant 0 : i32
    %dma_start3A_1569 = arith.constant 0 : i32
    %dma_start3A_1570 = tpu.memref_slice %arg2[%dma_start3A_1568, %dma_start3A_1569] : memref<50000x128xf32, #tpu.memory_space<hbm>> -> memref<50000x128xf32, #tpu.memory_space<hbm>>
    tpu.enqueue_indirect_dma source(%dma_start3A_1570 : memref<50000x128xf32, #tpu.memory_space<hbm>>) target(%arg14 : memref<128x128xf32, #tpu.memory_space<vmem>>) offsets(%dma_start3A_1567 : memref<128xi32, #tpu.memory_space<vmem>>) semaphore(%arg22 : memref<!tpu.dma_semaphore, #tpu.memory_space<semaphore_mem>>) {add = true}
    %dma_start3A_1571 = arith.constant 6 : i32
    %dma_start3A_1572 = arith.constant 0 : i32
    %dma_start3A_1573 = tpu.memref_slice %arg10[%dma_start3A_1571, %dma_start3A_1572] : memref<10x128xi32, #tpu.memory_space<vmem>> -> memref<1x128xi32, #tpu.memory_space<vmem>>
    %dma_start3A_1574 = tpu.memref_squeeze %dma_start3A_1573 : memref<1x128xi32, #tpu.memory_space<vmem>> -> memref<128xi32, #tpu.memory_space<vmem>>
    %dma_start3A_1575 = arith.constant 0 : i32
    %dma_start3A_1576 = arith.constant 0 : i32
    %dma_start3A_1577 = tpu.memref_slice %arg2[%dma_start3A_1575, %dma_start3A_1576] : memref<50000x128xf32, #tpu.memory_space<hbm>> -> memref<50000x128xf32, #tpu.memory_space<hbm>>
    tpu.enqueue_indirect_dma source(%dma_start3A_1577 : memref<50000x128xf32, #tpu.memory_space<hbm>>) target(%arg14 : memref<128x128xf32, #tpu.memory_space<vmem>>) offsets(%dma_start3A_1574 : memref<128xi32, #tpu.memory_space<vmem>>) semaphore(%arg22 : memref<!tpu.dma_semaphore, #tpu.memory_space<semaphore_mem>>) {add = true}
    %dma_start3A_1578 = arith.constant 7 : i32
    %dma_start3A_1579 = arith.constant 0 : i32
    %dma_start3A_1580 = tpu.memref_slice %arg10[%dma_start3A_1578, %dma_start3A_1579] : memref<10x128xi32, #tpu.memory_space<vmem>> -> memref<1x128xi32, #tpu.memory_space<vmem>>
    %dma_start3A_1581 = tpu.memref_squeeze %dma_start3A_1580 : memref<1x128xi32, #tpu.memory_space<vmem>> -> memref<128xi32, #tpu.memory_space<vmem>>
    %dma_start3A_1582 = arith.constant 0 : i32
    %dma_start3A_1583 = arith.constant 0 : i32
    %dma_start3A_1584 = tpu.memref_slice %arg2[%dma_start3A_1582, %dma_start3A_1583] : memref<50000x128xf32, #tpu.memory_space<hbm>> -> memref<50000x128xf32, #tpu.memory_space<hbm>>
    tpu.enqueue_indirect_dma source(%dma_start3A_1584 : memref<50000x128xf32, #tpu.memory_space<hbm>>) target(%arg14 : memref<128x128xf32, #tpu.memory_space<vmem>>) offsets(%dma_start3A_1581 : memref<128xi32, #tpu.memory_space<vmem>>) semaphore(%arg22 : memref<!tpu.dma_semaphore, #tpu.memory_space<semaphore_mem>>) {add = true}
    %dma_start3A_1585 = arith.constant 8 : i32
    %dma_start3A_1586 = arith.constant 0 : i32
    %dma_start3A_1587 = tpu.memref_slice %arg10[%dma_start3A_1585, %dma_start3A_1586] : memref<10x128xi32, #tpu.memory_space<vmem>> -> memref<1x128xi32, #tpu.memory_space<vmem>>
    %dma_start3A_1588 = tpu.memref_squeeze %dma_start3A_1587 : memref<1x128xi32, #tpu.memory_space<vmem>> -> memref<128xi32, #tpu.memory_space<vmem>>
    %dma_start3A_1589 = arith.constant 0 : i32
    %dma_start3A_1590 = arith.constant 0 : i32
    %dma_start3A_1591 = tpu.memref_slice %arg2[%dma_start3A_1589, %dma_start3A_1590] : memref<50000x128xf32, #tpu.memory_space<hbm>> -> memref<50000x128xf32, #tpu.memory_space<hbm>>
    tpu.enqueue_indirect_dma source(%dma_start3A_1591 : memref<50000x128xf32, #tpu.memory_space<hbm>>) target(%arg14 : memref<128x128xf32, #tpu.memory_space<vmem>>) offsets(%dma_start3A_1588 : memref<128xi32, #tpu.memory_space<vmem>>) semaphore(%arg22 : memref<!tpu.dma_semaphore, #tpu.memory_space<semaphore_mem>>) {add = true}
    %dma_start3A_1592 = arith.constant 9 : i32
    %dma_start3A_1593 = arith.constant 0 : i32
    %dma_start3A_1594 = tpu.memref_slice %arg10[%dma_start3A_1592, %dma_start3A_1593] : memref<10x128xi32, #tpu.memory_space<vmem>> -> memref<1x128xi32, #tpu.memory_space<vmem>>
    %dma_start3A_1595 = tpu.memref_squeeze %dma_start3A_1594 : memref<1x128xi32, #tpu.memory_space<vmem>> -> memref<128xi32, #tpu.memory_space<vmem>>
    %dma_start3A_1596 = arith.constant 0 : i32
    %dma_start3A_1597 = arith.constant 0 : i32
    %dma_start3A_1598 = tpu.memref_slice %arg2[%dma_start3A_1596, %dma_start3A_1597] : memref<50000x128xf32, #tpu.memory_space<hbm>> -> memref<50000x128xf32, #tpu.memory_space<hbm>>
    tpu.enqueue_indirect_dma source(%dma_start3A_1598 : memref<50000x128xf32, #tpu.memory_space<hbm>>) target(%arg14 : memref<128x128xf32, #tpu.memory_space<vmem>>) offsets(%dma_start3A_1595 : memref<128xi32, #tpu.memory_space<vmem>>) semaphore(%arg22 : memref<!tpu.dma_semaphore, #tpu.memory_space<semaphore_mem>>) {add = true}
    %dma_wait3A_1599 = arith.constant 0 : i32
    %dma_wait3A_1600 = arith.constant 0 : i32
    %dma_wait3A_1601 = tpu.memref_slice %arg11[%dma_wait3A_1599, %dma_wait3A_1600] : memref<10x128xi32, #tpu.memory_space<vmem>> -> memref<1x128xi32, #tpu.memory_space<vmem>>
    %dma_wait3A_1602 = tpu.memref_squeeze %dma_wait3A_1601 : memref<1x128xi32, #tpu.memory_space<vmem>> -> memref<128xi32, #tpu.memory_space<vmem>>
    %dma_wait3A_1603 = arith.constant 0 : i32
    %dma_wait3A_1604 = arith.constant 0 : i32
    %dma_wait3A_1605 = tpu.memref_slice %arg2[%dma_wait3A_1603, %dma_wait3A_1604] : memref<50000x128xf32, #tpu.memory_space<hbm>> -> memref<50000x128xf32, #tpu.memory_space<hbm>>
    tpu.wait_indirect_dma semaphore(%arg21 : memref<!tpu.dma_semaphore, #tpu.memory_space<semaphore_mem>>) src(%dma_wait3A_1605 : memref<50000x128xf32, #tpu.memory_space<hbm>>) dst(%arg15 : memref<128x128xf32, #tpu.memory_space<vmem>>)
    %dma_start3A_1606 = arith.constant 1 : i32
    %dma_start3A_1607 = arith.constant 0 : i32
    %dma_start3A_1608 = tpu.memref_slice %arg11[%dma_start3A_1606, %dma_start3A_1607] : memref<10x128xi32, #tpu.memory_space<vmem>> -> memref<1x128xi32, #tpu.memory_space<vmem>>
    %dma_start3A_1609 = tpu.memref_squeeze %dma_start3A_1608 : memref<1x128xi32, #tpu.memory_space<vmem>> -> memref<128xi32, #tpu.memory_space<vmem>>
    %dma_start3A_1610 = arith.constant 0 : i32
    %dma_start3A_1611 = arith.constant 0 : i32
    %dma_start3A_1612 = tpu.memref_slice %arg2[%dma_start3A_1610, %dma_start3A_1611] : memref<50000x128xf32, #tpu.memory_space<hbm>> -> memref<50000x128xf32, #tpu.memory_space<hbm>>
    tpu.enqueue_indirect_dma source(%dma_start3A_1612 : memref<50000x128xf32, #tpu.memory_space<hbm>>) target(%arg15 : memref<128x128xf32, #tpu.memory_space<vmem>>) offsets(%dma_start3A_1609 : memref<128xi32, #tpu.memory_space<vmem>>) semaphore(%arg23 : memref<!tpu.dma_semaphore, #tpu.memory_space<semaphore_mem>>) {add = true}
    %dma_start3A_1613 = arith.constant 2 : i32
    %dma_start3A_1614 = arith.constant 0 : i32
    %dma_start3A_1615 = tpu.memref_slice %arg11[%dma_start3A_1613, %dma_start3A_1614] : memref<10x128xi32, #tpu.memory_space<vmem>> -> memref<1x128xi32, #tpu.memory_space<vmem>>
    %dma_start3A_1616 = tpu.memref_squeeze %dma_start3A_1615 : memref<1x128xi32, #tpu.memory_space<vmem>> -> memref<128xi32, #tpu.memory_space<vmem>>
    %dma_start3A_1617 = arith.constant 0 : i32
    %dma_start3A_1618 = arith.constant 0 : i32
    %dma_start3A_1619 = tpu.memref_slice %arg2[%dma_start3A_1617, %dma_start3A_1618] : memref<50000x128xf32, #tpu.memory_space<hbm>> -> memref<50000x128xf32, #tpu.memory_space<hbm>>
    tpu.enqueue_indirect_dma source(%dma_start3A_1619 : memref<50000x128xf32, #tpu.memory_space<hbm>>) target(%arg15 : memref<128x128xf32, #tpu.memory_space<vmem>>) offsets(%dma_start3A_1616 : memref<128xi32, #tpu.memory_space<vmem>>) semaphore(%arg23 : memref<!tpu.dma_semaphore, #tpu.memory_space<semaphore_mem>>) {add = true}
    %dma_start3A_1620 = arith.constant 3 : i32
    %dma_start3A_1621 = arith.constant 0 : i32
    %dma_start3A_1622 = tpu.memref_slice %arg11[%dma_start3A_1620, %dma_start3A_1621] : memref<10x128xi32, #tpu.memory_space<vmem>> -> memref<1x128xi32, #tpu.memory_space<vmem>>
    %dma_start3A_1623 = tpu.memref_squeeze %dma_start3A_1622 : memref<1x128xi32, #tpu.memory_space<vmem>> -> memref<128xi32, #tpu.memory_space<vmem>>
    %dma_start3A_1624 = arith.constant 0 : i32
    %dma_start3A_1625 = arith.constant 0 : i32
    %dma_start3A_1626 = tpu.memref_slice %arg2[%dma_start3A_1624, %dma_start3A_1625] : memref<50000x128xf32, #tpu.memory_space<hbm>> -> memref<50000x128xf32, #tpu.memory_space<hbm>>
    tpu.enqueue_indirect_dma source(%dma_start3A_1626 : memref<50000x128xf32, #tpu.memory_space<hbm>>) target(%arg15 : memref<128x128xf32, #tpu.memory_space<vmem>>) offsets(%dma_start3A_1623 : memref<128xi32, #tpu.memory_space<vmem>>) semaphore(%arg23 : memref<!tpu.dma_semaphore, #tpu.memory_space<semaphore_mem>>) {add = true}
    %dma_start3A_1627 = arith.constant 4 : i32
    %dma_start3A_1628 = arith.constant 0 : i32
    %dma_start3A_1629 = tpu.memref_slice %arg11[%dma_start3A_1627, %dma_start3A_1628] : memref<10x128xi32, #tpu.memory_space<vmem>> -> memref<1x128xi32, #tpu.memory_space<vmem>>
    %dma_start3A_1630 = tpu.memref_squeeze %dma_start3A_1629 : memref<1x128xi32, #tpu.memory_space<vmem>> -> memref<128xi32, #tpu.memory_space<vmem>>
    %dma_start3A_1631 = arith.constant 0 : i32
    %dma_start3A_1632 = arith.constant 0 : i32
    %dma_start3A_1633 = tpu.memref_slice %arg2[%dma_start3A_1631, %dma_start3A_1632] : memref<50000x128xf32, #tpu.memory_space<hbm>> -> memref<50000x128xf32, #tpu.memory_space<hbm>>
    tpu.enqueue_indirect_dma source(%dma_start3A_1633 : memref<50000x128xf32, #tpu.memory_space<hbm>>) target(%arg15 : memref<128x128xf32, #tpu.memory_space<vmem>>) offsets(%dma_start3A_1630 : memref<128xi32, #tpu.memory_space<vmem>>) semaphore(%arg23 : memref<!tpu.dma_semaphore, #tpu.memory_space<semaphore_mem>>) {add = true}
    %dma_start3A_1634 = arith.constant 5 : i32
    %dma_start3A_1635 = arith.constant 0 : i32
    %dma_start3A_1636 = tpu.memref_slice %arg11[%dma_start3A_1634, %dma_start3A_1635] : memref<10x128xi32, #tpu.memory_space<vmem>> -> memref<1x128xi32, #tpu.memory_space<vmem>>
    %dma_start3A_1637 = tpu.memref_squeeze %dma_start3A_1636 : memref<1x128xi32, #tpu.memory_space<vmem>> -> memref<128xi32, #tpu.memory_space<vmem>>
    %dma_start3A_1638 = arith.constant 0 : i32
    %dma_start3A_1639 = arith.constant 0 : i32
    %dma_start3A_1640 = tpu.memref_slice %arg2[%dma_start3A_1638, %dma_start3A_1639] : memref<50000x128xf32, #tpu.memory_space<hbm>> -> memref<50000x128xf32, #tpu.memory_space<hbm>>
    tpu.enqueue_indirect_dma source(%dma_start3A_1640 : memref<50000x128xf32, #tpu.memory_space<hbm>>) target(%arg15 : memref<128x128xf32, #tpu.memory_space<vmem>>) offsets(%dma_start3A_1637 : memref<128xi32, #tpu.memory_space<vmem>>) semaphore(%arg23 : memref<!tpu.dma_semaphore, #tpu.memory_space<semaphore_mem>>) {add = true}
    %dma_start3A_1641 = arith.constant 6 : i32
    %dma_start3A_1642 = arith.constant 0 : i32
    %dma_start3A_1643 = tpu.memref_slice %arg11[%dma_start3A_1641, %dma_start3A_1642] : memref<10x128xi32, #tpu.memory_space<vmem>> -> memref<1x128xi32, #tpu.memory_space<vmem>>
    %dma_start3A_1644 = tpu.memref_squeeze %dma_start3A_1643 : memref<1x128xi32, #tpu.memory_space<vmem>> -> memref<128xi32, #tpu.memory_space<vmem>>
    %dma_start3A_1645 = arith.constant 0 : i32
    %dma_start3A_1646 = arith.constant 0 : i32
    %dma_start3A_1647 = tpu.memref_slice %arg2[%dma_start3A_1645, %dma_start3A_1646] : memref<50000x128xf32, #tpu.memory_space<hbm>> -> memref<50000x128xf32, #tpu.memory_space<hbm>>
    tpu.enqueue_indirect_dma source(%dma_start3A_1647 : memref<50000x128xf32, #tpu.memory_space<hbm>>) target(%arg15 : memref<128x128xf32, #tpu.memory_space<vmem>>) offsets(%dma_start3A_1644 : memref<128xi32, #tpu.memory_space<vmem>>) semaphore(%arg23 : memref<!tpu.dma_semaphore, #tpu.memory_space<semaphore_mem>>) {add = true}
    %dma_start3A_1648 = arith.constant 7 : i32
    %dma_start3A_1649 = arith.constant 0 : i32
    %dma_start3A_1650 = tpu.memref_slice %arg11[%dma_start3A_1648, %dma_start3A_1649] : memref<10x128xi32, #tpu.memory_space<vmem>> -> memref<1x128xi32, #tpu.memory_space<vmem>>
    %dma_start3A_1651 = tpu.memref_squeeze %dma_start3A_1650 : memref<1x128xi32, #tpu.memory_space<vmem>> -> memref<128xi32, #tpu.memory_space<vmem>>
    %dma_start3A_1652 = arith.constant 0 : i32
    %dma_start3A_1653 = arith.constant 0 : i32
    %dma_start3A_1654 = tpu.memref_slice %arg2[%dma_start3A_1652, %dma_start3A_1653] : memref<50000x128xf32, #tpu.memory_space<hbm>> -> memref<50000x128xf32, #tpu.memory_space<hbm>>
    tpu.enqueue_indirect_dma source(%dma_start3A_1654 : memref<50000x128xf32, #tpu.memory_space<hbm>>) target(%arg15 : memref<128x128xf32, #tpu.memory_space<vmem>>) offsets(%dma_start3A_1651 : memref<128xi32, #tpu.memory_space<vmem>>) semaphore(%arg23 : memref<!tpu.dma_semaphore, #tpu.memory_space<semaphore_mem>>) {add = true}
    %dma_start3A_1655 = arith.constant 8 : i32
    %dma_start3A_1656 = arith.constant 0 : i32
    %dma_start3A_1657 = tpu.memref_slice %arg11[%dma_start3A_1655, %dma_start3A_1656] : memref<10x128xi32, #tpu.memory_space<vmem>> -> memref<1x128xi32, #tpu.memory_space<vmem>>
    %dma_start3A_1658 = tpu.memref_squeeze %dma_start3A_1657 : memref<1x128xi32, #tpu.memory_space<vmem>> -> memref<128xi32, #tpu.memory_space<vmem>>
    %dma_start3A_1659 = arith.constant 0 : i32
    %dma_start3A_1660 = arith.constant 0 : i32
    %dma_start3A_1661 = tpu.memref_slice %arg2[%dma_start3A_1659, %dma_start3A_1660] : memref<50000x128xf32, #tpu.memory_space<hbm>> -> memref<50000x128xf32, #tpu.memory_space<hbm>>
    tpu.enqueue_indirect_dma source(%dma_start3A_1661 : memref<50000x128xf32, #tpu.memory_space<hbm>>) target(%arg15 : memref<128x128xf32, #tpu.memory_space<vmem>>) offsets(%dma_start3A_1658 : memref<128xi32, #tpu.memory_space<vmem>>) semaphore(%arg23 : memref<!tpu.dma_semaphore, #tpu.memory_space<semaphore_mem>>) {add = true}
    %dma_start3A_1662 = arith.constant 9 : i32
    %dma_start3A_1663 = arith.constant 0 : i32
    %dma_start3A_1664 = tpu.memref_slice %arg11[%dma_start3A_1662, %dma_start3A_1663] : memref<10x128xi32, #tpu.memory_space<vmem>> -> memref<1x128xi32, #tpu.memory_space<vmem>>
    %dma_start3A_1665 = tpu.memref_squeeze %dma_start3A_1664 : memref<1x128xi32, #tpu.memory_space<vmem>> -> memref<128xi32, #tpu.memory_space<vmem>>
    %dma_start3A_1666 = arith.constant 0 : i32
    %dma_start3A_1667 = arith.constant 0 : i32
    %dma_start3A_1668 = tpu.memref_slice %arg2[%dma_start3A_1666, %dma_start3A_1667] : memref<50000x128xf32, #tpu.memory_space<hbm>> -> memref<50000x128xf32, #tpu.memory_space<hbm>>
    tpu.enqueue_indirect_dma source(%dma_start3A_1668 : memref<50000x128xf32, #tpu.memory_space<hbm>>) target(%arg15 : memref<128x128xf32, #tpu.memory_space<vmem>>) offsets(%dma_start3A_1665 : memref<128xi32, #tpu.memory_space<vmem>>) semaphore(%arg23 : memref<!tpu.dma_semaphore, #tpu.memory_space<semaphore_mem>>) {add = true}
    %dma_wait3A_1669 = arith.constant 1 : i32
    %dma_wait3A_1670 = arith.constant 0 : i32
    %dma_wait3A_1671 = tpu.memref_slice %arg10[%dma_wait3A_1669, %dma_wait3A_1670] : memref<10x128xi32, #tpu.memory_space<vmem>> -> memref<1x128xi32, #tpu.memory_space<vmem>>
    %dma_wait3A_1672 = tpu.memref_squeeze %dma_wait3A_1671 : memref<1x128xi32, #tpu.memory_space<vmem>> -> memref<128xi32, #tpu.memory_space<vmem>>
    %dma_wait3A_1673 = arith.constant 0 : i32
    %dma_wait3A_1674 = arith.constant 0 : i32
    %dma_wait3A_1675 = tpu.memref_slice %arg2[%dma_wait3A_1673, %dma_wait3A_1674] : memref<50000x128xf32, #tpu.memory_space<hbm>> -> memref<50000x128xf32, #tpu.memory_space<hbm>>
    tpu.wait_indirect_dma semaphore(%arg22 : memref<!tpu.dma_semaphore, #tpu.memory_space<semaphore_mem>>) src(%dma_wait3A_1675 : memref<50000x128xf32, #tpu.memory_space<hbm>>) dst(%arg14 : memref<128x128xf32, #tpu.memory_space<vmem>>)
    %dma_wait3A_1676 = arith.constant 2 : i32
    %dma_wait3A_1677 = arith.constant 0 : i32
    %dma_wait3A_1678 = tpu.memref_slice %arg10[%dma_wait3A_1676, %dma_wait3A_1677] : memref<10x128xi32, #tpu.memory_space<vmem>> -> memref<1x128xi32, #tpu.memory_space<vmem>>
    %dma_wait3A_1679 = tpu.memref_squeeze %dma_wait3A_1678 : memref<1x128xi32, #tpu.memory_space<vmem>> -> memref<128xi32, #tpu.memory_space<vmem>>
    %dma_wait3A_1680 = arith.constant 0 : i32
    %dma_wait3A_1681 = arith.constant 0 : i32
    %dma_wait3A_1682 = tpu.memref_slice %arg2[%dma_wait3A_1680, %dma_wait3A_1681] : memref<50000x128xf32, #tpu.memory_space<hbm>> -> memref<50000x128xf32, #tpu.memory_space<hbm>>
    tpu.wait_indirect_dma semaphore(%arg22 : memref<!tpu.dma_semaphore, #tpu.memory_space<semaphore_mem>>) src(%dma_wait3A_1682 : memref<50000x128xf32, #tpu.memory_space<hbm>>) dst(%arg14 : memref<128x128xf32, #tpu.memory_space<vmem>>)
    %dma_wait3A_1683 = arith.constant 3 : i32
    %dma_wait3A_1684 = arith.constant 0 : i32
    %dma_wait3A_1685 = tpu.memref_slice %arg10[%dma_wait3A_1683, %dma_wait3A_1684] : memref<10x128xi32, #tpu.memory_space<vmem>> -> memref<1x128xi32, #tpu.memory_space<vmem>>
    %dma_wait3A_1686 = tpu.memref_squeeze %dma_wait3A_1685 : memref<1x128xi32, #tpu.memory_space<vmem>> -> memref<128xi32, #tpu.memory_space<vmem>>
    %dma_wait3A_1687 = arith.constant 0 : i32
    %dma_wait3A_1688 = arith.constant 0 : i32
    %dma_wait3A_1689 = tpu.memref_slice %arg2[%dma_wait3A_1687, %dma_wait3A_1688] : memref<50000x128xf32, #tpu.memory_space<hbm>> -> memref<50000x128xf32, #tpu.memory_space<hbm>>
    tpu.wait_indirect_dma semaphore(%arg22 : memref<!tpu.dma_semaphore, #tpu.memory_space<semaphore_mem>>) src(%dma_wait3A_1689 : memref<50000x128xf32, #tpu.memory_space<hbm>>) dst(%arg14 : memref<128x128xf32, #tpu.memory_space<vmem>>)
    %dma_wait3A_1690 = arith.constant 4 : i32
    %dma_wait3A_1691 = arith.constant 0 : i32
    %dma_wait3A_1692 = tpu.memref_slice %arg10[%dma_wait3A_1690, %dma_wait3A_1691] : memref<10x128xi32, #tpu.memory_space<vmem>> -> memref<1x128xi32, #tpu.memory_space<vmem>>
    %dma_wait3A_1693 = tpu.memref_squeeze %dma_wait3A_1692 : memref<1x128xi32, #tpu.memory_space<vmem>> -> memref<128xi32, #tpu.memory_space<vmem>>
    %dma_wait3A_1694 = arith.constant 0 : i32
    %dma_wait3A_1695 = arith.constant 0 : i32
    %dma_wait3A_1696 = tpu.memref_slice %arg2[%dma_wait3A_1694, %dma_wait3A_1695] : memref<50000x128xf32, #tpu.memory_space<hbm>> -> memref<50000x128xf32, #tpu.memory_space<hbm>>
    tpu.wait_indirect_dma semaphore(%arg22 : memref<!tpu.dma_semaphore, #tpu.memory_space<semaphore_mem>>) src(%dma_wait3A_1696 : memref<50000x128xf32, #tpu.memory_space<hbm>>) dst(%arg14 : memref<128x128xf32, #tpu.memory_space<vmem>>)
    %dma_wait3A_1697 = arith.constant 5 : i32
    %dma_wait3A_1698 = arith.constant 0 : i32
    %dma_wait3A_1699 = tpu.memref_slice %arg10[%dma_wait3A_1697, %dma_wait3A_1698] : memref<10x128xi32, #tpu.memory_space<vmem>> -> memref<1x128xi32, #tpu.memory_space<vmem>>
    %dma_wait3A_1700 = tpu.memref_squeeze %dma_wait3A_1699 : memref<1x128xi32, #tpu.memory_space<vmem>> -> memref<128xi32, #tpu.memory_space<vmem>>
    %dma_wait3A_1701 = arith.constant 0 : i32
    %dma_wait3A_1702 = arith.constant 0 : i32
    %dma_wait3A_1703 = tpu.memref_slice %arg2[%dma_wait3A_1701, %dma_wait3A_1702] : memref<50000x128xf32, #tpu.memory_space<hbm>> -> memref<50000x128xf32, #tpu.memory_space<hbm>>
    tpu.wait_indirect_dma semaphore(%arg22 : memref<!tpu.dma_semaphore, #tpu.memory_space<semaphore_mem>>) src(%dma_wait3A_1703 : memref<50000x128xf32, #tpu.memory_space<hbm>>) dst(%arg14 : memref<128x128xf32, #tpu.memory_space<vmem>>)
    %dma_wait3A_1704 = arith.constant 6 : i32
    %dma_wait3A_1705 = arith.constant 0 : i32
    %dma_wait3A_1706 = tpu.memref_slice %arg10[%dma_wait3A_1704, %dma_wait3A_1705] : memref<10x128xi32, #tpu.memory_space<vmem>> -> memref<1x128xi32, #tpu.memory_space<vmem>>
    %dma_wait3A_1707 = tpu.memref_squeeze %dma_wait3A_1706 : memref<1x128xi32, #tpu.memory_space<vmem>> -> memref<128xi32, #tpu.memory_space<vmem>>
    %dma_wait3A_1708 = arith.constant 0 : i32
    %dma_wait3A_1709 = arith.constant 0 : i32
    %dma_wait3A_1710 = tpu.memref_slice %arg2[%dma_wait3A_1708, %dma_wait3A_1709] : memref<50000x128xf32, #tpu.memory_space<hbm>> -> memref<50000x128xf32, #tpu.memory_space<hbm>>
    tpu.wait_indirect_dma semaphore(%arg22 : memref<!tpu.dma_semaphore, #tpu.memory_space<semaphore_mem>>) src(%dma_wait3A_1710 : memref<50000x128xf32, #tpu.memory_space<hbm>>) dst(%arg14 : memref<128x128xf32, #tpu.memory_space<vmem>>)
    %dma_wait3A_1711 = arith.constant 7 : i32
    %dma_wait3A_1712 = arith.constant 0 : i32
    %dma_wait3A_1713 = tpu.memref_slice %arg10[%dma_wait3A_1711, %dma_wait3A_1712] : memref<10x128xi32, #tpu.memory_space<vmem>> -> memref<1x128xi32, #tpu.memory_space<vmem>>
    %dma_wait3A_1714 = tpu.memref_squeeze %dma_wait3A_1713 : memref<1x128xi32, #tpu.memory_space<vmem>> -> memref<128xi32, #tpu.memory_space<vmem>>
    %dma_wait3A_1715 = arith.constant 0 : i32
    %dma_wait3A_1716 = arith.constant 0 : i32
    %dma_wait3A_1717 = tpu.memref_slice %arg2[%dma_wait3A_1715, %dma_wait3A_1716] : memref<50000x128xf32, #tpu.memory_space<hbm>> -> memref<50000x128xf32, #tpu.memory_space<hbm>>
    tpu.wait_indirect_dma semaphore(%arg22 : memref<!tpu.dma_semaphore, #tpu.memory_space<semaphore_mem>>) src(%dma_wait3A_1717 : memref<50000x128xf32, #tpu.memory_space<hbm>>) dst(%arg14 : memref<128x128xf32, #tpu.memory_space<vmem>>)
    %dma_wait3A_1718 = arith.constant 8 : i32
    %dma_wait3A_1719 = arith.constant 0 : i32
    %dma_wait3A_1720 = tpu.memref_slice %arg10[%dma_wait3A_1718, %dma_wait3A_1719] : memref<10x128xi32, #tpu.memory_space<vmem>> -> memref<1x128xi32, #tpu.memory_space<vmem>>
    %dma_wait3A_1721 = tpu.memref_squeeze %dma_wait3A_1720 : memref<1x128xi32, #tpu.memory_space<vmem>> -> memref<128xi32, #tpu.memory_space<vmem>>
    %dma_wait3A_1722 = arith.constant 0 : i32
    %dma_wait3A_1723 = arith.constant 0 : i32
    %dma_wait3A_1724 = tpu.memref_slice %arg2[%dma_wait3A_1722, %dma_wait3A_1723] : memref<50000x128xf32, #tpu.memory_space<hbm>> -> memref<50000x128xf32, #tpu.memory_space<hbm>>
    tpu.wait_indirect_dma semaphore(%arg22 : memref<!tpu.dma_semaphore, #tpu.memory_space<semaphore_mem>>) src(%dma_wait3A_1724 : memref<50000x128xf32, #tpu.memory_space<hbm>>) dst(%arg14 : memref<128x128xf32, #tpu.memory_space<vmem>>)
    %dma_wait3A_1725 = arith.constant 9 : i32
    %dma_wait3A_1726 = arith.constant 0 : i32
    %dma_wait3A_1727 = tpu.memref_slice %arg10[%dma_wait3A_1725, %dma_wait3A_1726] : memref<10x128xi32, #tpu.memory_space<vmem>> -> memref<1x128xi32, #tpu.memory_space<vmem>>
    %dma_wait3A_1728 = tpu.memref_squeeze %dma_wait3A_1727 : memref<1x128xi32, #tpu.memory_space<vmem>> -> memref<128xi32, #tpu.memory_space<vmem>>
    %dma_wait3A_1729 = arith.constant 0 : i32
    %dma_wait3A_1730 = arith.constant 0 : i32
    %dma_wait3A_1731 = tpu.memref_slice %arg2[%dma_wait3A_1729, %dma_wait3A_1730] : memref<50000x128xf32, #tpu.memory_space<hbm>> -> memref<50000x128xf32, #tpu.memory_space<hbm>>
    tpu.wait_indirect_dma semaphore(%arg22 : memref<!tpu.dma_semaphore, #tpu.memory_space<semaphore_mem>>) src(%dma_wait3A_1731 : memref<50000x128xf32, #tpu.memory_space<hbm>>) dst(%arg14 : memref<128x128xf32, #tpu.memory_space<vmem>>)
    %dma_wait3A_1732 = arith.constant 0 : i32
    %dma_wait3A_1733 = arith.constant 0 : i32
    %dma_wait3A_1734 = tpu.memref_slice %arg7[%dma_wait3A_1732, %dma_wait3A_1733] : memref<2x128xi32, #tpu.memory_space<vmem>> -> memref<1x128xi32, #tpu.memory_space<vmem>>
    %dma_wait3A_1735 = tpu.memref_squeeze %dma_wait3A_1734 : memref<1x128xi32, #tpu.memory_space<vmem>> -> memref<128xi32, #tpu.memory_space<vmem>>
    %dma_wait3A_1736 = arith.constant 0 : i32
    %dma_wait3A_1737 = arith.constant 0 : i32
    %dma_wait3A_1738 = tpu.memref_slice %arg2[%dma_wait3A_1736, %dma_wait3A_1737] : memref<50000x128xf32, #tpu.memory_space<hbm>> -> memref<50000x128xf32, #tpu.memory_space<hbm>>
    tpu.wait_indirect_dma semaphore(%arg16 : memref<!tpu.dma_semaphore, #tpu.memory_space<semaphore_mem>>) src(%dma_wait3A_1738 : memref<50000x128xf32, #tpu.memory_space<hbm>>) dst(%arg12 : memref<128x128xf32, #tpu.memory_space<vmem>>)
    %mul3A_1739 = arith.constant 256 : i32
    %mul3A_1740 = arith.muli %add3A, %mul3A_1739 : i32
    %add3A_1741 = arith.constant 0 : i32
    %add3A_1742 = arith.addi %mul3A_1740, %add3A_1741 : i32
    %dma_start3A_1743 = arith.constant 0 : i32
    %dma_start3A_1744 = tpu.memref_slice %arg5[%add3A_1742, %dma_start3A_1743] : memref<8192x128xf32, #tpu.memory_space<hbm>> -> memref<128x128xf32, #tpu.memory_space<hbm>>
    %dma_start3A_1745 = arith.constant 0 : i32
    %dma_start3A_1746 = tpu.memref_slice %arg5[%add3A_1742, %dma_start3A_1745] : memref<8192x128xf32, #tpu.memory_space<hbm>> -> memref<128x128xf32, #tpu.memory_space<hbm>>
    tpu.enqueue_dma source(%arg12 : memref<128x128xf32, #tpu.memory_space<vmem>>) target(%dma_start3A_1746 : memref<128x128xf32, #tpu.memory_space<hbm>>) target_semaphore(%arg24 : memref<!tpu.dma_semaphore, #tpu.memory_space<semaphore_mem>>)
    %dma_start3A_1747 = arith.constant 0 : i32
    %dma_start3A_1748 = tpu.memref_slice %arg6[%add3A_1742, %dma_start3A_1747] : memref<8192x128xf32, #tpu.memory_space<hbm>> -> memref<128x128xf32, #tpu.memory_space<hbm>>
    %dma_start3A_1749 = arith.constant 0 : i32
    %dma_start3A_1750 = tpu.memref_slice %arg6[%add3A_1742, %dma_start3A_1749] : memref<8192x128xf32, #tpu.memory_space<hbm>> -> memref<128x128xf32, #tpu.memory_space<hbm>>
    tpu.enqueue_dma source(%arg14 : memref<128x128xf32, #tpu.memory_space<vmem>>) target(%dma_start3A_1750 : memref<128x128xf32, #tpu.memory_space<hbm>>) target_semaphore(%arg24 : memref<!tpu.dma_semaphore, #tpu.memory_space<semaphore_mem>>)
    %dma_wait3A_1751 = arith.constant 1 : i32
    %dma_wait3A_1752 = arith.constant 0 : i32
    %dma_wait3A_1753 = tpu.memref_slice %arg11[%dma_wait3A_1751, %dma_wait3A_1752] : memref<10x128xi32, #tpu.memory_space<vmem>> -> memref<1x128xi32, #tpu.memory_space<vmem>>
    %dma_wait3A_1754 = tpu.memref_squeeze %dma_wait3A_1753 : memref<1x128xi32, #tpu.memory_space<vmem>> -> memref<128xi32, #tpu.memory_space<vmem>>
    %dma_wait3A_1755 = arith.constant 0 : i32
    %dma_wait3A_1756 = arith.constant 0 : i32
    %dma_wait3A_1757 = tpu.memref_slice %arg2[%dma_wait3A_1755, %dma_wait3A_1756] : memref<50000x128xf32, #tpu.memory_space<hbm>> -> memref<50000x128xf32, #tpu.memory_space<hbm>>
    tpu.wait_indirect_dma semaphore(%arg23 : memref<!tpu.dma_semaphore, #tpu.memory_space<semaphore_mem>>) src(%dma_wait3A_1757 : memref<50000x128xf32, #tpu.memory_space<hbm>>) dst(%arg15 : memref<128x128xf32, #tpu.memory_space<vmem>>)
    %dma_wait3A_1758 = arith.constant 2 : i32
    %dma_wait3A_1759 = arith.constant 0 : i32
    %dma_wait3A_1760 = tpu.memref_slice %arg11[%dma_wait3A_1758, %dma_wait3A_1759] : memref<10x128xi32, #tpu.memory_space<vmem>> -> memref<1x128xi32, #tpu.memory_space<vmem>>
    %dma_wait3A_1761 = tpu.memref_squeeze %dma_wait3A_1760 : memref<1x128xi32, #tpu.memory_space<vmem>> -> memref<128xi32, #tpu.memory_space<vmem>>
    %dma_wait3A_1762 = arith.constant 0 : i32
    %dma_wait3A_1763 = arith.constant 0 : i32
    %dma_wait3A_1764 = tpu.memref_slice %arg2[%dma_wait3A_1762, %dma_wait3A_1763] : memref<50000x128xf32, #tpu.memory_space<hbm>> -> memref<50000x128xf32, #tpu.memory_space<hbm>>
    tpu.wait_indirect_dma semaphore(%arg23 : memref<!tpu.dma_semaphore, #tpu.memory_space<semaphore_mem>>) src(%dma_wait3A_1764 : memref<50000x128xf32, #tpu.memory_space<hbm>>) dst(%arg15 : memref<128x128xf32, #tpu.memory_space<vmem>>)
    %dma_wait3A_1765 = arith.constant 3 : i32
    %dma_wait3A_1766 = arith.constant 0 : i32
    %dma_wait3A_1767 = tpu.memref_slice %arg11[%dma_wait3A_1765, %dma_wait3A_1766] : memref<10x128xi32, #tpu.memory_space<vmem>> -> memref<1x128xi32, #tpu.memory_space<vmem>>
    %dma_wait3A_1768 = tpu.memref_squeeze %dma_wait3A_1767 : memref<1x128xi32, #tpu.memory_space<vmem>> -> memref<128xi32, #tpu.memory_space<vmem>>
    %dma_wait3A_1769 = arith.constant 0 : i32
    %dma_wait3A_1770 = arith.constant 0 : i32
    %dma_wait3A_1771 = tpu.memref_slice %arg2[%dma_wait3A_1769, %dma_wait3A_1770] : memref<50000x128xf32, #tpu.memory_space<hbm>> -> memref<50000x128xf32, #tpu.memory_space<hbm>>
    tpu.wait_indirect_dma semaphore(%arg23 : memref<!tpu.dma_semaphore, #tpu.memory_space<semaphore_mem>>) src(%dma_wait3A_1771 : memref<50000x128xf32, #tpu.memory_space<hbm>>) dst(%arg15 : memref<128x128xf32, #tpu.memory_space<vmem>>)
    %dma_wait3A_1772 = arith.constant 4 : i32
    %dma_wait3A_1773 = arith.constant 0 : i32
    %dma_wait3A_1774 = tpu.memref_slice %arg11[%dma_wait3A_1772, %dma_wait3A_1773] : memref<10x128xi32, #tpu.memory_space<vmem>> -> memref<1x128xi32, #tpu.memory_space<vmem>>
    %dma_wait3A_1775 = tpu.memref_squeeze %dma_wait3A_1774 : memref<1x128xi32, #tpu.memory_space<vmem>> -> memref<128xi32, #tpu.memory_space<vmem>>
    %dma_wait3A_1776 = arith.constant 0 : i32
    %dma_wait3A_1777 = arith.constant 0 : i32
    %dma_wait3A_1778 = tpu.memref_slice %arg2[%dma_wait3A_1776, %dma_wait3A_1777] : memref<50000x128xf32, #tpu.memory_space<hbm>> -> memref<50000x128xf32, #tpu.memory_space<hbm>>
    tpu.wait_indirect_dma semaphore(%arg23 : memref<!tpu.dma_semaphore, #tpu.memory_space<semaphore_mem>>) src(%dma_wait3A_1778 : memref<50000x128xf32, #tpu.memory_space<hbm>>) dst(%arg15 : memref<128x128xf32, #tpu.memory_space<vmem>>)
    %dma_wait3A_1779 = arith.constant 5 : i32
    %dma_wait3A_1780 = arith.constant 0 : i32
    %dma_wait3A_1781 = tpu.memref_slice %arg11[%dma_wait3A_1779, %dma_wait3A_1780] : memref<10x128xi32, #tpu.memory_space<vmem>> -> memref<1x128xi32, #tpu.memory_space<vmem>>
    %dma_wait3A_1782 = tpu.memref_squeeze %dma_wait3A_1781 : memref<1x128xi32, #tpu.memory_space<vmem>> -> memref<128xi32, #tpu.memory_space<vmem>>
    %dma_wait3A_1783 = arith.constant 0 : i32
    %dma_wait3A_1784 = arith.constant 0 : i32
    %dma_wait3A_1785 = tpu.memref_slice %arg2[%dma_wait3A_1783, %dma_wait3A_1784] : memref<50000x128xf32, #tpu.memory_space<hbm>> -> memref<50000x128xf32, #tpu.memory_space<hbm>>
    tpu.wait_indirect_dma semaphore(%arg23 : memref<!tpu.dma_semaphore, #tpu.memory_space<semaphore_mem>>) src(%dma_wait3A_1785 : memref<50000x128xf32, #tpu.memory_space<hbm>>) dst(%arg15 : memref<128x128xf32, #tpu.memory_space<vmem>>)
    %dma_wait3A_1786 = arith.constant 6 : i32
    %dma_wait3A_1787 = arith.constant 0 : i32
    %dma_wait3A_1788 = tpu.memref_slice %arg11[%dma_wait3A_1786, %dma_wait3A_1787] : memref<10x128xi32, #tpu.memory_space<vmem>> -> memref<1x128xi32, #tpu.memory_space<vmem>>
    %dma_wait3A_1789 = tpu.memref_squeeze %dma_wait3A_1788 : memref<1x128xi32, #tpu.memory_space<vmem>> -> memref<128xi32, #tpu.memory_space<vmem>>
    %dma_wait3A_1790 = arith.constant 0 : i32
    %dma_wait3A_1791 = arith.constant 0 : i32
    %dma_wait3A_1792 = tpu.memref_slice %arg2[%dma_wait3A_1790, %dma_wait3A_1791] : memref<50000x128xf32, #tpu.memory_space<hbm>> -> memref<50000x128xf32, #tpu.memory_space<hbm>>
    tpu.wait_indirect_dma semaphore(%arg23 : memref<!tpu.dma_semaphore, #tpu.memory_space<semaphore_mem>>) src(%dma_wait3A_1792 : memref<50000x128xf32, #tpu.memory_space<hbm>>) dst(%arg15 : memref<128x128xf32, #tpu.memory_space<vmem>>)
    %dma_wait3A_1793 = arith.constant 7 : i32
    %dma_wait3A_1794 = arith.constant 0 : i32
    %dma_wait3A_1795 = tpu.memref_slice %arg11[%dma_wait3A_1793, %dma_wait3A_1794] : memref<10x128xi32, #tpu.memory_space<vmem>> -> memref<1x128xi32, #tpu.memory_space<vmem>>
    %dma_wait3A_1796 = tpu.memref_squeeze %dma_wait3A_1795 : memref<1x128xi32, #tpu.memory_space<vmem>> -> memref<128xi32, #tpu.memory_space<vmem>>
    %dma_wait3A_1797 = arith.constant 0 : i32
    %dma_wait3A_1798 = arith.constant 0 : i32
    %dma_wait3A_1799 = tpu.memref_slice %arg2[%dma_wait3A_1797, %dma_wait3A_1798] : memref<50000x128xf32, #tpu.memory_space<hbm>> -> memref<50000x128xf32, #tpu.memory_space<hbm>>
    tpu.wait_indirect_dma semaphore(%arg23 : memref<!tpu.dma_semaphore, #tpu.memory_space<semaphore_mem>>) src(%dma_wait3A_1799 : memref<50000x128xf32, #tpu.memory_space<hbm>>) dst(%arg15 : memref<128x128xf32, #tpu.memory_space<vmem>>)
    %dma_wait3A_1800 = arith.constant 8 : i32
    %dma_wait3A_1801 = arith.constant 0 : i32
    %dma_wait3A_1802 = tpu.memref_slice %arg11[%dma_wait3A_1800, %dma_wait3A_1801] : memref<10x128xi32, #tpu.memory_space<vmem>> -> memref<1x128xi32, #tpu.memory_space<vmem>>
    %dma_wait3A_1803 = tpu.memref_squeeze %dma_wait3A_1802 : memref<1x128xi32, #tpu.memory_space<vmem>> -> memref<128xi32, #tpu.memory_space<vmem>>
    %dma_wait3A_1804 = arith.constant 0 : i32
    %dma_wait3A_1805 = arith.constant 0 : i32
    %dma_wait3A_1806 = tpu.memref_slice %arg2[%dma_wait3A_1804, %dma_wait3A_1805] : memref<50000x128xf32, #tpu.memory_space<hbm>> -> memref<50000x128xf32, #tpu.memory_space<hbm>>
    tpu.wait_indirect_dma semaphore(%arg23 : memref<!tpu.dma_semaphore, #tpu.memory_space<semaphore_mem>>) src(%dma_wait3A_1806 : memref<50000x128xf32, #tpu.memory_space<hbm>>) dst(%arg15 : memref<128x128xf32, #tpu.memory_space<vmem>>)
    %dma_wait3A_1807 = arith.constant 9 : i32
    %dma_wait3A_1808 = arith.constant 0 : i32
    %dma_wait3A_1809 = tpu.memref_slice %arg11[%dma_wait3A_1807, %dma_wait3A_1808] : memref<10x128xi32, #tpu.memory_space<vmem>> -> memref<1x128xi32, #tpu.memory_space<vmem>>
    %dma_wait3A_1810 = tpu.memref_squeeze %dma_wait3A_1809 : memref<1x128xi32, #tpu.memory_space<vmem>> -> memref<128xi32, #tpu.memory_space<vmem>>
    %dma_wait3A_1811 = arith.constant 0 : i32
    %dma_wait3A_1812 = arith.constant 0 : i32
    %dma_wait3A_1813 = tpu.memref_slice %arg2[%dma_wait3A_1811, %dma_wait3A_1812] : memref<50000x128xf32, #tpu.memory_space<hbm>> -> memref<50000x128xf32, #tpu.memory_space<hbm>>
    tpu.wait_indirect_dma semaphore(%arg23 : memref<!tpu.dma_semaphore, #tpu.memory_space<semaphore_mem>>) src(%dma_wait3A_1813 : memref<50000x128xf32, #tpu.memory_space<hbm>>) dst(%arg15 : memref<128x128xf32, #tpu.memory_space<vmem>>)
    %dma_wait3A_1814 = arith.constant 1 : i32
    %dma_wait3A_1815 = arith.constant 0 : i32
    %dma_wait3A_1816 = tpu.memref_slice %arg7[%dma_wait3A_1814, %dma_wait3A_1815] : memref<2x128xi32, #tpu.memory_space<vmem>> -> memref<1x128xi32, #tpu.memory_space<vmem>>
    %dma_wait3A_1817 = tpu.memref_squeeze %dma_wait3A_1816 : memref<1x128xi32, #tpu.memory_space<vmem>> -> memref<128xi32, #tpu.memory_space<vmem>>
    %dma_wait3A_1818 = arith.constant 0 : i32
    %dma_wait3A_1819 = arith.constant 0 : i32
    %dma_wait3A_1820 = tpu.memref_slice %arg2[%dma_wait3A_1818, %dma_wait3A_1819] : memref<50000x128xf32, #tpu.memory_space<hbm>> -> memref<50000x128xf32, #tpu.memory_space<hbm>>
    tpu.wait_indirect_dma semaphore(%arg17 : memref<!tpu.dma_semaphore, #tpu.memory_space<semaphore_mem>>) src(%dma_wait3A_1820 : memref<50000x128xf32, #tpu.memory_space<hbm>>) dst(%arg13 : memref<128x128xf32, #tpu.memory_space<vmem>>)
    %mul3A_1821 = arith.constant 256 : i32
    %mul3A_1822 = arith.muli %add3A, %mul3A_1821 : i32
    %add3A_1823 = arith.constant 128 : i32
    %add3A_1824 = arith.addi %mul3A_1822, %add3A_1823 : i32
    %dma_start3A_1825 = arith.constant 0 : i32
    %dma_start3A_1826 = tpu.memref_slice %arg5[%add3A_1824, %dma_start3A_1825] : memref<8192x128xf32, #tpu.memory_space<hbm>> -> memref<128x128xf32, #tpu.memory_space<hbm>>
    %dma_start3A_1827 = arith.constant 0 : i32
    %dma_start3A_1828 = tpu.memref_slice %arg5[%add3A_1824, %dma_start3A_1827] : memref<8192x128xf32, #tpu.memory_space<hbm>> -> memref<128x128xf32, #tpu.memory_space<hbm>>
    tpu.enqueue_dma source(%arg13 : memref<128x128xf32, #tpu.memory_space<vmem>>) target(%dma_start3A_1828 : memref<128x128xf32, #tpu.memory_space<hbm>>) target_semaphore(%arg24 : memref<!tpu.dma_semaphore, #tpu.memory_space<semaphore_mem>>)
    %dma_start3A_1829 = arith.constant 0 : i32
    %dma_start3A_1830 = tpu.memref_slice %arg6[%add3A_1824, %dma_start3A_1829] : memref<8192x128xf32, #tpu.memory_space<hbm>> -> memref<128x128xf32, #tpu.memory_space<hbm>>
    %dma_start3A_1831 = arith.constant 0 : i32
    %dma_start3A_1832 = tpu.memref_slice %arg6[%add3A_1824, %dma_start3A_1831] : memref<8192x128xf32, #tpu.memory_space<hbm>> -> memref<128x128xf32, #tpu.memory_space<hbm>>
    tpu.enqueue_dma source(%arg15 : memref<128x128xf32, #tpu.memory_space<vmem>>) target(%dma_start3A_1832 : memref<128x128xf32, #tpu.memory_space<hbm>>) target_semaphore(%arg24 : memref<!tpu.dma_semaphore, #tpu.memory_space<semaphore_mem>>)
    %dma_wait3A_1833 = arith.constant 0 : i32
    %dma_wait3A_1834 = tpu.memref_slice %arg5[%add3A_1742, %dma_wait3A_1833] : memref<8192x128xf32, #tpu.memory_space<hbm>> -> memref<128x128xf32, #tpu.memory_space<hbm>>
    %dma_wait3A_1835 = arith.constant 0 : i32
    %dma_wait3A_1836 = tpu.memref_slice %arg5[%add3A_1742, %dma_wait3A_1835] : memref<8192x128xf32, #tpu.memory_space<hbm>> -> memref<128x128xf32, #tpu.memory_space<hbm>>
    tpu.wait_dma2 semaphore(%arg24 : memref<!tpu.dma_semaphore, #tpu.memory_space<semaphore_mem>>) src(%arg12 : memref<128x128xf32, #tpu.memory_space<vmem>>) dst(%dma_wait3A_1836 : memref<128x128xf32, #tpu.memory_space<hbm>>)
    %dma_wait3A_1837 = arith.constant 0 : i32
    %dma_wait3A_1838 = tpu.memref_slice %arg6[%add3A_1742, %dma_wait3A_1837] : memref<8192x128xf32, #tpu.memory_space<hbm>> -> memref<128x128xf32, #tpu.memory_space<hbm>>
    %dma_wait3A_1839 = arith.constant 0 : i32
    %dma_wait3A_1840 = tpu.memref_slice %arg6[%add3A_1742, %dma_wait3A_1839] : memref<8192x128xf32, #tpu.memory_space<hbm>> -> memref<128x128xf32, #tpu.memory_space<hbm>>
    tpu.wait_dma2 semaphore(%arg24 : memref<!tpu.dma_semaphore, #tpu.memory_space<semaphore_mem>>) src(%arg14 : memref<128x128xf32, #tpu.memory_space<vmem>>) dst(%dma_wait3A_1840 : memref<128x128xf32, #tpu.memory_space<hbm>>)
    %dma_wait3A_1841 = arith.constant 0 : i32
    %dma_wait3A_1842 = tpu.memref_slice %arg5[%add3A_1824, %dma_wait3A_1841] : memref<8192x128xf32, #tpu.memory_space<hbm>> -> memref<128x128xf32, #tpu.memory_space<hbm>>
    %dma_wait3A_1843 = arith.constant 0 : i32
    %dma_wait3A_1844 = tpu.memref_slice %arg5[%add3A_1824, %dma_wait3A_1843] : memref<8192x128xf32, #tpu.memory_space<hbm>> -> memref<128x128xf32, #tpu.memory_space<hbm>>
    tpu.wait_dma2 semaphore(%arg24 : memref<!tpu.dma_semaphore, #tpu.memory_space<semaphore_mem>>) src(%arg13 : memref<128x128xf32, #tpu.memory_space<vmem>>) dst(%dma_wait3A_1844 : memref<128x128xf32, #tpu.memory_space<hbm>>)
    %dma_wait3A_1845 = arith.constant 0 : i32
    %dma_wait3A_1846 = tpu.memref_slice %arg6[%add3A_1824, %dma_wait3A_1845] : memref<8192x128xf32, #tpu.memory_space<hbm>> -> memref<128x128xf32, #tpu.memory_space<hbm>>
    %dma_wait3A_1847 = arith.constant 0 : i32
    %dma_wait3A_1848 = tpu.memref_slice %arg6[%add3A_1824, %dma_wait3A_1847] : memref<8192x128xf32, #tpu.memory_space<hbm>> -> memref<128x128xf32, #tpu.memory_space<hbm>>
    tpu.wait_dma2 semaphore(%arg24 : memref<!tpu.dma_semaphore, #tpu.memory_space<semaphore_mem>>) src(%arg15 : memref<128x128xf32, #tpu.memory_space<vmem>>) dst(%dma_wait3A_1848 : memref<128x128xf32, #tpu.memory_space<hbm>>)
    return
  }
}

module attributes {stable_mosaic.version = 14 : i64} {
  func.func @_tc_matmul_kernel(%arg0: i32, %arg1: memref<2048x128xf32, #tpu.memory_space<vmem>>, %arg2: memref<2048x128xf32, #tpu.memory_space<vmem>>, %arg3: memref<128x128xf32, #tpu.memory_space<vmem>>, %arg4: memref<128x128xf32, #tpu.memory_space<vmem>>, %arg5: memref<2048x128xf32, #tpu.memory_space<vmem>>) attributes {dimension_semantics = [#tpu.dimension_semantics<arbitrary>], iteration_bounds = array<i64: 4>, scalar_prefetch = 0 : i64, scratch_operands = 0 : i64, tpu.core_type = #tpu.core_type<tc>, window_params = [{transform_indices = @transform_0, window_bounds = array<i64: 2048, 128>}, {transform_indices = @transform_1, window_bounds = array<i64: 2048, 128>}, {pipeline_mode = #tpu.pipeline_mode<synchronous>, transform_indices = @transform_2, window_bounds = array<i64: 128, 128>}, {pipeline_mode = #tpu.pipeline_mode<synchronous>, transform_indices = @transform_3, window_bounds = array<i64: 128, 128>}, {transform_indices = @transform_4, window_bounds = array<i64: 2048, 128>}]} {
    %get3A = arith.constant 0 : index
    %get3A_0 = arith.constant 0 : index
    %get3A_1 = vector.load %arg1[%get3A, %get3A_0] : memref<2048x128xf32, #tpu.memory_space<vmem>>, vector<2048x128xf32>
    %get3A_2 = arith.constant 0 : index
    %get3A_3 = arith.constant 0 : index
    %get3A_4 = vector.load %arg3[%get3A_2, %get3A_3] : memref<128x128xf32, #tpu.memory_space<vmem>>, vector<128x128xf32>
    %dot_general3A = arith.constant dense<0.000000e+00> : vector<2048x128xf32>
    %dot_general3A_5 = tpu.matmul %get3A_1, %get3A_4, %dot_general3A {dimension_numbers = #tpu.dot_dimension_numbers<[1], [0], [0], [1], [0, 0, 1, 1], [], []>, transpose_lhs_hint = false} : vector<2048x128xf32>, vector<128x128xf32>, vector<2048x128xf32> -> vector<2048x128xf32>
    %get3A_6 = arith.constant 0 : index
    %get3A_7 = arith.constant 0 : index
    %get3A_8 = vector.load %arg2[%get3A_6, %get3A_7] : memref<2048x128xf32, #tpu.memory_space<vmem>>, vector<2048x128xf32>
    %get3A_9 = arith.constant 0 : index
    %get3A_10 = arith.constant 0 : index
    %get3A_11 = vector.load %arg4[%get3A_9, %get3A_10] : memref<128x128xf32, #tpu.memory_space<vmem>>, vector<128x128xf32>
    %dot_general3A_12 = arith.constant dense<0.000000e+00> : vector<2048x128xf32>
    %dot_general3A_13 = tpu.matmul %get3A_8, %get3A_11, %dot_general3A_12 {dimension_numbers = #tpu.dot_dimension_numbers<[1], [0], [0], [1], [0, 0, 1, 1], [], []>, transpose_lhs_hint = false} : vector<2048x128xf32>, vector<128x128xf32>, vector<2048x128xf32> -> vector<2048x128xf32>
    %add3A = arith.addf %dot_general3A_5, %dot_general3A_13 : vector<2048x128xf32>
    %max3A = arith.constant 0.000000e+00 : f32
    %max3A_14 = vector.broadcast %max3A : f32 to vector<2048x128xf32>
    %max3A_15 = arith.maximumf %add3A, %max3A_14 : vector<2048x128xf32>
    %swap3A = arith.constant 0 : index
    %swap3A_16 = arith.constant 0 : index
    %swap3A_17 = vector.load %arg5[%swap3A, %swap3A_16] : memref<2048x128xf32, #tpu.memory_space<vmem>>, vector<2048x128xf32>
    tpu.vector_store %arg5[%swap3A, %swap3A_16], %max3A_15 {strides = array<i32>} : memref<2048x128xf32, #tpu.memory_space<vmem>>, vector<2048x128xf32>,
    return
  }
  func.func @transform_0(%arg0: i32) -> (i32, i32) {
    %c0_i32 = arith.constant 0 : i32
    %c0_i32_0 = arith.constant 0 : i32
    return %arg0, %c0_i32 : i32, i32
  }
  func.func @transform_1(%arg0: i32) -> (i32, i32) {
    %c0_i32 = arith.constant 0 : i32
    %c0_i32_0 = arith.constant 0 : i32
    return %arg0, %c0_i32 : i32, i32
  }
  func.func @transform_2(%arg0: i32) -> (i32, i32) {
    %c0_i32 = arith.constant 0 : i32
    %c0_i32_0 = arith.constant 0 : i32
    %c0_i32_1 = arith.constant 0 : i32
    return %c0_i32, %c0_i32_0 : i32, i32
  }
  func.func @transform_3(%arg0: i32) -> (i32, i32) {
    %c0_i32 = arith.constant 0 : i32
    %c0_i32_0 = arith.constant 0 : i32
    %c0_i32_1 = arith.constant 0 : i32
    return %c0_i32, %c0_i32_0 : i32, i32
  }
  func.func @transform_4(%arg0: i32) -> (i32, i32) {
    %c0_i32 = arith.constant 0 : i32
    %c0_i32_0 = arith.constant 0 : i32
    return %arg0, %c0_i32 : i32, i32
  }
}

</mosaic_0001>

<sc_bundles>
// kernel: gather_offload_async_start
scs
__scs_entry_jumppad:
0x0: {  	(pc) =	sbr.rel $0x88, $3  }
0x1: {  	(tag) =	ssettag $0x0;
	lr =	simm.s32 $0x1  }
0x2: {  	[smem:$0x3F9D] =	sst lr;
	_ =	strace $0xD0000000  }
0x3: {  	_ = 	snop  }
0x4: {  	_ = 	snop  }
0x5: {  	_ = 	snop  }
0x6: {  	_ = 	snop  }
0x7: {  	_ = 	snop  }
__scs_overlays_trampoline_lowered:
0x8: {  	[smem:$0x3FAC] =	sst s0  }
0x9: {  	[smem:$0x3FAD] =	sst s1  }
0xa: {  	[smem:$0x3FAE] =	sst s2  }
0xb: {  	[smem:$0x3FAF] =	sst s3  }
0xc: {  	[smem:$0x3FB0] =	sst s4  }
0xd: {  	[smem:$0x3FB1] =	sst s5  }
0xe: {  	[smem:$0x3FB2] =	sst s6  }
0xf: {  	[smem:$0x3FB3] =	sst s7  }
0x10: {  	[smem:$0x3FB4] =	sst s8  }
0x11: {  	[smem:$0x3FB5] =	sst s9;
	s0 =	simm.s32 @!p0 $0x0  }
0x12: {  	s1 =	sld [smem:$0x3F9B];
	s0 =	simm.s32 @p0 $0x1  }
0x13: {  	[smem:$0x3FB6] =	sst s0;
	s0 =	simm.s32 @!p1 $0x0  }
0x14: {  	s2 =	sld [smem:$0x3F9A];
	s0 =	simm.s32 @p1 $0x1  }
0x15: {  	[smem:$0x3FB7] =	sst s0;
	s0 =	simm.s32 @!p2 $0x0  }
0x16: {  	s3 =	sld [smem:$0x3FDB];
	s0 =	simm.s32 @p2 $0x1  }
0x17: {  	s4 =	simm.s32 $0x1BF5;
	[smem:$0x3FB9] =	sst s0  }
0x18: {  	s0 =	sld [smem:$0x3F9C];
	_ =	swait.ge [sflag:s4], $0x0  }
0x19: {  	s7 =	sld [smem:$0x3F9D]  }
0x1a: {  	s8 =	sadd.s32 $0xFFFFE003, lr  }
0x1b: {  	s9 =	sadd.s32 $0xFFFFFEF7, lr;
	s5 =	simm.s32 $0xFFFFFFFF;
	p2 =	slt.u32 s8, $0xFFFFF086  }
0x1c: {  	p1 =	slt.u32 s9, $0xF7A;
	s5 =	simm.s32 @!p2 $0x0  }
0x1d: {  	s5 =	simm.s32 @p1 $0x1;
	p0 =	seq.s32 s7, s2  }
0x1e: {  	s7 =	smul.u32 @!p0 $0xF7A, s2;
	p2 =	seq.s32 @!p0 s5, $0x0  }
0x1f: {  	s9 =	smul.u32 $0xF7A, s1;
	s8 =	simm.s32 @!p0 $0x1BF5;
	p2 =	por !p2, p0  }
0x20: {  	[sflag:s8] =	ssyncset.s32 @!p0 $0xFFFFF086;
	s6 =	sadd.s32 @!p0 s3, s7;
	s7 =	simm.s32 @!p0 $0x108  }
0x21: {  	s3 =	sadd.s32 s3, s9;
	s6 =	sadd.s32 @!p0 $0x88, s6;
	s7 =	simm.s32 @p2 $0x1082  }
0x22: {  	[simem:s7], [sflag:s8] =	dma.local @!p0 [hbm:s6], $0xF7A  }
0x23: {  	s9 =	sor.u32 $0xD0000000, s2;
	s6 =	simm.s32 $0x108;
	_ =	swait.ge @!p0 [sflag:s8], $0x0  }
0x24: {  	s3 =	sadd.s32 $0x88, s3;
	s6 =	simm.s32 @!p1 $0x1082;
	[sflag:s4] =	ssyncset.s32 $0xFFFFF086  }
0x25: {  	[simem:s6], [sflag:s4] =	dma.local [hbm:s3], $0xF7A  }
0x26: {  	[smem:$0x3F9D] =	sst s1;
	(tag) =	ssettag s2;
	_ =	strace s9  }
0x27: {  	s1 =	sld [smem:$0x3FAD]  }
0x28: {  	s2 =	sld [smem:$0x3FAE]  }
0x29: {  	s4 =	sld [smem:$0x3FB0]  }
0x2a: {  	p0 =	seq.s32 s5, $0x0;
	s5 =	sld [smem:$0x3FB1]  }
0x2b: {  	s6 =	sld [smem:$0x3FB2]  }
0x2c: {  	s7 =	sld [smem:$0x3FB3]  }
0x2d: {  	s3 =	simm.s32 $0x108;
	s8 =	sld [smem:$0x3FB4]  }
0x2e: {  	s3 =	simm.s32 @!p0 $0x1082;
	s9 =	sld [smem:$0x3FB5]  }
0x2f: {  	lr =	sadd.s32 s0, s3;
	s0 =	sld [smem:$0x3FAC]  }
0x30: {  	s3 =	sld [smem:$0x3FAF]  }
0x31: {  	[smem:$0x3FB8] =	sst s10  }
0x32: {  	s10 =	sld [smem:$0x3FB6];
	_ =	sdelay $0x3  }
0x33: {  	p0 =	seq.s32 s10, $0x1;
	s10 =	sld [smem:$0x3FB8];
	_ =	sdelay $0x3  }
0x34: {  	[smem:$0x3FB8] =	sst s10  }
0x35: {  	s10 =	sld [smem:$0x3FB7];
	_ =	sdelay $0x3  }
0x36: {  	p1 =	seq.s32 s10, $0x1;
	s10 =	sld [smem:$0x3FB8];
	_ =	sdelay $0x3  }
0x37: {  	[smem:$0x3FB8] =	sst s10  }
0x38: {  	s10 =	sld [smem:$0x3FB9]  }
0x39: {  	_ = 	snop;
	(pc) =	sbr.ind lr, $3  }
0x3a: {  	_ = 	snop  }
0x3b: {  	_ = 	snop  }
0x3c: {  	p2 =	seq.s32 s10, $0x1;
	s10 =	sld [smem:$0x3FB8]  }
0x3d: {  	_ =	shalt  }
0x3e: {  	_ =	shalt  }
0x3f: {  	_ =	shalt  }
0x40: {  	_ =	shalt  }
0x41: {  	_ =	shalt  }
0x42: {  	_ =	shalt  }
0x43: {  	_ =	shalt  }
0x44: {  	_ =	shalt  }
0x45: {  	_ =	shalt  }
0x46: {  	_ =	shalt  }
0x47: {  	_ =	shalt  }
0x48: {  	_ =	shalt  }
0x49: {  	_ =	shalt  }
0x4a: {  	_ =	shalt  }
0x4b: {  	_ =	shalt  }
0x4c: {  	_ =	shalt  }
0x4d: {  	_ =	shalt  }
0x4e: {  	_ =	shalt  }
0x4f: {  	_ =	shalt  }
0x50: {  	_ =	shalt  }
0x51: {  	_ =	shalt  }
0x52: {  	_ =	shalt  }
0x53: {  	_ =	shalt  }
0x54: {  	_ =	shalt  }
0x55: {  	_ =	shalt  }
0x56: {  	_ =	shalt  }
0x57: {  	_ =	shalt  }
0x58: {  	_ =	shalt  }
0x59: {  	_ =	shalt  }
0x5a: {  	_ =	shalt  }
0x5b: {  	_ =	shalt  }
0x5c: {  	_ =	shalt  }
0x5d: {  	_ =	shalt  }
0x5e: {  	_ =	shalt  }
0x5f: {  	_ =	shalt  }
0x60: {  	_ =	shalt  }
0x61: {  	_ =	shalt  }
0x62: {  	_ =	shalt  }
0x63: {  	_ =	shalt  }
0x64: {  	_ =	shalt  }
0x65: {  	_ =	shalt  }
0x66: {  	_ =	shalt  }
0x67: {  	_ =	shalt  }
0x68: {  	_ =	shalt  }
0x69: {  	_ =	shalt  }
0x6a: {  	_ =	shalt  }
0x6b: {  	_ =	shalt  }
0x6c: {  	_ =	shalt  }
0x6d: {  	_ =	shalt  }
0x6e: {  	_ =	shalt  }
0x6f: {  	_ =	shalt  }
0x70: {  	_ =	shalt  }
0x71: {  	_ =	shalt  }
0x72: {  	_ =	shalt  }
0x73: {  	_ =	shalt  }
0x74: {  	_ =	shalt  }
0x75: {  	_ =	shalt  }
0x76: {  	_ =	shalt  }
0x77: {  	_ =	shalt  }
0x78: {  	_ =	shalt  }
0x79: {  	_ =	shalt  }
0x7a: {  	_ =	shalt  }
0x7b: {  	_ =	shalt  }
0x7c: {  	_ =	shalt  }
0x7d: {  	_ =	shalt  }
0x7e: {  	_ =	shalt  }
0x7f: {  	_ =	shalt  }
0x80: {  	_ =	shalt  }
0x81: {  	_ =	shalt  }
0x82: {  	_ =	shalt  }
0x83: {  	_ =	shalt  }
0x84: {  	_ =	shalt  }
0x85: {  	_ =	shalt  }
0x86: {  	_ =	shalt  }
0x87: {  	_ =	shalt  }
.Lfunc_end0:
.L_simem_size_0:
called_computation_lowered:
.L_overlay_start_0:
0x88: {  	s2 =	sld [smem:$0x3FD9]  }
0x89: {  	s3 =	sld [smem:$0x3FFE];
	_ =	sdelay $0x1  }
0x8a: {  	s1 =	srdreg.scid  }
0x8b: {  	s0 =	sand.u32 $0x1, s1  }
0x8c: {  	s17 =	sshll.u32 s0, $0xA;
	s2 =	sadd.s32 s3, s2  }
0x8d: {  	s2 =	sadd.s32 s2, s17  }
0x8e: {  	[smem:$0x3FC4] =	sst s2  }
0x8f: {  	_ = 	snop  }
0x90: {  	s2 =	sld [smem:$0x3FD0];
	(tm) =	ssettm $0x1  }
0x91: {  	s18 =	sld [smem:$0x3FFB];
	_ =	sdelay $0x3  }
0x92: {  	_ =	strace s18  }
0x93: {  	s3 =	sld [smem:$0x3FFC];
	_ =	sdelay $0x3  }
0x94: {  	_ =	strace s3  }
0x95: {  	s3 =	sld [smem:$0x3FFD];
	_ =	sdelay $0x3  }
0x96: {  	_ =	strace s3  }
0x97: {  	_ =	strace $0x8FFFFFFF  }
0x98: {  	s19 =	sld [smem:$0x3FDB];
	_ =	sdelay $0x1  }
0x99: {  	s4 =	simm.s32 $_scs_section_size  }
0x9a: {  	s5 =	simm.s32 $_size__tile_overlayer_lowered;
	s6 =	simm.s32 $_tile_overlayer_lowered  }
0x9b: {  	s22 =	simm.s32 $0x1BFF;
	s21 =	sshll.u32 s6, $0x1;
	s3 =	sadd.s32 s4, s19  }
0x9c: {  	s7 =	simm.s32 $0x0;
	s20 =	sshll.u32 s5, $0x1;
	s5 =	sadd.s32 s21, s3  }
0x9d: {  	[timem:s7], [sflag:s22] =	dma.local [hbm:s5], s20  }
0x9e: {  	_ =	swait.ge [sflag:s22], s20  }
0x9f: {  	s4 =	ssub.s32 $0x0, s20;
	[sflag:s22] =	ssyncset.done $0x0  }
0xa0: {  	[sflag:s22] =	ssyncadd.s32 s4;
	_ =	sdelay $0x1  }
0xa1: {  	s23 =	simm.s32 $0x1B8B  }
0xa2: {  	_ =	swait.ge [sflag:s23], $0x1  }
0xa3: {  	[sflag:s23] =	ssyncset.done $0x0  }
0xa4: {  	s25 =	simm.s32 $0x1B8E;
	s24 =	sld [smem:$0x3FFE];
	[sflag:s23] =	ssyncadd.s32 $0xFFFFFFFF  }
0xa5: {  	s26 =	simm.s32 $execute0_lowered;
	[smem:$0x3FD2] =	sst s25  }
0xa6: {  	s5 =	sshll.u32 s26, $0x1;
	_ =	strace $0x80000046;
	[dreg:$0x1] =	wrdreg $0xFFFFFFFF  }
0xa7: {  	s28 =	simm.s32 $_size_execute0_lowered;
	s3 =	sadd.s32 s3, s5;
	[dreg:$0x0] =	wrdreg $0x0  }
0xa8: {  	s5 =	sshll.u32 s28, $0x1;
	[dreg:$0x2] =	wrdreg s3  }
0xa9: {  	[dreg:$0x3] =	wrdreg s5  }
0xaa: {  	[dreg:$0x4] =	wrdreg $0xC0  }
0xab: {  	_ =	task [dreg:s7], $0x5FFFF  }
0xac: {  	[dreg:$0x1] =	wrdreg $0xFFFFFFFF  }
0xad: {  	[dreg:$0x0] =	wrdreg $0x60  }
0xae: {  	[dreg:$0x2] =	wrdreg s24  }
0xaf: {  	[dreg:$0x3] =	wrdreg s2  }
0xb0: {  	[dreg:$0x4] =	wrdreg $0x9  }
0xb1: {  	_ =	task.clear_ibuf [dreg:s7], $0x5FFFF;
	_ =	strace $0x90000046  }
0xb2: {  	s29 =	simm.s32 $0x9;
	_ =	strace $0x80000048  }
0xb3: {  	_ =	swait.ge [sflag:s29], $0x1  }
0xb4: {  	[sflag:s29] =	ssyncadd.s32 $0xFFFFFFFF  }
0xb5: {  	_ =	strace $0x90000048  }
0xb6: {  	_ =	sfence  }
0xb7: {  	s30 =	sld [smem:$0x0];
	_ =	sdelay $0x2  }
0xb8: {  	s31 =	sshll.u32 s1, $0xD;
	s1 =	sshrl.u32 s1, $0x2  }
0xb9: {  	s3 =	sand.u32 $0x4000, s31;
	s1 =	sadd.s32 s1, s30  }
0xba: {  	s0 =	sor.u32 s3, s0;
	s1 =	sshll.u32 s1, $0x11  }
0xbb: {  	s0 =	sor.u32 s1, s0  }
0xbc: {  	s0 =	sadd.s32 $0x8F2B, s0  }
0xbd: {  	[sflag:s0] =	ssyncadd.remote.s32 $0x1  }
0xbe: {  	_ =	sfence.sel $0xFFFF  }
0xbf: {  	[dreg:$0x0] =	wrdreg $0xFFFFFFFF;
	(pc) =	sbr.abs _section_cstart, $3  }
0xc0: {  	[dreg:$0x1] =	wrdreg $0xFFFFFFFF  }
0xc1: {  	_ =	task.clear_ibuf [dreg:s7], $0x2FFFF;
	_ =	strace $0x9FFFFFFF  }
0xc2: {  	(tm) =	ssettm $0x7FFFFFFF  }
0xc3: {  	_ =	shalt  }
tec
execute0_lowered:
.L_overlay_start_1:
0x0: {  	(tag) =	ssettag $0x1  }
0x1: {  	s7 =	rddreg [dreg:$0x0]  }
0x2: {  	s2 =	rddreg [dreg:$0x1]  }
0x3: {  	s0 =	rddreg [dreg:$0x2]  }
0x4: {  	s1 =	srdreg.scid;
	_ =	strace $0x80000047;
	s4 =	simm.s32 $0x1  }
0x5: {  	s9 =	simm.s32 $0x3;
	s12 =	simm.s32 $0x0;
	s5 =	sshll.u32 s1, $0x4  }
.Ltmp0:
0x6: {  	s1 =	stileid.u32;
	s5 =	sand.u32 $0x10, s5;
	(pc) =	sbr.rel .LBB2_1-.Ltmp0, $4  }
0x7: {  	s10 =	simm.s32 $0x0;
	s3 =	sadd.s32 $0x1600, s7;
	s6 =	sor.u32 s1, s5  }
0x8: {  	[sflag:s4] =	ssyncpa.u1 $0x0;
	s5 =	simm.s32 $0x2;
	s6 =	sshll.u32 s6, $0x8  }
0x9: {  	s7 =	sadd.s32 $0xC4C00, s7;
	[sflag:s5] =	ssyncpa.u1 $0x0;
	s8 =	sadd.s32 $0x100, s6  }
0xa: {  	vm0 =	vmmov $0xff;
	vm1 =	vcmask $0x3F20;
	[sflag:s9] =	ssyncpa.u1 $0x0;
	s9 =	simm.s32 $0x100;
	s11 =	smov.u32 s6  }
.LBB2_9:
0xb: {  	p0 =	seq.s32 s10, $0x2  }
.Ltmp1:
0xc: {  	_ = 	snop;
	(pc) =	sbr.rel @p0 .LBB2_11-.Ltmp1, $1  }
0xd: {  	_ =	sdelay $0x3  }
.LBB2_10:
0xe: {  	s12 =	sadd.s32 $0x100, s11  }
0xf: {  	s13 =	smov.u32 s6;
	p0 =	slt.s32 s12, s8  }
0x10: {  	s13 =	smov.u32 @p0 s12  }
0x11: {  	s10 =	sadd.s32 $0x1, s10;
	s12 =	smov.u32 s11;
	s11 =	smov.u32 s13  }
.LBB2_1:
0x12: {  	p0 =	sne.s32 s10, $0x0  }
.Ltmp2:
0x13: {  	_ = 	snop;
	(pc) =	sbr.rel @!p0 .LBB2_2-.Ltmp2, $1  }
0x14: {  	_ =	sdelay $0x3  }
0x15: {  	s13 =	sand.u32 $0x1, s10  }
0x16: {  	p0 =	seq.s32 s13, $0x0  }
.Ltmp3:
0x17: {  	_ = 	snop;
	(pc) =	sbr.rel @p0 .LBB2_9-.Ltmp3, $1  }
0x18: {  	_ =	sdelay $0x3  }
0x19: {  	_ =	swait.ge [sflag:s5], $0x100  }
0x1a: {  	[sflag:s5] =	ssyncset.done $0x0  }
0x1b: {  	s13 =	simm.s32 $0x0;
	[sflag:s5] =	ssyncadd.s32 $0xFFFFFF00  }
0x1c: {  	v0 =	vld.msk [tilespmem:s13+$0x100 ss:$0x1], $0xffff;
	_ =	sdelay $0x4  }
0x1d: {  	vm2 =	vgt.s32 v0, $0x0  }
0x1e: {  	v0 =	vnsel vm2, $0x0, v0  }
0x1f: {  	v0 =	vmin.u32 v0, $0xC34F  }
0x20: {  	v0 =	vshll.u32 v0, $0x4;
	_ =	sdelay $0x3  }
0x21: {  	s13 =	simm.s32 $0x8200  }
0x22: {  	[tilespmem:s13], [sflag:$0x1] =	stream.indirect_vreg.gather [hbm:s3], $0x80, v0, vm0, $0x38;
	[tilespmem:$0x10200] =	vst v63  }
0x23: {  	s14 =	simm.s32 $0x8600;
	s31 =	simm.s32 $0x10  }
0x24: {  	[tilespmem:s14], [sflag:$0x1] =	stream.indirect_vreg.gather [hbm:s3], $0x80, v0, vm1, $0x38;
	[tilespmem:$0x10200] =	vst v63  }
0x25: {  	s14 =	simm.s32 $0x80;
	v0 =	vld.msk [tilespmem:s31+$0x100 ss:$0x1], $0xffff  }
.LBB2_5:
0x26: {  	p0 =	sne.s32 s14, $0x3C0;
	_ =	sdelay $0x4  }
0x27: {  	vm2 =	vgt.s32 v0, $0x0  }
0x28: {  	v0 =	vnsel vm2, $0x0, v0  }
0x29: {  	v0 =	vmin.u32 v0, $0xC34F  }
0x2a: {  	v0 =	vshll.u32 v0, $0x4;
	_ =	sdelay $0x3  }
.Ltmp4:
0x2b: {  	s13 =	sadd.s32 $0x800, s13;
	(pc) =	sbr.rel @p0 .LBB2_5-.Ltmp4, $4  }
0x2c: {  	[tilespmem:s13], [sflag:$0x1] =	stream.indirect_vreg.gather [hbm:s3], $0x80, v0, vm0, $0x38;
	[tilespmem:$0x10200] =	vst v63  }
0x2d: {  	s15 =	sshra.s32 s14, $0x2;
	s16 =	sadd.s32 $0x400, s13  }
0x2e: {  	[tilespmem:s16], [sflag:$0x1] =	stream.indirect_vreg.gather [hbm:s3], $0x80, v0, vm1, $0x38;
	[tilespmem:$0x10200] =	vst v63  }
0x2f: {  	s14 =	sadd.s32 $0x40, s14;
	v0 =	vld.msk [tilespmem:s15+$0x100 ss:$0x1], $0xffff  }
0x30: {  	_ =	sdelay $0x3  }
0x31: {  	vm2 =	vgt.s32 v0, $0x0  }
0x32: {  	v0 =	vnsel vm2, $0x0, v0  }
0x33: {  	v0 =	vmin.u32 v0, $0xC34F  }
0x34: {  	v0 =	vshll.u32 v0, $0x4;
	_ =	sdelay $0x3  }
0x35: {  	s13 =	sadd.s32 $0x800, s13  }
0x36: {  	[tilespmem:s13], [sflag:$0x1] =	stream.indirect_vreg.gather [hbm:s3], $0x80, v0, vm0, $0x38;
	[tilespmem:$0x10200] =	vst v63  }
0x37: {  	s13 =	sadd.s32 $0x400, s13  }
0x38: {  	[tilespmem:s13], [sflag:$0x1] =	stream.indirect_vreg.gather [hbm:s3], $0x80, v0, vm1, $0x38;
	[tilespmem:$0x10200] =	vst v63  }
0x39: {  	s12 =	sshll.u32 s12, $0x4;
	s14 =	simm.s32 $0x80;
	_ =	swait.ge [sflag:s4], $0x8000  }
0x3a: {  	s15 =	simm.s32 $0x8600;
	s12 =	sadd.s32 s12, s7;
	[sflag:s4] =	ssyncset.done $0x0  }
0x3b: {  	s16 =	sadd.s32 $0x0, s12;
	s13 =	simm.s32 $0x8200;
	[sflag:s4] =	ssyncadd.s32 $0xFFFF8000  }
.LBB2_7:
0x3c: {  	[hbm:s16] =	stream.linear.scatter [tilespmem:s13], [sflag:$0x3], $0x400, $0x38;
	[tilespmem:$0x10200] =	vst v63  }
0x3d: {  	s16 =	smov.u32 s14;
	s13 =	smov.u32 s15;
	p0 =	sne.s32 s14, $0xF80  }
.Ltmp5:
0x3e: {  	s14 =	sadd.s32 $0x80, s14;
	(pc) =	sbr.rel @p0 .LBB2_7-.Ltmp5, $2  }
0x3f: {  	_ =	sdelay $0x2  }
0x40: {  	s15 =	sadd.s32 $0x400, s15;
	s16 =	sadd.s32 s16, s12  }
.Ltmp6:
0x41: {  	(pc) =	sbr.rel .LBB2_9-.Ltmp6, $2  }
0x42: {  	_ =	sdelay $0x2  }
0x43: {  	[hbm:s16] =	stream.linear.scatter [tilespmem:s13], [sflag:$0x3], $0x400, $0x38;
	[tilespmem:$0x10200] =	vst v63  }
.LBB2_2:
.Ltmp7:
0x44: {  	(pc) =	sbr.rel .LBB2_10-.Ltmp7, $4  }
0x45: {  	_ = 	snop  }
0x46: {  	s12 =	sshrl.u32 s11, $0x3  }
0x47: {  	s13 =	sand.u32 $0x7, s11;
	s12 =	sadd.s32 s2, s12  }
0x48: {  	[tilespmem:s9], [sflag:$0x2] =	stream.linear.gather [hbm4b:s12+s13], $0x100, $0x38;
	[tilespmem:$0x10200] =	vst v63  }
.LBB2_11:
0x49: {  	s2 =	simm.s32 $0x3  }
0x4a: {  	_ =	swait.ge [sflag:s2], $0x8000  }
0x4b: {  	[sflag:s2] =	ssyncset.done $0x0  }
0x4c: {  	[sflag:s2] =	ssyncadd.s32 $0xFFFF8000  }
0x4d: {  	_ =	sfence.sel $0x180000  }
0x4e: {  	s3 =	simm.s32 $0x2;
	[bflag:$0x0] =	sbarrier.arrive $0xFFFF  }
0x4f: {  	[sflag:s3] =	ssyncpa.u1 $0x1  }
0x50: {  	s31 =	simm.s32 $0x1;
	[sflag:s2] =	ssyncpa.u1 $0x1  }
0x51: {  	[sflag:s31] =	ssyncpa.u1 $0x1  }
0x52: {  	p0 =	sne.s32 s1, $0x0;
	_ =	strace $0x90000047  }
0x53: {  	s0 =	sadd.s32 @!p0 $0x100000, s0;
	[bflag:$0x2] =	sbarrier.arrive $0xFFFF  }
0x54: {  	[sflag:s0] =	ssyncadd.tile.s32 @!p0 $0x1;
	_ =	shalt  }
.Lfunc_end2:
_tile_overlayer_lowered:
.L_overlay_start_2:
0x55: {  	(tag) =	ssettag $0x2  }
0x56: {  	s0 =	rddreg [dreg:$0x0];
	s2 =	stileid.u32  }
0x57: {  	s1 =	rddreg [dreg:$0x1];
	p0 =	sne.s32 s2, $0x0  }
0x58: {  	s3 =	rddreg [dreg:$0x2];
	[bflag:$0x3] =	sbarrier.arrive $0xFFFF;
	s2 =	simm.s32 @!p0 $0x1C01  }
0x59: {  	[timem:s3], [sflag:s2] =	dma.local @!p0 [hbm:s0], s1  }
0x5a: {  	s0 =	simm.s32 @!p0 $0x1  }
0x5b: {  	_ =	swait.ge @!p0 [sflag:s0], s1  }
0x5c: {  	s1 =	ssub.s32 @!p0 $0x0, s1;
	[sflag:s0] =	ssyncset.done @!p0 $0x0  }
0x5d: {  	[sflag:s0] =	ssyncadd.s32 @!p0 s1  }
0x5e: {  	[bflag:$0x3] =	sbarrier.arrive $0xFFFF  }
0x5f: {  	_ =	shalt  }

// kernel: kernel.4.cloned.1.call-start
scs
__scs_entry_jumppad:
0x0: {  	(pc) =	sbr.rel $0x88, $3  }
0x1: {  	(tag) =	ssettag $0x0;
	lr =	simm.s32 $0x1  }
0x2: {  	[smem:$0x3F9D] =	sst lr;
	_ =	strace $0xD0000000  }
0x3: {  	_ = 	snop  }
0x4: {  	_ = 	snop  }
0x5: {  	_ = 	snop  }
0x6: {  	_ = 	snop  }
0x7: {  	_ = 	snop  }
__scs_overlays_trampoline_lowered:
0x8: {  	[smem:$0x3FAC] =	sst s0  }
0x9: {  	[smem:$0x3FAD] =	sst s1  }
0xa: {  	[smem:$0x3FAE] =	sst s2  }
0xb: {  	[smem:$0x3FAF] =	sst s3  }
0xc: {  	[smem:$0x3FB0] =	sst s4  }
0xd: {  	[smem:$0x3FB1] =	sst s5  }
0xe: {  	[smem:$0x3FB2] =	sst s6  }
0xf: {  	[smem:$0x3FB3] =	sst s7  }
0x10: {  	[smem:$0x3FB4] =	sst s8  }
0x11: {  	[smem:$0x3FB5] =	sst s9;
	s0 =	simm.s32 @!p0 $0x0  }
0x12: {  	s1 =	sld [smem:$0x3F9B];
	s0 =	simm.s32 @p0 $0x1  }
0x13: {  	[smem:$0x3FB6] =	sst s0;
	s0 =	simm.s32 @!p1 $0x0  }
0x14: {  	s2 =	sld [smem:$0x3F9A];
	s0 =	simm.s32 @p1 $0x1  }
0x15: {  	[smem:$0x3FB7] =	sst s0;
	s0 =	simm.s32 @!p2 $0x0  }
0x16: {  	s3 =	sld [smem:$0x3FDB];
	s0 =	simm.s32 @p2 $0x1  }
0x17: {  	s4 =	simm.s32 $0x1BF5;
	[smem:$0x3FB9] =	sst s0  }
0x18: {  	s0 =	sld [smem:$0x3F9C];
	_ =	swait.ge [sflag:s4], $0x0  }
0x19: {  	s7 =	sld [smem:$0x3F9D]  }
0x1a: {  	s8 =	sadd.s32 $0xFFFFE003, lr  }
0x1b: {  	s9 =	sadd.s32 $0xFFFFFEF7, lr;
	s5 =	simm.s32 $0xFFFFFFFF;
	p2 =	slt.u32 s8, $0xFFFFF086  }
0x1c: {  	p1 =	slt.u32 s9, $0xF7A;
	s5 =	simm.s32 @!p2 $0x0  }
0x1d: {  	s5 =	simm.s32 @p1 $0x1;
	p0 =	seq.s32 s7, s2  }
0x1e: {  	s7 =	smul.u32 @!p0 $0xF7A, s2;
	p2 =	seq.s32 @!p0 s5, $0x0  }
0x1f: {  	s9 =	smul.u32 $0xF7A, s1;
	s8 =	simm.s32 @!p0 $0x1BF5;
	p2 =	por !p2, p0  }
0x20: {  	[sflag:s8] =	ssyncset.s32 @!p0 $0xFFFFF086;
	s6 =	sadd.s32 @!p0 s3, s7;
	s7 =	simm.s32 @!p0 $0x108  }
0x21: {  	s3 =	sadd.s32 s3, s9;
	s6 =	sadd.s32 @!p0 $0x88, s6;
	s7 =	simm.s32 @p2 $0x1082  }
0x22: {  	[simem:s7], [sflag:s8] =	dma.local @!p0 [hbm:s6], $0xF7A  }
0x23: {  	s9 =	sor.u32 $0xD0000000, s2;
	s6 =	simm.s32 $0x108;
	_ =	swait.ge @!p0 [sflag:s8], $0x0  }
0x24: {  	s3 =	sadd.s32 $0x88, s3;
	s6 =	simm.s32 @!p1 $0x1082;
	[sflag:s4] =	ssyncset.s32 $0xFFFFF086  }
0x25: {  	[simem:s6], [sflag:s4] =	dma.local [hbm:s3], $0xF7A  }
0x26: {  	[smem:$0x3F9D] =	sst s1;
	(tag) =	ssettag s2;
	_ =	strace s9  }
0x27: {  	s1 =	sld [smem:$0x3FAD]  }
0x28: {  	s2 =	sld [smem:$0x3FAE]  }
0x29: {  	s4 =	sld [smem:$0x3FB0]  }
0x2a: {  	p0 =	seq.s32 s5, $0x0;
	s5 =	sld [smem:$0x3FB1]  }
0x2b: {  	s6 =	sld [smem:$0x3FB2]  }
0x2c: {  	s7 =	sld [smem:$0x3FB3]  }
0x2d: {  	s3 =	simm.s32 $0x108;
	s8 =	sld [smem:$0x3FB4]  }
0x2e: {  	s3 =	simm.s32 @!p0 $0x1082;
	s9 =	sld [smem:$0x3FB5]  }
0x2f: {  	lr =	sadd.s32 s0, s3;
	s0 =	sld [smem:$0x3FAC]  }
0x30: {  	s3 =	sld [smem:$0x3FAF]  }
0x31: {  	[smem:$0x3FB8] =	sst s10  }
0x32: {  	s10 =	sld [smem:$0x3FB6];
	_ =	sdelay $0x3  }
0x33: {  	p0 =	seq.s32 s10, $0x1;
	s10 =	sld [smem:$0x3FB8];
	_ =	sdelay $0x3  }
0x34: {  	[smem:$0x3FB8] =	sst s10  }
0x35: {  	s10 =	sld [smem:$0x3FB7];
	_ =	sdelay $0x3  }
0x36: {  	p1 =	seq.s32 s10, $0x1;
	s10 =	sld [smem:$0x3FB8];
	_ =	sdelay $0x3  }
0x37: {  	[smem:$0x3FB8] =	sst s10  }
0x38: {  	s10 =	sld [smem:$0x3FB9]  }
0x39: {  	_ = 	snop;
	(pc) =	sbr.ind lr, $3  }
0x3a: {  	_ = 	snop  }
0x3b: {  	_ = 	snop  }
0x3c: {  	p2 =	seq.s32 s10, $0x1;
	s10 =	sld [smem:$0x3FB8]  }
0x3d: {  	_ =	shalt  }
0x3e: {  	_ =	shalt  }
0x3f: {  	_ =	shalt  }
0x40: {  	_ =	shalt  }
0x41: {  	_ =	shalt  }
0x42: {  	_ =	shalt  }
0x43: {  	_ =	shalt  }
0x44: {  	_ =	shalt  }
0x45: {  	_ =	shalt  }
0x46: {  	_ =	shalt  }
0x47: {  	_ =	shalt  }
0x48: {  	_ =	shalt  }
0x49: {  	_ =	shalt  }
0x4a: {  	_ =	shalt  }
0x4b: {  	_ =	shalt  }
0x4c: {  	_ =	shalt  }
0x4d: {  	_ =	shalt  }
0x4e: {  	_ =	shalt  }
0x4f: {  	_ =	shalt  }
0x50: {  	_ =	shalt  }
0x51: {  	_ =	shalt  }
0x52: {  	_ =	shalt  }
0x53: {  	_ =	shalt  }
0x54: {  	_ =	shalt  }
0x55: {  	_ =	shalt  }
0x56: {  	_ =	shalt  }
0x57: {  	_ =	shalt  }
0x58: {  	_ =	shalt  }
0x59: {  	_ =	shalt  }
0x5a: {  	_ =	shalt  }
0x5b: {  	_ =	shalt  }
0x5c: {  	_ =	shalt  }
0x5d: {  	_ =	shalt  }
0x5e: {  	_ =	shalt  }
0x5f: {  	_ =	shalt  }
0x60: {  	_ =	shalt  }
0x61: {  	_ =	shalt  }
0x62: {  	_ =	shalt  }
0x63: {  	_ =	shalt  }
0x64: {  	_ =	shalt  }
0x65: {  	_ =	shalt  }
0x66: {  	_ =	shalt  }
0x67: {  	_ =	shalt  }
0x68: {  	_ =	shalt  }
0x69: {  	_ =	shalt  }
0x6a: {  	_ =	shalt  }
0x6b: {  	_ =	shalt  }
0x6c: {  	_ =	shalt  }
0x6d: {  	_ =	shalt  }
0x6e: {  	_ =	shalt  }
0x6f: {  	_ =	shalt  }
0x70: {  	_ =	shalt  }
0x71: {  	_ =	shalt  }
0x72: {  	_ =	shalt  }
0x73: {  	_ =	shalt  }
0x74: {  	_ =	shalt  }
0x75: {  	_ =	shalt  }
0x76: {  	_ =	shalt  }
0x77: {  	_ =	shalt  }
0x78: {  	_ =	shalt  }
0x79: {  	_ =	shalt  }
0x7a: {  	_ =	shalt  }
0x7b: {  	_ =	shalt  }
0x7c: {  	_ =	shalt  }
0x7d: {  	_ =	shalt  }
0x7e: {  	_ =	shalt  }
0x7f: {  	_ =	shalt  }
0x80: {  	_ =	shalt  }
0x81: {  	_ =	shalt  }
0x82: {  	_ =	shalt  }
0x83: {  	_ =	shalt  }
0x84: {  	_ =	shalt  }
0x85: {  	_ =	shalt  }
0x86: {  	_ =	shalt  }
0x87: {  	_ =	shalt  }
.Lfunc_end0:
.L_simem_size_0:
called_computation.1_lowered:
.L_overlay_start_0:
0x88: {  	s2 =	sld [smem:$0x3FD9]  }
0x89: {  	s3 =	sld [smem:$0x3FFE];
	_ =	sdelay $0x1  }
0x8a: {  	s1 =	srdreg.scid  }
0x8b: {  	s0 =	sand.u32 $0x1, s1  }
0x8c: {  	s17 =	sshll.u32 s0, $0xA;
	s2 =	sadd.s32 s3, s2  }
0x8d: {  	s2 =	sadd.s32 s2, s17  }
0x8e: {  	[smem:$0x3FC4] =	sst s2  }
0x8f: {  	_ = 	snop  }
0x90: {  	s2 =	sld [smem:$0x3FC9]  }
0x91: {  	s18 =	sld [smem:$0x3FC8]  }
0x92: {  	s4 =	sld [smem:$0x3FD0];
	(tm) =	ssettm $0x1  }
0x93: {  	s5 =	sld [smem:$0x3FFB];
	_ =	sdelay $0x3  }
0x94: {  	_ =	strace s5  }
0x95: {  	s5 =	sld [smem:$0x3FFC];
	_ =	sdelay $0x3  }
0x96: {  	_ =	strace s5  }
0x97: {  	s5 =	sld [smem:$0x3FFD];
	_ =	sdelay $0x3  }
0x98: {  	_ =	strace s5  }
0x99: {  	_ =	strace $0x8FFFFFFF  }
0x9a: {  	s19 =	sld [smem:$0x3FDB];
	_ =	sdelay $0x1  }
0x9b: {  	s6 =	simm.s32 $_scs_section_size  }
0x9c: {  	s7 =	simm.s32 $_size__tile_overlayer_lowered;
	s8 =	simm.s32 $_tile_overlayer_lowered  }
0x9d: {  	s22 =	simm.s32 $0x1BFF;
	s21 =	sshll.u32 s8, $0x1;
	s5 =	sadd.s32 s6, s19  }
0x9e: {  	s9 =	simm.s32 $0x0;
	s20 =	sshll.u32 s7, $0x1;
	s7 =	sadd.s32 s21, s5  }
0x9f: {  	[timem:s9], [sflag:s22] =	dma.local [hbm:s7], s20  }
0xa0: {  	_ =	swait.ge [sflag:s22], s20  }
0xa1: {  	s6 =	ssub.s32 $0x0, s20;
	[sflag:s22] =	ssyncset.done $0x0  }
0xa2: {  	[sflag:s22] =	ssyncadd.s32 s6;
	_ =	sdelay $0x1  }
0xa3: {  	s23 =	simm.s32 $0x1B8B  }
0xa4: {  	_ =	swait.ge [sflag:s23], $0x1  }
0xa5: {  	[sflag:s23] =	ssyncset.done $0x0  }
0xa6: {  	s25 =	simm.s32 $0x1B8E;
	s24 =	sld [smem:$0x3FFE];
	[sflag:s23] =	ssyncadd.s32 $0xFFFFFFFF  }
0xa7: {  	s26 =	simm.s32 $execute0_lowered;
	[smem:$0x3FD2] =	sst s25  }
0xa8: {  	s7 =	sshll.u32 s26, $0x1;
	_ =	strace $0x80000049;
	[dreg:$0x1] =	wrdreg $0xFFFFFFFF  }
0xa9: {  	s28 =	simm.s32 $_size_execute0_lowered;
	s5 =	sadd.s32 s5, s7;
	[dreg:$0x0] =	wrdreg $0x0  }
0xaa: {  	s7 =	sshll.u32 s28, $0x1;
	[dreg:$0x2] =	wrdreg s5  }
0xab: {  	[dreg:$0x3] =	wrdreg s7  }
0xac: {  	[dreg:$0x4] =	wrdreg $0xC0  }
0xad: {  	_ =	task [dreg:s9], $0x5FFFF  }
0xae: {  	[dreg:$0x1] =	wrdreg $0xFFFFFFFF  }
0xaf: {  	[dreg:$0x0] =	wrdreg $0x60  }
0xb0: {  	[dreg:$0x2] =	wrdreg s18  }
0xb1: {  	[dreg:$0x3] =	wrdreg s2  }
0xb2: {  	[dreg:$0x4] =	wrdreg s24  }
0xb3: {  	[dreg:$0x5] =	wrdreg s4  }
0xb4: {  	[dreg:$0x6] =	wrdreg $0x9  }
0xb5: {  	_ =	task.clear_ibuf [dreg:s9], $0x7FFFF;
	_ =	strace $0x90000049  }
0xb6: {  	s29 =	simm.s32 $0x9;
	_ =	strace $0x8000004B  }
0xb7: {  	_ =	swait.ge [sflag:s29], $0x1  }
0xb8: {  	[sflag:s29] =	ssyncadd.s32 $0xFFFFFFFF  }
0xb9: {  	_ =	strace $0x9000004B  }
0xba: {  	_ =	sfence  }
0xbb: {  	s30 =	sld [smem:$0x0];
	_ =	sdelay $0x2  }
0xbc: {  	s31 =	sshll.u32 s1, $0xD;
	s1 =	sshrl.u32 s1, $0x2  }
0xbd: {  	s3 =	sand.u32 $0x4000, s31;
	s1 =	sadd.s32 s1, s30  }
0xbe: {  	s0 =	sor.u32 s3, s0;
	s1 =	sshll.u32 s1, $0x11  }
0xbf: {  	s0 =	sor.u32 s1, s0  }
0xc0: {  	s0 =	sadd.s32 $0x8F2B, s0  }
0xc1: {  	[sflag:s0] =	ssyncadd.remote.s32 $0x1  }
0xc2: {  	_ =	sfence.sel $0xFFFF  }
0xc3: {  	[dreg:$0x0] =	wrdreg $0xFFFFFFFF;
	(pc) =	sbr.abs _section_cstart, $3  }
0xc4: {  	[dreg:$0x1] =	wrdreg $0xFFFFFFFF  }
0xc5: {  	_ =	task.clear_ibuf [dreg:s9], $0x2FFFF;
	_ =	strace $0x9FFFFFFF  }
0xc6: {  	(tm) =	ssettm $0x7FFFFFFF  }
0xc7: {  	_ =	shalt  }
tec
execute0_lowered:
.L_overlay_start_1:
0x0: {  	(tag) =	ssettag $0x1  }
0x1: {  	s1 =	rddreg [dreg:$0x0];
	v0 =	vlaneseq.u32  }
0x2: {  	s0 =	rddreg [dreg:$0x1];
	v0 =	vmul.u32 $0x80, v0  }
0x3: {  	s4 =	rddreg [dreg:$0x2];
	s3 =	simm.s32 $0x0  }
0x4: {  	[smem:$0x7FF] =	sst s3;
	v1 =	vor.u32 $0x800, v0  }
0x5: {  	s5 =	rddreg [dreg:$0x3];
	_ =	strace $0x8000004A;
	[tilespmem:$0x1FC10] =	vst v1;
	v1 =	vor.u32 $0x1000, v0  }
0x6: {  	[tilespmem:$0x1FC20] =	vst v1;
	v1 =	vor.u32 $0x1800, v0  }
0x7: {  	[tilespmem:$0x1FC30] =	vst v1;
	v1 =	vor.u32 $0x2000, v0  }
0x8: {  	[tilespmem:$0x1FC40] =	vst v1;
	v1 =	vor.u32 $0x2800, v0  }
0x9: {  	[tilespmem:$0x1FC50] =	vst v1;
	v1 =	vor.u32 $0x3000, v0  }
0xa: {  	[tilespmem:$0x1FC60] =	vst v1;
	v1 =	vor.u32 $0x3800, v0  }
0xb: {  	[tilespmem:$0x1FC70] =	vst v1;
	v1 =	vor.u32 $0x1, v0  }
0xc: {  	[tilespmem:$0x1FC80] =	vst v1;
	v1 =	vor.u32 $0x801, v0  }
0xd: {  	[tilespmem:$0x1FC90] =	vst v1;
	v1 =	vor.u32 $0x1001, v0  }
0xe: {  	[tilespmem:$0x1FCA0] =	vst v1;
	v1 =	vor.u32 $0x1801, v0  }
0xf: {  	[tilespmem:$0x1FCB0] =	vst v1;
	v1 =	vor.u32 $0x2001, v0  }
0x10: {  	[tilespmem:$0x1FCC0] =	vst v1;
	v1 =	vor.u32 $0x2801, v0  }
0x11: {  	[tilespmem:$0x1FCD0] =	vst v1;
	v1 =	vor.u32 $0x3001, v0  }
0x12: {  	[tilespmem:$0x1FCE0] =	vst v1;
	v1 =	vor.u32 $0x3801, v0  }
0x13: {  	[tilespmem:$0x1FCF0] =	vst v1;
	v1 =	vor.u32 $0x2, v0  }
0x14: {  	[tilespmem:$0x1FD00] =	vst v1;
	v1 =	vor.u32 $0x802, v0  }
0x15: {  	[tilespmem:$0x1FD10] =	vst v1;
	v1 =	vor.u32 $0x1002, v0  }
0x16: {  	[tilespmem:$0x1FD20] =	vst v1;
	v1 =	vor.u32 $0x1802, v0  }
0x17: {  	[tilespmem:$0x1FD30] =	vst v1;
	v1 =	vor.u32 $0x2002, v0  }
0x18: {  	[tilespmem:$0x1FD40] =	vst v1;
	v1 =	vor.u32 $0x2802, v0  }
0x19: {  	[tilespmem:$0x1FD50] =	vst v1;
	v1 =	vor.u32 $0x3002, v0  }
0x1a: {  	[tilespmem:$0x1FD60] =	vst v1;
	v1 =	vor.u32 $0x3802, v0  }
0x1b: {  	[tilespmem:$0x1FD70] =	vst v1;
	v1 =	vor.u32 $0x3, v0  }
0x1c: {  	[tilespmem:$0x1FD80] =	vst v1;
	v1 =	vor.u32 $0x803, v0  }
0x1d: {  	[tilespmem:$0x1FD90] =	vst v1;
	v1 =	vor.u32 $0x1003, v0  }
0x1e: {  	[tilespmem:$0x1FDA0] =	vst v1;
	v1 =	vor.u32 $0x1803, v0  }
0x1f: {  	[tilespmem:$0x1FDB0] =	vst v1;
	v1 =	vor.u32 $0x2003, v0  }
0x20: {  	[tilespmem:$0x1FDC0] =	vst v1;
	v1 =	vor.u32 $0x2803, v0  }
0x21: {  	[tilespmem:$0x1FDD0] =	vst v1;
	v1 =	vor.u32 $0x3003, v0  }
0x22: {  	[tilespmem:$0x1FDE0] =	vst v1;
	v1 =	vor.u32 $0x3803, v0  }
0x23: {  	[tilespmem:$0x1FDF0] =	vst v1;
	v1 =	vor.u32 $0x4, v0  }
0x24: {  	[tilespmem:$0x1FE00] =	vst v1;
	v1 =	vor.u32 $0x804, v0  }
0x25: {  	[tilespmem:$0x1FE10] =	vst v1;
	v1 =	vor.u32 $0x1004, v0  }
0x26: {  	[tilespmem:$0x1FE20] =	vst v1;
	v1 =	vor.u32 $0x1804, v0  }
0x27: {  	[tilespmem:$0x1FE30] =	vst v1;
	v1 =	vor.u32 $0x2004, v0  }
0x28: {  	[tilespmem:$0x1FE40] =	vst v1;
	v1 =	vor.u32 $0x2804, v0  }
0x29: {  	[tilespmem:$0x1FE50] =	vst v1;
	v1 =	vor.u32 $0x3004, v0  }
0x2a: {  	[tilespmem:$0x1FE60] =	vst v1;
	v1 =	vor.u32 $0x3804, v0  }
0x2b: {  	s6 =	srdreg.scid;
	s2 =	stileid.u32;
	[tilespmem:$0x1FE70] =	vst v1;
	v1 =	vor.u32 $0x5, v0  }
0x2c: {  	s17 =	simm.s32 $0x8100;
	s18 =	simm.s32 $0x8900;
	s19 =	simm.s32 $0x8180;
	[tilespmem:$0x1FE80] =	vst v1;
	v1 =	vor.u32 $0x805, v0  }
0x2d: {  	s20 =	simm.s32 $0x8200;
	s21 =	simm.s32 $0x8280;
	[dreg:$0xc] =	wrdreg s17;
	[tilespmem:$0x1FE90] =	vst v1;
	v1 =	vor.u32 $0x1005, v0  }
0x2e: {  	s22 =	simm.s32 $0x8300;
	s23 =	simm.s32 $0x8380;
	[dreg:$0xd] =	wrdreg s18;
	[tilespmem:$0x1FEA0] =	vst v1;
	v1 =	vor.u32 $0x1805, v0  }
0x2f: {  	s24 =	simm.s32 $0x8400;
	s25 =	simm.s32 $0x8480;
	[dreg:$0xe] =	wrdreg s19;
	[tilespmem:$0x1FEB0] =	vst v1;
	v1 =	vor.u32 $0x2005, v0  }
0x30: {  	s28 =	simm.s32 $0x7;
	s29 =	simm.s32 $0x1;
	[dreg:$0xf] =	wrdreg s20;
	[tilespmem:$0x1FEC0] =	vst v1;
	v1 =	vor.u32 $0x2805, v0  }
0x31: {  	s30 =	simm.s32 $0x8;
	s31 =	simm.s32 $0x2;
	[dreg:$0x10] =	wrdreg s21;
	[tilespmem:$0x1FED0] =	vst v1;
	v1 =	vor.u32 $0x3005, v0  }
0x32: {  	s6 =	sand.u32 $0x1, s6;
	s7 =	sshll.u32 s2, $0x1;
	[dreg:$0x11] =	wrdreg s22;
	[tilespmem:$0x1FEE0] =	vst v1;
	v1 =	vor.u32 $0x3805, v0  }
0x33: {  	s9 =	sadd.s32 $0xC4C00, s4;
	s4 =	sadd.s32 $0x1600, s4;
	[dreg:$0x12] =	wrdreg s23;
	[tilespmem:$0x1FEF0] =	vst v1;
	v1 =	vor.u32 $0x6, v0  }
0x34: {  	s7 =	sor.u32 s6, s7;
	s6 =	ssub.s32 $0x2, s6;
	[dreg:$0x13] =	wrdreg s24;
	[tilespmem:$0x1FF00] =	vst v1;
	v1 =	vor.u32 $0x806, v0  }
0x35: {  	[dreg:$0x14] =	wrdreg s25;
	s17 =	simm.s32 $0x6;
	s18 =	simm.s32 $0x8980;
	[tilespmem:$0x1FF10] =	vst v1;
	v1 =	vor.u32 $0x1006, v0  }
0x36: {  	s19 =	simm.s32 $0x8A00;
	s20 =	simm.s32 $0x8A80;
	s21 =	simm.s32 $0x8B00;
	[tilespmem:$0x1FF20] =	vst v1;
	v1 =	vor.u32 $0x1806, v0  }
0x37: {  	s22 =	simm.s32 $0x8B80;
	s23 =	simm.s32 $0x8C00;
	s24 =	simm.s32 $0x8C80;
	[tilespmem:$0x1FF30] =	vst v1;
	v1 =	vor.u32 $0x2006, v0  }
0x38: {  	s25 =	simm.s32 $0x8D00;
	s8 =	sshll.u32 s7, $0x5;
	s7 =	sshll.u32 s7, $0xC;
	[tilespmem:$0x1FF40] =	vst v1;
	v1 =	vor.u32 $0x2806, v0  }
0x39: {  	s14 =	sshrl.u32 s6, $0x1;
	s0 =	sadd.s32 s0, s8;
	s26 =	sadd.s32 s9, s7;
	[tilespmem:$0x1FF50] =	vst v1;
	v1 =	vor.u32 $0x3006, v0  }
0x3a: {  	s2 =	sor.u32 $0x800, s7;
	s11 =	sadd.s32 s5, s7;
	s12 =	sadd.s32 s4, s7;
	[tilespmem:$0x1FF60] =	vst v1;
	v1 =	vor.u32 $0x3806, v0  }
0x3b: {  	s16 =	ssub.s32 s6, s14;
	s6 =	simm.s32 $0x100;
	[dreg:$0x5] =	wrdreg s0;
	[tilespmem:$0x1FF70] =	vst v1;
	v1 =	vor.u32 $0x7, v0  }
0x3c: {  	s7 =	simm.s32 $0x4100;
	s8 =	simm.s32 $0x80;
	[dreg:$0x6] =	wrdreg s26;
	[tilespmem:$0x1FF80] =	vst v1;
	v1 =	vor.u32 $0x807, v0  }
0x3d: {  	s14 =	simm.s32 $0x15100;
	s10 =	sadd.s32 s9, s2;
	[dreg:$0x8] =	wrdreg s11;
	[tilespmem:$0x1FF90] =	vst v1;
	v1 =	vor.u32 $0x1007, v0  }
0x3e: {  	[dreg:$0x9] =	wrdreg s12;
	s13 =	sadd.s32 s5, s2;
	s15 =	sadd.s32 s4, s2;
	[tilespmem:$0x1FFA0] =	vst v1;
	v1 =	vor.u32 $0x1807, v0  }
0x3f: {  	s4 =	smax.u32 s16, $0x1;
	s5 =	simm.s32 $0xA;
	s9 =	simm.s32 $0x9100;
	[tilespmem:$0x1FFB0] =	vst v1;
	v1 =	vor.u32 $0x2007, v0  }
0x40: {  	s11 =	simm.s32 $0x3;
	s12 =	simm.s32 $0x11100;
	[dreg:$0x7] =	wrdreg s10;
	[tilespmem:$0x1FFC0] =	vst v1;
	v1 =	vor.u32 $0x2807, v0  }
0x41: {  	s26 =	simm.s32 $0x8500;
	s0 =	simm.s32 $0x9;
	[dreg:$0xa] =	wrdreg s13;
	[tilespmem:$0x1FFD0] =	vst v1;
	v1 =	vor.u32 $0x3007, v0  }
0x42: {  	[dreg:$0xb] =	wrdreg s15;
	s10 =	simm.s32 $0xD100;
	s13 =	simm.s32 $0x4;
	[tilespmem:$0x1FFE0] =	vst v1;
	v1 =	vor.u32 $0x3807, v0  }
0x43: {  	s15 =	simm.s32 $0x5;
	[dreg:$0x15] =	wrdreg s26;
	s26 =	simm.s32 $0x8D80;
	[tilespmem:$0x1FFF0] =	vst v1  }
.LBB2_1:
0x44: {  	s2 =	rddreg [dreg:$0x5]  }
0x45: {  	[tilespmem:s3], [sflag:$0xA] =	stream.linear.gather [hbm4b:s2+s3], $0x100, $0x38;
	[tilespmem:$0x19100] =	vst v63  }
0x46: {  	_ =	swait.ge [sflag:s5], $0x100  }
0x47: {  	[sflag:s5] =	ssyncset.done $0x0  }
0x48: {  	s2 =	rddreg [dreg:$0x6];
	[sflag:s5] =	ssyncadd.s32 $0xFFFFFF00  }
0x49: {  	s16 =	rddreg [dreg:$0x7]  }
0x4a: {  	[tilespmem:s6], [sflag:$0x3] =	stream.linear.gather [hbm4b:s2+s3], $0x4000, $0x38;
	[tilespmem:$0x19100] =	vst v63  }
0x4b: {  	_ = 	snop  }
0x4c: {  	[tilespmem:s7], [sflag:$0x4] =	stream.linear.gather [hbm4b:s16+s3], $0x4000, $0x38;
	[tilespmem:$0x19100] =	vst v63  }
0x4d: {  	_ = 	snop  }
0x4e: {  	[tilespmem:s9], [sflag:$0x1] =	stream.indirect.gather [hbm4b:s1+s8], $0x80, s3, s8, $0xb8;
	[tilespmem:$0x19100] =	vst v63  }
0x4f: {  	_ = 	snop  }
0x50: {  	[tilespmem:s10], [sflag:$0x2] =	stream.indirect.gather [hbm4b:s1+s8], $0x80, s8, s8, $0xb8;
	[tilespmem:$0x19100] =	vst v63  }
0x51: {  	_ =	swait.ge [sflag:s11], $0x4000  }
0x52: {  	[sflag:s11] =	ssyncset.done $0x0;
	v18 =	vld [tilespmem:$0x1FC10]  }
0x53: {  	[sflag:s11] =	ssyncadd.s32 $0xFFFFC000  }
0x54: {  	v1 =	vld.idx.msk [tilespmem:v0+s6+$0x0], $0xffff;
	_ =	sdelay $0x3  }
0x55: {  	v19 =	vld [tilespmem:$0x1FC20]  }
0x56: {  	[tilespmem:$0x8100] =	vst v1  }
0x57: {  	v1 =	vld.idx.msk [tilespmem:v18+s6+$0x0], $0xffff;
	_ =	sdelay $0x3  }
0x58: {  	v20 =	vld [tilespmem:$0x1FC30]  }
0x59: {  	[tilespmem:$0x8110] =	vst v1  }
0x5a: {  	v1 =	vld.idx.msk [tilespmem:v19+s6+$0x0], $0xffff;
	_ =	sdelay $0x3  }
0x5b: {  	v21 =	vld [tilespmem:$0x1FC40]  }
0x5c: {  	[tilespmem:$0x8120] =	vst v1  }
0x5d: {  	v1 =	vld.idx.msk [tilespmem:v20+s6+$0x0], $0xffff;
	_ =	sdelay $0x3  }
0x5e: {  	v22 =	vld [tilespmem:$0x1FC50]  }
0x5f: {  	[tilespmem:$0x8130] =	vst v1  }
0x60: {  	v1 =	vld.idx.msk [tilespmem:v21+s6+$0x0], $0xffff;
	_ =	sdelay $0x3  }
0x61: {  	v23 =	vld [tilespmem:$0x1FC60]  }
0x62: {  	[tilespmem:$0x8140] =	vst v1  }
0x63: {  	v1 =	vld.idx.msk [tilespmem:v22+s6+$0x0], $0xffff;
	_ =	sdelay $0x3  }
0x64: {  	v24 =	vld [tilespmem:$0x1FC70]  }
0x65: {  	[tilespmem:$0x8150] =	vst v1  }
0x66: {  	v1 =	vld.idx.msk [tilespmem:v23+s6+$0x0], $0xffff;
	_ =	sdelay $0x3  }
0x67: {  	v25 =	vld [tilespmem:$0x1FC80]  }
0x68: {  	[tilespmem:$0x8160] =	vst v1  }
0x69: {  	v1 =	vld.idx.msk [tilespmem:v24+s6+$0x0], $0xffff;
	_ =	sdelay $0x3  }
0x6a: {  	v26 =	vld [tilespmem:$0x1FC90]  }
0x6b: {  	[tilespmem:$0x8170] =	vst v1  }
0x6c: {  	v1 =	vld.idx.msk [tilespmem:v25+s6+$0x0], $0xffff;
	_ =	sdelay $0x3  }
0x6d: {  	v27 =	vld [tilespmem:$0x1FCA0]  }
0x6e: {  	[tilespmem:$0x8180] =	vst v1  }
0x6f: {  	v1 =	vld.idx.msk [tilespmem:v26+s6+$0x0], $0xffff;
	_ =	sdelay $0x3  }
0x70: {  	v28 =	vld [tilespmem:$0x1FCB0]  }
0x71: {  	[tilespmem:$0x8190] =	vst v1  }
0x72: {  	v1 =	vld.idx.msk [tilespmem:v27+s6+$0x0], $0xffff;
	_ =	sdelay $0x3  }
0x73: {  	v29 =	vld [tilespmem:$0x1FCC0]  }
0x74: {  	[tilespmem:$0x81A0] =	vst v1  }
0x75: {  	v1 =	vld.idx.msk [tilespmem:v28+s6+$0x0], $0xffff;
	_ =	sdelay $0x3  }
0x76: {  	v30 =	vld [tilespmem:$0x1FCD0]  }
0x77: {  	[tilespmem:$0x81B0] =	vst v1  }
0x78: {  	v1 =	vld.idx.msk [tilespmem:v29+s6+$0x0], $0xffff;
	_ =	sdelay $0x3  }
0x79: {  	v31 =	vld [tilespmem:$0x1FCE0]  }
0x7a: {  	[tilespmem:$0x81C0] =	vst v1  }
0x7b: {  	v1 =	vld.idx.msk [tilespmem:v30+s6+$0x0], $0xffff;
	_ =	sdelay $0x3  }
0x7c: {  	v32 =	vld [tilespmem:$0x1FCF0]  }
0x7d: {  	[tilespmem:$0x81D0] =	vst v1  }
0x7e: {  	v1 =	vld.idx.msk [tilespmem:v31+s6+$0x0], $0xffff;
	_ =	sdelay $0x3  }
0x7f: {  	v33 =	vld [tilespmem:$0x1FD00]  }
0x80: {  	[tilespmem:$0x81E0] =	vst v1  }
0x81: {  	v1 =	vld.idx.msk [tilespmem:v32+s6+$0x0], $0xffff;
	_ =	sdelay $0x3  }
0x82: {  	v34 =	vld [tilespmem:$0x1FD10]  }
0x83: {  	[tilespmem:$0x81F0] =	vst v1  }
0x84: {  	v1 =	vld.idx.msk [tilespmem:v33+s6+$0x0], $0xffff;
	_ =	sdelay $0x3  }
0x85: {  	v35 =	vld [tilespmem:$0x1FD20]  }
0x86: {  	[tilespmem:$0x8200] =	vst v1  }
0x87: {  	v1 =	vld.idx.msk [tilespmem:v34+s6+$0x0], $0xffff;
	_ =	sdelay $0x3  }
0x88: {  	v36 =	vld [tilespmem:$0x1FD30]  }
0x89: {  	[tilespmem:$0x8210] =	vst v1  }
0x8a: {  	v1 =	vld.idx.msk [tilespmem:v35+s6+$0x0], $0xffff;
	_ =	sdelay $0x3  }
0x8b: {  	v37 =	vld [tilespmem:$0x1FD40]  }
0x8c: {  	[tilespmem:$0x8220] =	vst v1  }
0x8d: {  	v1 =	vld.idx.msk [tilespmem:v36+s6+$0x0], $0xffff;
	_ =	sdelay $0x3  }
0x8e: {  	v38 =	vld [tilespmem:$0x1FD50]  }
0x8f: {  	[tilespmem:$0x8230] =	vst v1  }
0x90: {  	v1 =	vld.idx.msk [tilespmem:v37+s6+$0x0], $0xffff;
	_ =	sdelay $0x3  }
0x91: {  	v39 =	vld [tilespmem:$0x1FD60]  }
0x92: {  	[tilespmem:$0x8240] =	vst v1  }
0x93: {  	v1 =	vld.idx.msk [tilespmem:v38+s6+$0x0], $0xffff;
	_ =	sdelay $0x3  }
0x94: {  	v40 =	vld [tilespmem:$0x1FD70]  }
0x95: {  	[tilespmem:$0x8250] =	vst v1  }
0x96: {  	v1 =	vld.idx.msk [tilespmem:v39+s6+$0x0], $0xffff;
	_ =	sdelay $0x3  }
0x97: {  	v41 =	vld [tilespmem:$0x1FD80]  }
0x98: {  	[tilespmem:$0x8260] =	vst v1  }
0x99: {  	v1 =	vld.idx.msk [tilespmem:v40+s6+$0x0], $0xffff;
	_ =	sdelay $0x3  }
0x9a: {  	v42 =	vld [tilespmem:$0x1FD90]  }
0x9b: {  	[tilespmem:$0x8270] =	vst v1  }
0x9c: {  	v1 =	vld.idx.msk [tilespmem:v41+s6+$0x0], $0xffff;
	_ =	sdelay $0x3  }
0x9d: {  	v43 =	vld [tilespmem:$0x1FDA0]  }
0x9e: {  	[tilespmem:$0x8280] =	vst v1  }
0x9f: {  	v1 =	vld.idx.msk [tilespmem:v42+s6+$0x0], $0xffff;
	_ =	sdelay $0x3  }
0xa0: {  	v44 =	vld [tilespmem:$0x1FDB0]  }
0xa1: {  	[tilespmem:$0x8290] =	vst v1  }
0xa2: {  	v1 =	vld.idx.msk [tilespmem:v43+s6+$0x0], $0xffff;
	_ =	sdelay $0x3  }
0xa3: {  	v45 =	vld [tilespmem:$0x1FDC0]  }
0xa4: {  	[tilespmem:$0x82A0] =	vst v1  }
0xa5: {  	v1 =	vld.idx.msk [tilespmem:v44+s6+$0x0], $0xffff;
	_ =	sdelay $0x3  }
0xa6: {  	v46 =	vld [tilespmem:$0x1FDD0]  }
0xa7: {  	[tilespmem:$0x82B0] =	vst v1  }
0xa8: {  	v1 =	vld.idx.msk [tilespmem:v45+s6+$0x0], $0xffff;
	_ =	sdelay $0x3  }
0xa9: {  	v47 =	vld [tilespmem:$0x1FDE0]  }
0xaa: {  	[tilespmem:$0x82C0] =	vst v1  }
0xab: {  	v1 =	vld.idx.msk [tilespmem:v46+s6+$0x0], $0xffff;
	_ =	sdelay $0x3  }
0xac: {  	v48 =	vld [tilespmem:$0x1FDF0]  }
0xad: {  	[tilespmem:$0x82D0] =	vst v1  }
0xae: {  	v1 =	vld.idx.msk [tilespmem:v47+s6+$0x0], $0xffff;
	_ =	sdelay $0x3  }
0xaf: {  	v49 =	vld [tilespmem:$0x1FE00]  }
0xb0: {  	[tilespmem:$0x82E0] =	vst v1  }
0xb1: {  	v1 =	vld.idx.msk [tilespmem:v48+s6+$0x0], $0xffff;
	_ =	sdelay $0x3  }
0xb2: {  	v50 =	vld [tilespmem:$0x1FE10]  }
0xb3: {  	[tilespmem:$0x82F0] =	vst v1  }
0xb4: {  	v1 =	vld.idx.msk [tilespmem:v49+s6+$0x0], $0xffff;
	_ =	sdelay $0x3  }
0xb5: {  	v51 =	vld [tilespmem:$0x1FE20]  }
0xb6: {  	[tilespmem:$0x8300] =	vst v1  }
0xb7: {  	v1 =	vld.idx.msk [tilespmem:v50+s6+$0x0], $0xffff;
	_ =	sdelay $0x3  }
0xb8: {  	v52 =	vld [tilespmem:$0x1FE30]  }
0xb9: {  	[tilespmem:$0x8310] =	vst v1  }
0xba: {  	v1 =	vld.idx.msk [tilespmem:v51+s6+$0x0], $0xffff;
	_ =	sdelay $0x3  }
0xbb: {  	v53 =	vld [tilespmem:$0x1FE40]  }
0xbc: {  	[tilespmem:$0x8320] =	vst v1  }
0xbd: {  	v1 =	vld.idx.msk [tilespmem:v52+s6+$0x0], $0xffff;
	_ =	sdelay $0x3  }
0xbe: {  	v54 =	vld [tilespmem:$0x1FE50]  }
0xbf: {  	[tilespmem:$0x8330] =	vst v1  }
0xc0: {  	v1 =	vld.idx.msk [tilespmem:v53+s6+$0x0], $0xffff;
	_ =	sdelay $0x3  }
0xc1: {  	v55 =	vld [tilespmem:$0x1FE60]  }
0xc2: {  	[tilespmem:$0x8340] =	vst v1  }
0xc3: {  	v1 =	vld.idx.msk [tilespmem:v54+s6+$0x0], $0xffff;
	_ =	sdelay $0x3  }
0xc4: {  	v56 =	vld [tilespmem:$0x1FE70]  }
0xc5: {  	[tilespmem:$0x8350] =	vst v1  }
0xc6: {  	v1 =	vld.idx.msk [tilespmem:v55+s6+$0x0], $0xffff;
	_ =	sdelay $0x3  }
0xc7: {  	v57 =	vld [tilespmem:$0x1FE80]  }
0xc8: {  	[tilespmem:$0x8360] =	vst v1  }
0xc9: {  	v1 =	vld.idx.msk [tilespmem:v56+s6+$0x0], $0xffff;
	_ =	sdelay $0x3  }
0xca: {  	v58 =	vld [tilespmem:$0x1FE90]  }
0xcb: {  	[tilespmem:$0x8370] =	vst v1  }
0xcc: {  	v1 =	vld.idx.msk [tilespmem:v57+s6+$0x0], $0xffff;
	_ =	sdelay $0x3  }
0xcd: {  	v59 =	vld [tilespmem:$0x1FEA0]  }
0xce: {  	[tilespmem:$0x8380] =	vst v1  }
0xcf: {  	v1 =	vld.idx.msk [tilespmem:v58+s6+$0x0], $0xffff;
	_ =	sdelay $0x3  }
0xd0: {  	v60 =	vld [tilespmem:$0x1FEB0]  }
0xd1: {  	[tilespmem:$0x8390] =	vst v1  }
0xd2: {  	v1 =	vld.idx.msk [tilespmem:v59+s6+$0x0], $0xffff;
	_ =	sdelay $0x3  }
0xd3: {  	v61 =	vld [tilespmem:$0x1FEC0]  }
0xd4: {  	[tilespmem:$0x83A0] =	vst v1  }
0xd5: {  	v1 =	vld.idx.msk [tilespmem:v60+s6+$0x0], $0xffff;
	_ =	sdelay $0x3  }
0xd6: {  	v62 =	vld [tilespmem:$0x1FED0]  }
0xd7: {  	[tilespmem:$0x83B0] =	vst v1  }
0xd8: {  	v1 =	vld.idx.msk [tilespmem:v61+s6+$0x0], $0xffff;
	_ =	sdelay $0x3  }
0xd9: {  	v63 =	vld [tilespmem:$0x1FEE0]  }
0xda: {  	[tilespmem:$0x83C0] =	vst v1  }
0xdb: {  	v1 =	vld.idx.msk [tilespmem:v62+s6+$0x0], $0xffff;
	_ =	sdelay $0x4  }
0xdc: {  	[tilespmem:$0x83D0] =	vst v1  }
0xdd: {  	v1 =	vld.idx.msk [tilespmem:v63+s6+$0x0], $0xffff;
	_ =	sdelay $0x4  }
0xde: {  	[tilespmem:$0x83E0] =	vst v1;
	v1 =	vld [tilespmem:$0x1FEF0];
	_ =	sdelay $0x7  }
0xdf: {  	v1 =	vld.idx.msk [tilespmem:v1+s6+$0x0], $0xffff;
	_ =	sdelay $0x4  }
0xe0: {  	[tilespmem:$0x83F0] =	vst v1;
	v1 =	vld [tilespmem:$0x1FF00];
	_ =	sdelay $0x7  }
0xe1: {  	v1 =	vld.idx.msk [tilespmem:v1+s6+$0x0], $0xffff;
	_ =	sdelay $0x4  }
0xe2: {  	[tilespmem:$0x8400] =	vst v1;
	v1 =	vld [tilespmem:$0x1FF10];
	_ =	sdelay $0x7  }
0xe3: {  	v1 =	vld.idx.msk [tilespmem:v1+s6+$0x0], $0xffff;
	_ =	sdelay $0x4  }
0xe4: {  	[tilespmem:$0x8410] =	vst v1;
	v1 =	vld [tilespmem:$0x1FF20];
	_ =	sdelay $0x7  }
0xe5: {  	v1 =	vld.idx.msk [tilespmem:v1+s6+$0x0], $0xffff;
	_ =	sdelay $0x4  }
0xe6: {  	[tilespmem:$0x8420] =	vst v1;
	v1 =	vld [tilespmem:$0x1FF30];
	_ =	sdelay $0x7  }
0xe7: {  	v1 =	vld.idx.msk [tilespmem:v1+s6+$0x0], $0xffff;
	_ =	sdelay $0x4  }
0xe8: {  	[tilespmem:$0x8430] =	vst v1;
	v1 =	vld [tilespmem:$0x1FF40];
	_ =	sdelay $0x7  }
0xe9: {  	v1 =	vld.idx.msk [tilespmem:v1+s6+$0x0], $0xffff;
	_ =	sdelay $0x4  }
0xea: {  	[tilespmem:$0x8440] =	vst v1;
	v1 =	vld [tilespmem:$0x1FF50];
	_ =	sdelay $0x7  }
0xeb: {  	v1 =	vld.idx.msk [tilespmem:v1+s6+$0x0], $0xffff;
	_ =	sdelay $0x4  }
0xec: {  	[tilespmem:$0x8450] =	vst v1;
	v1 =	vld [tilespmem:$0x1FF60];
	_ =	sdelay $0x7  }
0xed: {  	v1 =	vld.idx.msk [tilespmem:v1+s6+$0x0], $0xffff;
	_ =	sdelay $0x4  }
0xee: {  	[tilespmem:$0x8460] =	vst v1;
	v1 =	vld [tilespmem:$0x1FF70];
	_ =	sdelay $0x7  }
0xef: {  	v1 =	vld.idx.msk [tilespmem:v1+s6+$0x0], $0xffff;
	_ =	sdelay $0x4  }
0xf0: {  	[tilespmem:$0x8470] =	vst v1;
	v1 =	vld [tilespmem:$0x1FF80];
	_ =	sdelay $0x7  }
0xf1: {  	v1 =	vld.idx.msk [tilespmem:v1+s6+$0x0], $0xffff;
	_ =	sdelay $0x4  }
0xf2: {  	[tilespmem:$0x8480] =	vst v1;
	v1 =	vld [tilespmem:$0x1FF90];
	_ =	sdelay $0x7  }
0xf3: {  	v1 =	vld.idx.msk [tilespmem:v1+s6+$0x0], $0xffff;
	_ =	sdelay $0x4  }
0xf4: {  	[tilespmem:$0x8490] =	vst v1;
	v1 =	vld [tilespmem:$0x1FFA0];
	_ =	sdelay $0x7  }
0xf5: {  	v1 =	vld.idx.msk [tilespmem:v1+s6+$0x0], $0xffff;
	_ =	sdelay $0x4  }
0xf6: {  	[tilespmem:$0x84A0] =	vst v1;
	v1 =	vld [tilespmem:$0x1FFB0];
	_ =	sdelay $0x7  }
0xf7: {  	v1 =	vld.idx.msk [tilespmem:v1+s6+$0x0], $0xffff;
	_ =	sdelay $0x4  }
0xf8: {  	[tilespmem:$0x84B0] =	vst v1;
	v1 =	vld [tilespmem:$0x1FFC0];
	_ =	sdelay $0x7  }
0xf9: {  	v1 =	vld.idx.msk [tilespmem:v1+s6+$0x0], $0xffff;
	_ =	sdelay $0x4  }
0xfa: {  	[tilespmem:$0x84C0] =	vst v1;
	v1 =	vld [tilespmem:$0x1FFD0];
	_ =	sdelay $0x7  }
0xfb: {  	v1 =	vld.idx.msk [tilespmem:v1+s6+$0x0], $0xffff;
	_ =	sdelay $0x4  }
0xfc: {  	[tilespmem:$0x84D0] =	vst v1;
	v1 =	vld [tilespmem:$0x1FFE0];
	_ =	sdelay $0x7  }
0xfd: {  	v1 =	vld.idx.msk [tilespmem:v1+s6+$0x0], $0xffff;
	_ =	sdelay $0x4  }
0xfe: {  	[tilespmem:$0x84E0] =	vst v1;
	v1 =	vld [tilespmem:$0x1FFF0];
	_ =	sdelay $0x7  }
0xff: {  	v2 =	vld.idx.msk [tilespmem:v1+s6+$0x0], $0xffff  }
0x100: {  	v3 =	vor.u32 $0x8, v0;
	_ =	sdelay $0x3  }
0x101: {  	[tilespmem:$0x84F0] =	vst v2  }
0x102: {  	[tilespmem:$0x1FC00] =	vst v3;
	v3 =	vld.idx.msk [tilespmem:v3+s6+$0x0], $0xffff  }
0x103: {  	v2 =	vor.u32 $0x808, v0;
	_ =	sdelay $0x3  }
0x104: {  	[tilespmem:$0x8500] =	vst v3  }
0x105: {  	v4 =	vld.idx.msk [tilespmem:v2+s6+$0x0], $0xffff  }
0x106: {  	v3 =	vor.u32 $0x1008, v0;
	_ =	sdelay $0x3  }
0x107: {  	[tilespmem:$0x8510] =	vst v4  }
0x108: {  	v5 =	vld.idx.msk [tilespmem:v3+s6+$0x0], $0xffff  }
0x109: {  	v4 =	vor.u32 $0x1808, v0;
	_ =	sdelay $0x3  }
0x10a: {  	[tilespmem:$0x8520] =	vst v5  }
0x10b: {  	v6 =	vld.idx.msk [tilespmem:v4+s6+$0x0], $0xffff  }
0x10c: {  	v5 =	vor.u32 $0x2008, v0;
	_ =	sdelay $0x3  }
0x10d: {  	[tilespmem:$0x8530] =	vst v6  }
0x10e: {  	v7 =	vld.idx.msk [tilespmem:v5+s6+$0x0], $0xffff  }
0x10f: {  	v6 =	vor.u32 $0x2808, v0;
	_ =	sdelay $0x3  }
0x110: {  	[tilespmem:$0x8540] =	vst v7  }
0x111: {  	v8 =	vld.idx.msk [tilespmem:v6+s6+$0x0], $0xffff  }
0x112: {  	v7 =	vor.u32 $0x3008, v0;
	_ =	sdelay $0x3  }
0x113: {  	[tilespmem:$0x8550] =	vst v8  }
0x114: {  	v9 =	vld.idx.msk [tilespmem:v7+s6+$0x0], $0xffff  }
0x115: {  	v8 =	vor.u32 $0x3808, v0;
	_ =	sdelay $0x3  }
0x116: {  	[tilespmem:$0x8560] =	vst v9  }
0x117: {  	v10 =	vld.idx.msk [tilespmem:v8+s6+$0x0], $0xffff  }
0x118: {  	v9 =	vor.u32 $0x9, v0;
	_ =	sdelay $0x3  }
0x119: {  	[tilespmem:$0x8570] =	vst v10  }
0x11a: {  	v11 =	vld.idx.msk [tilespmem:v9+s6+$0x0], $0xffff  }
0x11b: {  	v10 =	vor.u32 $0x809, v0;
	_ =	sdelay $0x3  }
0x11c: {  	[tilespmem:$0x8580] =	vst v11  }
0x11d: {  	v12 =	vld.idx.msk [tilespmem:v10+s6+$0x0], $0xffff  }
0x11e: {  	v11 =	vor.u32 $0x1009, v0;
	_ =	sdelay $0x3  }
0x11f: {  	[tilespmem:$0x8590] =	vst v12  }
0x120: {  	v13 =	vld.idx.msk [tilespmem:v11+s6+$0x0], $0xffff  }
0x121: {  	v12 =	vor.u32 $0x1809, v0;
	_ =	sdelay $0x3  }
0x122: {  	[tilespmem:$0x85A0] =	vst v13  }
0x123: {  	v14 =	vld.idx.msk [tilespmem:v12+s6+$0x0], $0xffff  }
0x124: {  	v13 =	vor.u32 $0x2009, v0;
	_ =	sdelay $0x3  }
0x125: {  	[tilespmem:$0x85B0] =	vst v14  }
0x126: {  	v15 =	vld.idx.msk [tilespmem:v13+s6+$0x0], $0xffff  }
0x127: {  	v14 =	vor.u32 $0x2809, v0;
	_ =	sdelay $0x3  }
0x128: {  	[tilespmem:$0x85C0] =	vst v15  }
0x129: {  	v16 =	vld.idx.msk [tilespmem:v14+s6+$0x0], $0xffff  }
0x12a: {  	v15 =	vor.u32 $0x3009, v0;
	_ =	sdelay $0x3  }
0x12b: {  	[tilespmem:$0x85D0] =	vst v16  }
0x12c: {  	v17 =	vld.idx.msk [tilespmem:v15+s6+$0x0], $0xffff  }
0x12d: {  	v16 =	vor.u32 $0x3809, v0;
	_ =	sdelay $0x3  }
0x12e: {  	[tilespmem:$0x85E0] =	vst v17  }
0x12f: {  	v17 =	vld.idx.msk [tilespmem:v16+s6+$0x0], $0xffff;
	_ =	sdelay $0x4  }
0x130: {  	s16 =	rddreg [dreg:$0xc];
	[tilespmem:$0x85F0] =	vst v17  }
0x131: {  	[tilespmem:s12], [sflag:$0x5] =	stream.indirect.gather [hbm4b:s1+s8], $0x80, s16, s8, $0xb8;
	[tilespmem:$0x19100] =	vst v63  }
0x132: {  	_ =	swait.ge [sflag:s13], $0x4000  }
0x133: {  	[sflag:s13] =	ssyncset.done $0x0  }
0x134: {  	[sflag:s13] =	ssyncadd.s32 $0xFFFFC000  }
0x135: {  	v17 =	vld.idx.msk [tilespmem:v0+s7+$0x0], $0xffff;
	_ =	sdelay $0x4  }
0x136: {  	[tilespmem:$0x8900] =	vst v17  }
0x137: {  	v17 =	vld.idx.msk [tilespmem:v18+s7+$0x0], $0xffff;
	_ =	sdelay $0x4  }
0x138: {  	[tilespmem:$0x8910] =	vst v17  }
0x139: {  	v17 =	vld.idx.msk [tilespmem:v19+s7+$0x0], $0xffff;
	_ =	sdelay $0x4  }
0x13a: {  	[tilespmem:$0x8920] =	vst v17  }
0x13b: {  	v17 =	vld.idx.msk [tilespmem:v20+s7+$0x0], $0xffff;
	_ =	sdelay $0x4  }
0x13c: {  	[tilespmem:$0x8930] =	vst v17  }
0x13d: {  	v17 =	vld.idx.msk [tilespmem:v21+s7+$0x0], $0xffff;
	_ =	sdelay $0x4  }
0x13e: {  	[tilespmem:$0x8940] =	vst v17  }
0x13f: {  	v17 =	vld.idx.msk [tilespmem:v22+s7+$0x0], $0xffff;
	_ =	sdelay $0x4  }
0x140: {  	[tilespmem:$0x8950] =	vst v17  }
0x141: {  	v17 =	vld.idx.msk [tilespmem:v23+s7+$0x0], $0xffff;
	_ =	sdelay $0x4  }
0x142: {  	[tilespmem:$0x8960] =	vst v17  }
0x143: {  	v17 =	vld.idx.msk [tilespmem:v24+s7+$0x0], $0xffff;
	_ =	sdelay $0x4  }
0x144: {  	[tilespmem:$0x8970] =	vst v17  }
0x145: {  	v17 =	vld.idx.msk [tilespmem:v25+s7+$0x0], $0xffff;
	_ =	sdelay $0x4  }
0x146: {  	[tilespmem:$0x8980] =	vst v17  }
0x147: {  	v17 =	vld.idx.msk [tilespmem:v26+s7+$0x0], $0xffff;
	_ =	sdelay $0x4  }
0x148: {  	[tilespmem:$0x8990] =	vst v17  }
0x149: {  	v17 =	vld.idx.msk [tilespmem:v27+s7+$0x0], $0xffff;
	_ =	sdelay $0x4  }
0x14a: {  	[tilespmem:$0x89A0] =	vst v17  }
0x14b: {  	v17 =	vld.idx.msk [tilespmem:v28+s7+$0x0], $0xffff;
	_ =	sdelay $0x4  }
0x14c: {  	[tilespmem:$0x89B0] =	vst v17  }
0x14d: {  	v17 =	vld.idx.msk [tilespmem:v29+s7+$0x0], $0xffff;
	_ =	sdelay $0x4  }
0x14e: {  	[tilespmem:$0x89C0] =	vst v17  }
0x14f: {  	v17 =	vld.idx.msk [tilespmem:v30+s7+$0x0], $0xffff;
	_ =	sdelay $0x4  }
0x150: {  	[tilespmem:$0x89D0] =	vst v17  }
0x151: {  	v17 =	vld.idx.msk [tilespmem:v31+s7+$0x0], $0xffff;
	_ =	sdelay $0x4  }
0x152: {  	[tilespmem:$0x89E0] =	vst v17  }
0x153: {  	v17 =	vld.idx.msk [tilespmem:v32+s7+$0x0], $0xffff;
	_ =	sdelay $0x4  }
0x154: {  	[tilespmem:$0x89F0] =	vst v17  }
0x155: {  	v17 =	vld.idx.msk [tilespmem:v33+s7+$0x0], $0xffff;
	_ =	sdelay $0x4  }
0x156: {  	[tilespmem:$0x8A00] =	vst v17  }
0x157: {  	v17 =	vld.idx.msk [tilespmem:v34+s7+$0x0], $0xffff;
	_ =	sdelay $0x4  }
0x158: {  	[tilespmem:$0x8A10] =	vst v17  }
0x159: {  	v17 =	vld.idx.msk [tilespmem:v35+s7+$0x0], $0xffff;
	_ =	sdelay $0x4  }
0x15a: {  	[tilespmem:$0x8A20] =	vst v17  }
0x15b: {  	v17 =	vld.idx.msk [tilespmem:v36+s7+$0x0], $0xffff;
	_ =	sdelay $0x4  }
0x15c: {  	[tilespmem:$0x8A30] =	vst v17  }
0x15d: {  	v17 =	vld.idx.msk [tilespmem:v37+s7+$0x0], $0xffff;
	_ =	sdelay $0x4  }
0x15e: {  	[tilespmem:$0x8A40] =	vst v17  }
0x15f: {  	v17 =	vld.idx.msk [tilespmem:v38+s7+$0x0], $0xffff;
	_ =	sdelay $0x4  }
0x160: {  	[tilespmem:$0x8A50] =	vst v17  }
0x161: {  	v17 =	vld.idx.msk [tilespmem:v39+s7+$0x0], $0xffff;
	_ =	sdelay $0x4  }
0x162: {  	[tilespmem:$0x8A60] =	vst v17  }
0x163: {  	v17 =	vld.idx.msk [tilespmem:v40+s7+$0x0], $0xffff;
	_ =	sdelay $0x4  }
0x164: {  	[tilespmem:$0x8A70] =	vst v17  }
0x165: {  	v17 =	vld.idx.msk [tilespmem:v41+s7+$0x0], $0xffff;
	_ =	sdelay $0x4  }
0x166: {  	[tilespmem:$0x8A80] =	vst v17  }
0x167: {  	v17 =	vld.idx.msk [tilespmem:v42+s7+$0x0], $0xffff;
	_ =	sdelay $0x4  }
0x168: {  	[tilespmem:$0x8A90] =	vst v17  }
0x169: {  	v17 =	vld.idx.msk [tilespmem:v43+s7+$0x0], $0xffff;
	_ =	sdelay $0x4  }
0x16a: {  	[tilespmem:$0x8AA0] =	vst v17  }
0x16b: {  	v17 =	vld.idx.msk [tilespmem:v44+s7+$0x0], $0xffff;
	_ =	sdelay $0x4  }
0x16c: {  	[tilespmem:$0x8AB0] =	vst v17  }
0x16d: {  	v17 =	vld.idx.msk [tilespmem:v45+s7+$0x0], $0xffff;
	_ =	sdelay $0x4  }
0x16e: {  	[tilespmem:$0x8AC0] =	vst v17  }
0x16f: {  	v17 =	vld.idx.msk [tilespmem:v46+s7+$0x0], $0xffff;
	_ =	sdelay $0x4  }
0x170: {  	[tilespmem:$0x8AD0] =	vst v17  }
0x171: {  	v17 =	vld.idx.msk [tilespmem:v47+s7+$0x0], $0xffff;
	_ =	sdelay $0x4  }
0x172: {  	[tilespmem:$0x8AE0] =	vst v17  }
0x173: {  	v17 =	vld.idx.msk [tilespmem:v48+s7+$0x0], $0xffff;
	_ =	sdelay $0x4  }
0x174: {  	[tilespmem:$0x8AF0] =	vst v17  }
0x175: {  	v17 =	vld.idx.msk [tilespmem:v49+s7+$0x0], $0xffff;
	_ =	sdelay $0x4  }
0x176: {  	[tilespmem:$0x8B00] =	vst v17  }
0x177: {  	v17 =	vld.idx.msk [tilespmem:v50+s7+$0x0], $0xffff;
	_ =	sdelay $0x4  }
0x178: {  	[tilespmem:$0x8B10] =	vst v17  }
0x179: {  	v17 =	vld.idx.msk [tilespmem:v51+s7+$0x0], $0xffff;
	_ =	sdelay $0x4  }
0x17a: {  	[tilespmem:$0x8B20] =	vst v17  }
0x17b: {  	v17 =	vld.idx.msk [tilespmem:v52+s7+$0x0], $0xffff;
	_ =	sdelay $0x4  }
0x17c: {  	[tilespmem:$0x8B30] =	vst v17  }
0x17d: {  	v17 =	vld.idx.msk [tilespmem:v53+s7+$0x0], $0xffff;
	_ =	sdelay $0x4  }
0x17e: {  	[tilespmem:$0x8B40] =	vst v17  }
0x17f: {  	v17 =	vld.idx.msk [tilespmem:v54+s7+$0x0], $0xffff;
	_ =	sdelay $0x4  }
0x180: {  	[tilespmem:$0x8B50] =	vst v17  }
0x181: {  	v17 =	vld.idx.msk [tilespmem:v55+s7+$0x0], $0xffff;
	_ =	sdelay $0x4  }
0x182: {  	[tilespmem:$0x8B60] =	vst v17  }
0x183: {  	v17 =	vld.idx.msk [tilespmem:v56+s7+$0x0], $0xffff;
	_ =	sdelay $0x4  }
0x184: {  	[tilespmem:$0x8B70] =	vst v17  }
0x185: {  	v17 =	vld.idx.msk [tilespmem:v57+s7+$0x0], $0xffff;
	_ =	sdelay $0x4  }
0x186: {  	[tilespmem:$0x8B80] =	vst v17  }
0x187: {  	v17 =	vld.idx.msk [tilespmem:v58+s7+$0x0], $0xffff;
	_ =	sdelay $0x4  }
0x188: {  	[tilespmem:$0x8B90] =	vst v17  }
0x189: {  	v17 =	vld.idx.msk [tilespmem:v59+s7+$0x0], $0xffff;
	_ =	sdelay $0x4  }
0x18a: {  	[tilespmem:$0x8BA0] =	vst v17  }
0x18b: {  	v17 =	vld.idx.msk [tilespmem:v60+s7+$0x0], $0xffff;
	_ =	sdelay $0x4  }
0x18c: {  	[tilespmem:$0x8BB0] =	vst v17  }
0x18d: {  	v17 =	vld.idx.msk [tilespmem:v61+s7+$0x0], $0xffff;
	_ =	sdelay $0x4  }
0x18e: {  	[tilespmem:$0x8BC0] =	vst v17  }
0x18f: {  	v17 =	vld.idx.msk [tilespmem:v62+s7+$0x0], $0xffff;
	_ =	sdelay $0x3  }
0x190: {  	v48 =	vld [tilespmem:$0x1FEF0]  }
0x191: {  	[tilespmem:$0x8BD0] =	vst v17  }
0x192: {  	v17 =	vld.idx.msk [tilespmem:v63+s7+$0x0], $0xffff;
	_ =	sdelay $0x3  }
0x193: {  	v49 =	vld [tilespmem:$0x1FF00]  }
0x194: {  	[tilespmem:$0x8BE0] =	vst v17  }
0x195: {  	v17 =	vld.idx.msk [tilespmem:v48+s7+$0x0], $0xffff;
	_ =	sdelay $0x3  }
0x196: {  	v50 =	vld [tilespmem:$0x1FF10]  }
0x197: {  	[tilespmem:$0x8BF0] =	vst v17  }
0x198: {  	v17 =	vld.idx.msk [tilespmem:v49+s7+$0x0], $0xffff;
	_ =	sdelay $0x3  }
0x199: {  	v51 =	vld [tilespmem:$0x1FF20]  }
0x19a: {  	[tilespmem:$0x8C00] =	vst v17  }
0x19b: {  	v17 =	vld.idx.msk [tilespmem:v50+s7+$0x0], $0xffff;
	_ =	sdelay $0x3  }
0x19c: {  	v52 =	vld [tilespmem:$0x1FF30]  }
0x19d: {  	[tilespmem:$0x8C10] =	vst v17  }
0x19e: {  	v17 =	vld.idx.msk [tilespmem:v51+s7+$0x0], $0xffff;
	_ =	sdelay $0x3  }
0x19f: {  	v53 =	vld [tilespmem:$0x1FF40]  }
0x1a0: {  	[tilespmem:$0x8C20] =	vst v17  }
0x1a1: {  	v17 =	vld.idx.msk [tilespmem:v52+s7+$0x0], $0xffff;
	_ =	sdelay $0x3  }
0x1a2: {  	v54 =	vld [tilespmem:$0x1FF50]  }
0x1a3: {  	[tilespmem:$0x8C30] =	vst v17  }
0x1a4: {  	v17 =	vld.idx.msk [tilespmem:v53+s7+$0x0], $0xffff;
	_ =	sdelay $0x3  }
0x1a5: {  	v55 =	vld [tilespmem:$0x1FF60]  }
0x1a6: {  	[tilespmem:$0x8C40] =	vst v17  }
0x1a7: {  	v17 =	vld.idx.msk [tilespmem:v54+s7+$0x0], $0xffff;
	_ =	sdelay $0x3  }
0x1a8: {  	v56 =	vld [tilespmem:$0x1FF70]  }
0x1a9: {  	[tilespmem:$0x8C50] =	vst v17  }
0x1aa: {  	v17 =	vld.idx.msk [tilespmem:v55+s7+$0x0], $0xffff;
	_ =	sdelay $0x3  }
0x1ab: {  	v57 =	vld [tilespmem:$0x1FF80]  }
0x1ac: {  	[tilespmem:$0x8C60] =	vst v17  }
0x1ad: {  	v17 =	vld.idx.msk [tilespmem:v56+s7+$0x0], $0xffff;
	_ =	sdelay $0x3  }
0x1ae: {  	v58 =	vld [tilespmem:$0x1FF90]  }
0x1af: {  	[tilespmem:$0x8C70] =	vst v17  }
0x1b0: {  	v17 =	vld.idx.msk [tilespmem:v57+s7+$0x0], $0xffff;
	_ =	sdelay $0x3  }
0x1b1: {  	v59 =	vld [tilespmem:$0x1FFA0]  }
0x1b2: {  	[tilespmem:$0x8C80] =	vst v17  }
0x1b3: {  	v17 =	vld.idx.msk [tilespmem:v58+s7+$0x0], $0xffff;
	_ =	sdelay $0x3  }
0x1b4: {  	v60 =	vld [tilespmem:$0x1FFB0]  }
0x1b5: {  	[tilespmem:$0x8C90] =	vst v17  }
0x1b6: {  	v17 =	vld.idx.msk [tilespmem:v59+s7+$0x0], $0xffff;
	_ =	sdelay $0x3  }
0x1b7: {  	v61 =	vld [tilespmem:$0x1FFC0]  }
0x1b8: {  	[tilespmem:$0x8CA0] =	vst v17  }
0x1b9: {  	v17 =	vld.idx.msk [tilespmem:v60+s7+$0x0], $0xffff;
	_ =	sdelay $0x3  }
0x1ba: {  	v62 =	vld [tilespmem:$0x1FFD0]  }
0x1bb: {  	[tilespmem:$0x8CB0] =	vst v17  }
0x1bc: {  	v17 =	vld.idx.msk [tilespmem:v61+s7+$0x0], $0xffff;
	_ =	sdelay $0x3  }
0x1bd: {  	v63 =	vld [tilespmem:$0x1FFE0]  }
0x1be: {  	[tilespmem:$0x8CC0] =	vst v17  }
0x1bf: {  	v17 =	vld.idx.msk [tilespmem:v62+s7+$0x0], $0xffff;
	_ =	sdelay $0x4  }
0x1c0: {  	[tilespmem:$0x8CD0] =	vst v17  }
0x1c1: {  	v17 =	vld.idx.msk [tilespmem:v63+s7+$0x0], $0xffff;
	_ =	sdelay $0x4  }
0x1c2: {  	[tilespmem:$0x8CE0] =	vst v17  }
0x1c3: {  	v17 =	vld.idx.msk [tilespmem:v1+s7+$0x0], $0xffff  }
0x1c4: {  	v1 =	vld [tilespmem:$0x1FC00];
	_ =	sdelay $0x6  }
0x1c5: {  	[tilespmem:$0x8CF0] =	vst v17  }
0x1c6: {  	v1 =	vld.idx.msk [tilespmem:v1+s7+$0x0], $0xffff;
	_ =	sdelay $0x4  }
0x1c7: {  	[tilespmem:$0x8D00] =	vst v1  }
0x1c8: {  	v1 =	vld.idx.msk [tilespmem:v2+s7+$0x0], $0xffff;
	_ =	sdelay $0x4  }
0x1c9: {  	[tilespmem:$0x8D10] =	vst v1  }
0x1ca: {  	v1 =	vld.idx.msk [tilespmem:v3+s7+$0x0], $0xffff;
	_ =	sdelay $0x4  }
0x1cb: {  	[tilespmem:$0x8D20] =	vst v1  }
0x1cc: {  	v1 =	vld.idx.msk [tilespmem:v4+s7+$0x0], $0xffff;
	_ =	sdelay $0x4  }
0x1cd: {  	[tilespmem:$0x8D30] =	vst v1  }
0x1ce: {  	v1 =	vld.idx.msk [tilespmem:v5+s7+$0x0], $0xffff;
	_ =	sdelay $0x4  }
0x1cf: {  	[tilespmem:$0x8D40] =	vst v1  }
0x1d0: {  	v1 =	vld.idx.msk [tilespmem:v6+s7+$0x0], $0xffff;
	_ =	sdelay $0x4  }
0x1d1: {  	[tilespmem:$0x8D50] =	vst v1  }
0x1d2: {  	v1 =	vld.idx.msk [tilespmem:v7+s7+$0x0], $0xffff;
	_ =	sdelay $0x4  }
0x1d3: {  	[tilespmem:$0x8D60] =	vst v1  }
0x1d4: {  	v1 =	vld.idx.msk [tilespmem:v8+s7+$0x0], $0xffff;
	_ =	sdelay $0x4  }
0x1d5: {  	[tilespmem:$0x8D70] =	vst v1  }
0x1d6: {  	v1 =	vld.idx.msk [tilespmem:v9+s7+$0x0], $0xffff;
	_ =	sdelay $0x4  }
0x1d7: {  	[tilespmem:$0x8D80] =	vst v1  }
0x1d8: {  	v1 =	vld.idx.msk [tilespmem:v10+s7+$0x0], $0xffff;
	_ =	sdelay $0x4  }
0x1d9: {  	[tilespmem:$0x8D90] =	vst v1  }
0x1da: {  	v1 =	vld.idx.msk [tilespmem:v11+s7+$0x0], $0xffff;
	_ =	sdelay $0x4  }
0x1db: {  	[tilespmem:$0x8DA0] =	vst v1  }
0x1dc: {  	v1 =	vld.idx.msk [tilespmem:v12+s7+$0x0], $0xffff;
	_ =	sdelay $0x4  }
0x1dd: {  	[tilespmem:$0x8DB0] =	vst v1  }
0x1de: {  	v1 =	vld.idx.msk [tilespmem:v13+s7+$0x0], $0xffff;
	_ =	sdelay $0x4  }
0x1df: {  	[tilespmem:$0x8DC0] =	vst v1  }
0x1e0: {  	v1 =	vld.idx.msk [tilespmem:v14+s7+$0x0], $0xffff;
	_ =	sdelay $0x4  }
0x1e1: {  	[tilespmem:$0x8DD0] =	vst v1  }
0x1e2: {  	v1 =	vld.idx.msk [tilespmem:v15+s7+$0x0], $0xffff;
	_ =	sdelay $0x4  }
0x1e3: {  	[tilespmem:$0x8DE0] =	vst v1  }
0x1e4: {  	v1 =	vld.idx.msk [tilespmem:v16+s7+$0x0], $0xffff;
	_ =	sdelay $0x4  }
0x1e5: {  	s16 =	rddreg [dreg:$0xd];
	[tilespmem:$0x8DF0] =	vst v1  }
0x1e6: {  	[tilespmem:s14], [sflag:$0x6] =	stream.indirect.gather [hbm4b:s1+s8], $0x80, s16, s8, $0xb8;
	[tilespmem:$0x19100] =	vst v63  }
0x1e7: {  	_ =	swait.ge [sflag:s15], $0x4000  }
0x1e8: {  	[sflag:s15] =	ssyncset.done $0x0  }
0x1e9: {  	s2 =	rddreg [dreg:$0xe];
	[sflag:s15] =	ssyncadd.s32 $0xFFFFC000  }
0x1ea: {  	[tilespmem:s12], [sflag:$0x7] =	stream.indirect.gather.add.f32 [hbm:s1], $0x80, s2, s8, $0xb8;
	[tilespmem:$0x19100] =	vst v63  }
0x1eb: {  	s16 =	rddreg [dreg:$0xf]  }
0x1ec: {  	[tilespmem:s12], [sflag:$0x7] =	stream.indirect.gather.add.f32 [hbm:s1], $0x80, s16, s8, $0xb8;
	[tilespmem:$0x19100] =	vst v63  }
0x1ed: {  	s2 =	rddreg [dreg:$0x10]  }
0x1ee: {  	[tilespmem:s12], [sflag:$0x7] =	stream.indirect.gather.add.f32 [hbm:s1], $0x80, s2, s8, $0xb8;
	[tilespmem:$0x19100] =	vst v63  }
0x1ef: {  	s16 =	rddreg [dreg:$0x11]  }
0x1f0: {  	[tilespmem:s12], [sflag:$0x7] =	stream.indirect.gather.add.f32 [hbm:s1], $0x80, s16, s8, $0xb8;
	[tilespmem:$0x19100] =	vst v63  }
0x1f1: {  	s2 =	rddreg [dreg:$0x12]  }
0x1f2: {  	[tilespmem:s12], [sflag:$0x7] =	stream.indirect.gather.add.f32 [hbm:s1], $0x80, s2, s8, $0xb8;
	[tilespmem:$0x19100] =	vst v63  }
0x1f3: {  	s16 =	rddreg [dreg:$0x13]  }
0x1f4: {  	[tilespmem:s12], [sflag:$0x7] =	stream.indirect.gather.add.f32 [hbm:s1], $0x80, s16, s8, $0xb8;
	[tilespmem:$0x19100] =	vst v63  }
0x1f5: {  	s2 =	rddreg [dreg:$0x14]  }
0x1f6: {  	[tilespmem:s12], [sflag:$0x7] =	stream.indirect.gather.add.f32 [hbm:s1], $0x80, s2, s8, $0xb8;
	[tilespmem:$0x19100] =	vst v63  }
0x1f7: {  	s16 =	rddreg [dreg:$0x15]  }
0x1f8: {  	[tilespmem:s12], [sflag:$0x7] =	stream.indirect.gather.add.f32 [hbm:s1], $0x80, s16, s8, $0xb8;
	[tilespmem:$0x19100] =	vst v63  }
0x1f9: {  	s16 =	simm.s32 $0x8580  }
0x1fa: {  	[tilespmem:s12], [sflag:$0x7] =	stream.indirect.gather.add.f32 [hbm:s1], $0x80, s16, s8, $0xb8;
	[tilespmem:$0x19100] =	vst v63  }
0x1fb: {  	_ =	swait.ge [sflag:s17], $0x4000  }
0x1fc: {  	[sflag:s17] =	ssyncset.done $0x0  }
0x1fd: {  	[sflag:s17] =	ssyncadd.s32 $0xFFFFC000  }
0x1fe: {  	[tilespmem:s14], [sflag:$0x8] =	stream.indirect.gather.add.f32 [hbm:s1], $0x80, s18, s8, $0xb8;
	[tilespmem:$0x19100] =	vst v63  }
0x1ff: {  	_ = 	snop  }
0x200: {  	[tilespmem:s14], [sflag:$0x8] =	stream.indirect.gather.add.f32 [hbm:s1], $0x80, s19, s8, $0xb8;
	[tilespmem:$0x19100] =	vst v63  }
0x201: {  	_ = 	snop  }
0x202: {  	[tilespmem:s14], [sflag:$0x8] =	stream.indirect.gather.add.f32 [hbm:s1], $0x80, s20, s8, $0xb8;
	[tilespmem:$0x19100] =	vst v63  }
0x203: {  	_ = 	snop  }
0x204: {  	[tilespmem:s14], [sflag:$0x8] =	stream.indirect.gather.add.f32 [hbm:s1], $0x80, s21, s8, $0xb8;
	[tilespmem:$0x19100] =	vst v63  }
0x205: {  	_ = 	snop  }
0x206: {  	[tilespmem:s14], [sflag:$0x8] =	stream.indirect.gather.add.f32 [hbm:s1], $0x80, s22, s8, $0xb8;
	[tilespmem:$0x19100] =	vst v63  }
0x207: {  	_ = 	snop  }
0x208: {  	[tilespmem:s14], [sflag:$0x8] =	stream.indirect.gather.add.f32 [hbm:s1], $0x80, s23, s8, $0xb8;
	[tilespmem:$0x19100] =	vst v63  }
0x209: {  	_ = 	snop  }
0x20a: {  	[tilespmem:s14], [sflag:$0x8] =	stream.indirect.gather.add.f32 [hbm:s1], $0x80, s24, s8, $0xb8;
	[tilespmem:$0x19100] =	vst v63  }
0x20b: {  	_ = 	snop  }
0x20c: {  	[tilespmem:s14], [sflag:$0x8] =	stream.indirect.gather.add.f32 [hbm:s1], $0x80, s25, s8, $0xb8;
	[tilespmem:$0x19100] =	vst v63  }
0x20d: {  	_ = 	snop  }
0x20e: {  	[tilespmem:s14], [sflag:$0x8] =	stream.indirect.gather.add.f32 [hbm:s1], $0x80, s26, s8, $0xb8;
	[tilespmem:$0x19100] =	vst v63  }
0x20f: {  	_ =	swait.ge [sflag:s28], $0x4000  }
0x210: {  	[sflag:s28] =	ssyncset.done $0x0  }
0x211: {  	[sflag:s28] =	ssyncadd.s32 $0xFFFFC000  }
0x212: {  	_ =	swait.ge [sflag:s28], $0x4000  }
0x213: {  	[sflag:s28] =	ssyncset.done $0x0  }
0x214: {  	[sflag:s28] =	ssyncadd.s32 $0xFFFFC000  }
0x215: {  	_ =	swait.ge [sflag:s28], $0x4000  }
0x216: {  	[sflag:s28] =	ssyncset.done $0x0  }
0x217: {  	[sflag:s28] =	ssyncadd.s32 $0xFFFFC000  }
0x218: {  	_ =	swait.ge [sflag:s28], $0x4000  }
0x219: {  	[sflag:s28] =	ssyncset.done $0x0  }
0x21a: {  	[sflag:s28] =	ssyncadd.s32 $0xFFFFC000  }
0x21b: {  	_ =	swait.ge [sflag:s28], $0x4000  }
0x21c: {  	[sflag:s28] =	ssyncset.done $0x0  }
0x21d: {  	[sflag:s28] =	ssyncadd.s32 $0xFFFFC000  }
0x21e: {  	_ =	swait.ge [sflag:s28], $0x4000  }
0x21f: {  	[sflag:s28] =	ssyncset.done $0x0  }
0x220: {  	[sflag:s28] =	ssyncadd.s32 $0xFFFFC000  }
0x221: {  	_ =	swait.ge [sflag:s28], $0x4000  }
0x222: {  	[sflag:s28] =	ssyncset.done $0x0  }
0x223: {  	[sflag:s28] =	ssyncadd.s32 $0xFFFFC000  }
0x224: {  	_ =	swait.ge [sflag:s28], $0x4000  }
0x225: {  	[sflag:s28] =	ssyncset.done $0x0  }
0x226: {  	[sflag:s28] =	ssyncadd.s32 $0xFFFFC000  }
0x227: {  	_ =	swait.ge [sflag:s28], $0x4000  }
0x228: {  	[sflag:s28] =	ssyncset.done $0x0  }
0x229: {  	[sflag:s28] =	ssyncadd.s32 $0xFFFFC000  }
0x22a: {  	_ =	swait.ge [sflag:s29], $0x4000  }
0x22b: {  	[sflag:s29] =	ssyncset.done $0x0  }
0x22c: {  	s2 =	rddreg [dreg:$0x8];
	[sflag:s29] =	ssyncadd.s32 $0xFFFFC000  }
0x22d: {  	[hbm4b:s2+s3] =	stream.linear.scatter [tilespmem:s9], [sflag:$0x9], $0x4000, $0x38;
	[tilespmem:$0x19100] =	vst v63  }
0x22e: {  	s16 =	rddreg [dreg:$0x9]  }
0x22f: {  	[hbm4b:s16+s3] =	stream.linear.scatter [tilespmem:s12], [sflag:$0x9], $0x4000, $0x38;
	[tilespmem:$0x19100] =	vst v63  }
0x230: {  	_ =	swait.ge [sflag:s30], $0x4000  }
0x231: {  	[sflag:s30] =	ssyncset.done $0x0  }
0x232: {  	[sflag:s30] =	ssyncadd.s32 $0xFFFFC000  }
0x233: {  	_ =	swait.ge [sflag:s30], $0x4000  }
0x234: {  	[sflag:s30] =	ssyncset.done $0x0  }
0x235: {  	[sflag:s30] =	ssyncadd.s32 $0xFFFFC000  }
0x236: {  	_ =	swait.ge [sflag:s30], $0x4000  }
0x237: {  	[sflag:s30] =	ssyncset.done $0x0  }
0x238: {  	[sflag:s30] =	ssyncadd.s32 $0xFFFFC000  }
0x239: {  	_ =	swait.ge [sflag:s30], $0x4000  }
0x23a: {  	[sflag:s30] =	ssyncset.done $0x0  }
0x23b: {  	[sflag:s30] =	ssyncadd.s32 $0xFFFFC000  }
0x23c: {  	_ =	swait.ge [sflag:s30], $0x4000  }
0x23d: {  	[sflag:s30] =	ssyncset.done $0x0  }
0x23e: {  	[sflag:s30] =	ssyncadd.s32 $0xFFFFC000  }
0x23f: {  	_ =	swait.ge [sflag:s30], $0x4000  }
0x240: {  	[sflag:s30] =	ssyncset.done $0x0  }
0x241: {  	[sflag:s30] =	ssyncadd.s32 $0xFFFFC000  }
0x242: {  	_ =	swait.ge [sflag:s30], $0x4000  }
0x243: {  	[sflag:s30] =	ssyncset.done $0x0  }
0x244: {  	[sflag:s30] =	ssyncadd.s32 $0xFFFFC000  }
0x245: {  	_ =	swait.ge [sflag:s30], $0x4000  }
0x246: {  	[sflag:s30] =	ssyncset.done $0x0  }
0x247: {  	[sflag:s30] =	ssyncadd.s32 $0xFFFFC000  }
0x248: {  	_ =	swait.ge [sflag:s30], $0x4000  }
0x249: {  	[sflag:s30] =	ssyncset.done $0x0  }
0x24a: {  	[sflag:s30] =	ssyncadd.s32 $0xFFFFC000  }
0x24b: {  	_ =	swait.ge [sflag:s31], $0x4000  }
0x24c: {  	[sflag:s31] =	ssyncset.done $0x0  }
0x24d: {  	s2 =	rddreg [dreg:$0xa];
	[sflag:s31] =	ssyncadd.s32 $0xFFFFC000  }
0x24e: {  	[hbm4b:s2+s3] =	stream.linear.scatter [tilespmem:s10], [sflag:$0x9], $0x4000, $0x38;
	[tilespmem:$0x19100] =	vst v63  }
0x24f: {  	s16 =	rddreg [dreg:$0xb]  }
0x250: {  	[hbm4b:s16+s3] =	stream.linear.scatter [tilespmem:s14], [sflag:$0x9], $0x4000, $0x38;
	[tilespmem:$0x19100] =	vst v63  }
0x251: {  	_ =	swait.ge [sflag:s0], $0x4000  }
0x252: {  	[sflag:s0] =	ssyncset.done $0x0  }
0x253: {  	[sflag:s0] =	ssyncadd.s32 $0xFFFFC000  }
0x254: {  	_ =	swait.ge [sflag:s0], $0x4000  }
0x255: {  	[sflag:s0] =	ssyncset.done $0x0  }
0x256: {  	[sflag:s0] =	ssyncadd.s32 $0xFFFFC000  }
0x257: {  	p0 =	sne.s32 s4, $0x1;
	_ =	swait.ge [sflag:s0], $0x4000  }
.Ltmp0:
0x258: {  	[sflag:s0] =	ssyncset.done $0x0;
	(pc) =	sbr.rel @p0 .LBB2_1-.Ltmp0, $4  }
0x259: {  	[sflag:s0] =	ssyncadd.s32 $0xFFFFC000  }
0x25a: {  	_ =	swait.ge [sflag:s0], $0x4000  }
0x25b: {  	[sflag:s0] =	ssyncset.done $0x0  }
0x25c: {  	s4 =	sadd.s32 $0xFFFFFFFF, s4;
	[sflag:s0] =	ssyncadd.s32 $0xFFFFC000  }
0x25d: {  	_ =	sfence.sel $0x180000  }
0x25e: {  	[bflag:$0x0] =	sbarrier.arrive $0xFFFF  }
0x25f: {  	_ =	strace $0x9000004A  }
0x260: {  	s0 =	stileid.u32;
	[bflag:$0x2] =	sbarrier.arrive $0xFFFF  }
0x261: {  	p0 =	sne.s32 s0, $0x0;
	s0 =	rddreg [dreg:$0x4]  }
0x262: {  	s0 =	sadd.s32 @!p0 $0x100000, s0  }
0x263: {  	[sflag:s0] =	ssyncadd.tile.s32 @!p0 $0x1;
	_ =	shalt  }
.Lfunc_end2:
_tile_overlayer_lowered:
.L_overlay_start_2:
0x264: {  	(tag) =	ssettag $0x2  }
0x265: {  	s0 =	rddreg [dreg:$0x0];
	s2 =	stileid.u32  }
0x266: {  	s1 =	rddreg [dreg:$0x1];
	p0 =	sne.s32 s2, $0x0  }
0x267: {  	s3 =	rddreg [dreg:$0x2];
	[bflag:$0x3] =	sbarrier.arrive $0xFFFF;
	s2 =	simm.s32 @!p0 $0x1C0A  }
0x268: {  	[timem:s3], [sflag:s2] =	dma.local @!p0 [hbm:s0], s1  }
0x269: {  	s0 =	simm.s32 @!p0 $0xA  }
0x26a: {  	_ =	swait.ge @!p0 [sflag:s0], s1  }
0x26b: {  	s1 =	ssub.s32 @!p0 $0x0, s1;
	[sflag:s0] =	ssyncset.done @!p0 $0x0  }
0x26c: {  	[sflag:s0] =	ssyncadd.s32 @!p0 s1  }
0x26d: {  	[bflag:$0x3] =	sbarrier.arrive $0xFFFF  }
0x26e: {  	_ =	shalt  }

</sc_bundles>
